<compile_context>
chip_gen: v7x
topology: tpu7x:2x2x1
jax: 0.10.2.dev20260603
libtpu: 0.0.44.dev20260713+nightly
codegen_flags: <defaults>
</compile_context>

<pallas_src>
import functools

import jax
import jax.numpy as jnp
from jax import lax
from jax.experimental import pallas as pl
from jax.experimental.pallas import tpu as pltpu
from jax.experimental.pallas import tpu_sc as plsc

_B = 16384
_L = 50
_H = 64
_BLK = 1024



_IDX_CHUNK = 128


def _sc_count_gather(table16, idx_f, idx_r):
    info = plsc.get_sparse_core_info()
    nw = info.num_cores * info.num_subcores
    bpw = _B // nw
    nchunk = bpw // _IDX_CHUNK
    mesh = plsc.VectorSubcoreMesh(core_axis_name="c", subcore_axis_name="s")

    @functools.partial(
        pl.kernel,
        mesh=mesh,
        compiler_params=pltpu.CompilerParams(use_tc_tiling_on_sc=False),
        out_type=[
            jax.ShapeDtypeStruct((_B, 16), jnp.float32),
            jax.ShapeDtypeStruct((_B, 16), jnp.float32),
        ],
        scratch_types=[
            pltpu.VMEM((nchunk, _IDX_CHUNK), jnp.int32),
            pltpu.VMEM((bpw, 16), jnp.float32),
            pltpu.VMEM((nchunk, _IDX_CHUNK), jnp.int32),
            pltpu.VMEM((bpw, 16), jnp.float32),
            pltpu.SemaphoreType.DMA,
            pltpu.SemaphoreType.DMA,
        ],
    )
    def gather_kernel(table_hbm, if_hbm, ir_hbm, of_hbm, or_hbm,
                      if_v, rf_v, ir_v, rr_v, sem_f, sem_r):
        wid = lax.axis_index("s") * info.num_cores + lax.axis_index("c")
        row0 = wid * bpw
        pltpu.sync_copy(if_hbm.at[pl.ds(wid * nchunk, nchunk)], if_v)
        pltpu.sync_copy(ir_hbm.at[pl.ds(wid * nchunk, nchunk)], ir_v)
        copies = []
        for j in range(nchunk):
            copies.append(pltpu.async_copy(
                table_hbm.at[if_v.at[j]],
                rf_v.at[pl.ds(j * _IDX_CHUNK, _IDX_CHUNK)], sem_f))
            copies.append(pltpu.async_copy(
                table_hbm.at[ir_v.at[j]],
                rr_v.at[pl.ds(j * _IDX_CHUNK, _IDX_CHUNK)], sem_r))
        for cp in copies:
            cp.wait()
        pltpu.sync_copy(rf_v, of_hbm.at[pl.ds(row0, bpw)])
        pltpu.sync_copy(rr_v, or_hbm.at[pl.ds(row0, bpw)])

    idx_f2 = idx_f.astype(jnp.int32).reshape(_B // _IDX_CHUNK, _IDX_CHUNK)
    idx_r2 = idx_r.astype(jnp.int32).reshape(_B // _IDX_CHUNK, _IDX_CHUNK)
    return gather_kernel(table16, idx_f2, idx_r2)



def _sigm(x):
    return 0.5 + 0.5 * jnp.tanh(0.5 * x)


def _tc_body(seqf_ref, seqt_ref, ints_ref, cf_ref, cr_ref, w_ih_pad_ref,
             base_t_ref, b_ih_ref, b_hh_ref, w_hh_ref, gidx_t_ref, w_red_ref,
             b_red_ref, out_ref):
    f32 = jnp.float32
    scale = jnp.where(
        (lax.broadcasted_iota(jnp.int32, (256, 1), 0) >= 2 * _H)
        & (lax.broadcasted_iota(jnp.int32, (256, 1), 0) < 3 * _H), 1.0, 0.5)
    col7 = lax.broadcasted_iota(jnp.int32, (1, 8), 1) == 7
    wih = jnp.where(col7, b_ih_ref[...] + b_hh_ref[...], w_ih_pad_ref[...])
    bf16 = jnp.bfloat16
    wm = jnp.concatenate([wih * scale, w_hh_ref[...] * scale],
                         axis=1).astype(bf16)
    base_t = base_t_ref[...]

    n2 = 2 * _BLK
    seqf = seqf_ref[...]
    seqt = seqt_ref[...]
    ht = jnp.zeros((_H, n2), dtype=bf16)
    ct = jnp.zeros((_H, n2), dtype=bf16)
    half = jnp.bfloat16(0.5)
    for t in range(_L):
        row = jnp.concatenate([seqf[t:t + 1], seqt[t:t + 1]],
                              axis=1)
        emb = jnp.take_along_axis(
            base_t, jnp.broadcast_to(row, (8, n2)), axis=1)
        xh = jnp.concatenate([emb.astype(bf16), ht], axis=0)
        gates = jnp.dot(wm, xh,
                        preferred_element_type=f32).astype(bf16)
        i_g = half + half * jnp.tanh(gates[0:_H])
        f_g = half + half * jnp.tanh(gates[_H:2 * _H])
        g_g = jnp.tanh(gates[2 * _H:3 * _H])
        o_g = half + half * jnp.tanh(gates[3 * _H:4 * _H])
        ct = f_g * ct + i_g * g_g
        ht = o_g * jnp.tanh(ct)
    hts = [ht[:, 0:_BLK].astype(f32), ht[:, _BLK:n2].astype(f32)]

    w_red = w_red_ref[...]
    acc = jnp.dot(w_red[:, 8:72], hts[0], preferred_element_type=f32)
    acc += jnp.dot(w_red[:, 72:136], hts[1], preferred_element_type=f32)

    ggt = jnp.dot(w_red[:, 0:8], gidx_t_ref[...], preferred_element_type=f32)
    ohg = (ints_ref[0:1] == lax.broadcasted_iota(jnp.int32, (16, _BLK), 0)
           ).astype(f32)
    acc += jnp.dot(ggt, ohg, preferred_element_type=f32)

    bf = ints_ref[1:4].astype(f32)
    zeros2 = jnp.zeros((2, _BLK), dtype=f32)
    mbt = jnp.concatenate(
        [zeros2, bf[0:1], 1.0 - bf[0:1], bf[1:2], 1.0 - bf[1:2],
         bf[2:3], 1.0 - bf[2:3]], axis=0)
    acc += jnp.dot(w_red[:, 0:8], mbt, preferred_element_type=f32)

    dn = (((1,), (1,)), ((), ()))
    acc += lax.dot_general(w_red[:, 136:152], cf_ref[...], dn,
                           preferred_element_type=f32)
    acc += lax.dot_general(w_red[:, 141:157], cr_ref[...], dn,
                           preferred_element_type=f32)

    acc += b_red_ref[...]
    out_ref[...] = jnp.maximum(acc, 0.0)


_TC_SPEC_KWARGS = dict(
    grid=(_B // _BLK,),
    in_specs=[
        pl.BlockSpec((_L, _BLK), lambda i: (0, i)),
        pl.BlockSpec((_L, _BLK), lambda i: (0, i)),
        pl.BlockSpec((8, _BLK), lambda i: (0, i)),
        pl.BlockSpec((_BLK, 16), lambda i: (i, 0)),
        pl.BlockSpec((_BLK, 16), lambda i: (i, 0)),
        pl.BlockSpec((256, 8), lambda i: (0, 0)),
        pl.BlockSpec((8, 128), lambda i: (0, 0)),
        pl.BlockSpec((256, 1), lambda i: (0, 0)),
        pl.BlockSpec((256, 1), lambda i: (0, 0)),
        pl.BlockSpec((256, 64), lambda i: (0, 0)),
        pl.BlockSpec((8, 16), lambda i: (0, 0)),
        pl.BlockSpec((64, 160), lambda i: (0, 0)),
        pl.BlockSpec((64, 1), lambda i: (0, 0)),
    ],
    out_specs=pl.BlockSpec((64, _BLK), lambda i: (0, i)),
    out_shape=jax.ShapeDtypeStruct((64, _B), jnp.float32),
)


def kernel(gobyGenotypeIndex, isCalled, isIndel, matchesReference,
           fromSequence, toSequence, genotypeCountForwardStrand,
           genotypeCountReverseStrand, base_emb, gidx_emb, count_emb,
           W_ih, W_hh, b_ih, b_hh, W_red, b_red):
    i32 = jnp.int32
    f32 = jnp.float32

    count16 = jnp.pad(count_emb.astype(f32), ((0, 0), (0, 11)))
    cf16, cr16 = _sc_count_gather(count16, genotypeCountForwardStrand,
                                  genotypeCountReverseStrand)

    ints = jnp.concatenate(
        [gobyGenotypeIndex.astype(i32)[None, :],
         isCalled.astype(i32)[None, :], isIndel.astype(i32)[None, :],
         matchesReference.astype(i32)[None, :],
         jnp.zeros((4, _B), dtype=i32)], axis=0)
    w_ih_pad = jnp.pad(W_ih.astype(f32), ((0, 0), (0, 2)))
    base_t = jnp.concatenate(
        [jnp.pad(base_emb.astype(f32).T, ((0, 1), (0, 43))),
         jnp.ones((1, 128), dtype=f32)], axis=0)
    gidx_t = jnp.pad(gidx_emb.astype(f32).T, ((0, 6), (0, 6)))
    w_red_pad = jnp.pad(W_red.astype(f32), ((0, 0), (0, 14)))

    out_t = pl.pallas_call(_tc_body, **_TC_SPEC_KWARGS)(
        fromSequence.astype(i32).T, toSequence.astype(i32).T, ints, cf16, cr16,
        w_ih_pad, base_t,
        b_ih.astype(f32)[:, None], b_hh.astype(f32)[:, None],
        W_hh.astype(f32), gidx_t, w_red_pad, b_red.astype(f32)[:, None])
    return out_t.T

# --- scband reference (transcript-rebuilt; emitter-appended) ---
"""Pipeline reference for scband-map-count-info-36532991820643 (READ-ONLY COPY).

The authoritative reference and input builder live on the scoring server;
editing this copy changes nothing except your own understanding.
"""

import jax, jax.numpy as jnp
import numpy as np

B = 16384
L = 50
BASE_VOCAB = 85
MAPPED_BASE_DIM = 6
HIDDEN = 64
COUNT_VOCAB = 100000
MAPPED_COUNT_DIM = 5
GIDX_VOCAB = 10
GIDX_DIM = 2
COUNT_DIM = 64
CAT_DIM = GIDX_DIM + 2 + 2 + 2 + HIDDEN + HIDDEN + MAPPED_COUNT_DIM + MAPPED_COUNT_DIM  # 146


def setup_inputs(seed: int = 0) -> dict:
    key = jax.random.key(seed)
    ks = jax.random.split(key, 16)
    inp = {}
    inp['gobyGenotypeIndex'] = jax.random.randint(ks[0], (B,), 0, GIDX_VOCAB)
    inp['isCalled'] = jax.random.randint(ks[1], (B,), 0, 2)
    inp['isIndel'] = jax.random.randint(ks[2], (B,), 0, 2)
    inp['matchesReference'] = jax.random.randint(ks[3], (B,), 0, 2)
    inp['fromSequence'] = jax.random.randint(ks[4], (B, L), 0, BASE_VOCAB)
    inp['toSequence'] = jax.random.randint(ks[5], (B, L), 0, BASE_VOCAB)
    inp['genotypeCountForwardStrand'] = jax.random.randint(ks[6], (B,), 0, COUNT_VOCAB)
    inp['genotypeCountReverseStrand'] = jax.random.randint(ks[7], (B,), 0, COUNT_VOCAB)
    # learned parameters
    inp['base_emb'] = 0.1 * jax.random.normal(ks[8], (BASE_VOCAB, MAPPED_BASE_DIM), dtype=jnp.float32)
    inp['gidx_emb'] = 0.1 * jax.random.normal(ks[9], (GIDX_VOCAB, GIDX_DIM), dtype=jnp.float32)
    inp['count_emb'] = 0.1 * jax.random.normal(ks[10], (COUNT_VOCAB, MAPPED_COUNT_DIM), dtype=jnp.float32)
    inp['W_ih'] = 0.1 * jax.random.normal(ks[11], (4 * HIDDEN, MAPPED_BASE_DIM), dtype=jnp.float32)
    inp['W_hh'] = 0.1 * jax.random.normal(ks[12], (4 * HIDDEN, HIDDEN), dtype=jnp.float32)
    inp['b_ih'] = jnp.zeros((4 * HIDDEN,), dtype=jnp.float32)
    inp['b_hh'] = jnp.zeros((4 * HIDDEN,), dtype=jnp.float32)
    inp['W_red'] = 0.1 * jax.random.normal(ks[13], (COUNT_DIM, CAT_DIM), dtype=jnp.float32)
    inp['b_red'] = jnp.zeros((COUNT_DIM,), dtype=jnp.float32)
    return inp


def _lstm_last(seq, W_ih, W_hh, b_ih, b_hh):
    # PyTorch LSTM, batch_first; gate order i, f, g, o. Returns output at last timestep.
    Bb = seq.shape[0]
    H = W_hh.shape[1]
    h0 = jnp.zeros((Bb, H), dtype=seq.dtype)
    c0 = jnp.zeros((Bb, H), dtype=seq.dtype)

    def step(carry, x_t):
        h, c = carry
        gates = x_t @ W_ih.T + h @ W_hh.T + b_ih + b_hh
        i, f, g, o = jnp.split(gates, 4, axis=-1)
        i = jax.nn.sigmoid(i)
        f = jax.nn.sigmoid(f)
        g = jnp.tanh(g)
        o = jax.nn.sigmoid(o)
        c_new = f * c + i * g
        h_new = o * jnp.tanh(c_new)
        return (h_new, c_new), None

    (h_last, _), _ = jax.lax.scan(step, (h0, c0), jnp.swapaxes(seq, 0, 1))
    return h_last


def _map_boolean(b):
    bf = b.astype(jnp.float32)
    return jnp.stack([bf, 1.0 - bf], axis=1)


def reference(gobyGenotypeIndex, isCalled, isIndel, matchesReference, fromSequence, toSequence,
              genotypeCountForwardStrand, genotypeCountReverseStrand,
              base_emb, gidx_emb, count_emb, W_ih, W_hh, b_ih, b_hh, W_red, b_red):
    mapped_gidx = jnp.take(gidx_emb, gobyGenotypeIndex, axis=0)
    mapped_isCalled = _map_boolean(isCalled)
    mapped_isIndel = _map_boolean(isIndel)
    mapped_matchesReference = _map_boolean(matchesReference)
    from_base = jnp.take(base_emb, fromSequence, axis=0)
    to_base = jnp.take(base_emb, toSequence, axis=0)
    mapped_from = _lstm_last(from_base, W_ih, W_hh, b_ih, b_hh)
    mapped_to = _lstm_last(to_base, W_ih, W_hh, b_ih, b_hh)
    mapped_cf = jnp.take(count_emb, genotypeCountForwardStrand, axis=0)
    mapped_cr = jnp.take(count_emb, genotypeCountReverseStrand, axis=0)
    cat = jnp.concatenate([mapped_gidx, mapped_isCalled, mapped_isIndel, mapped_matchesReference,
                           mapped_from, mapped_to, mapped_cf, mapped_cr], axis=1)
    return jax.nn.relu(cat @ W_red.T + b_red)

if __name__ == "__main__":
    import jax
    _d = setup_inputs()
    print(jax.jit(kernel)(*tuple(_d.values())))

</pallas_src>

<mosaic_0001>
#map = affine_map<(d0, d1) -> (0, 0)>
module attributes {stable_mosaic.version = 14 : i64} {
  func.func @gather_kernel(%arg0: i32, %arg1: i32, %arg2: memref<100000x16xf32, #tpu.memory_space<hbm>>, %arg3: memref<128x128xi32, #tpu.memory_space<hbm>>, %arg4: memref<128x128xi32, #tpu.memory_space<hbm>>, %arg5: memref<16384x16xf32, #tpu.memory_space<hbm>>, %arg6: memref<16384x16xf32, #tpu.memory_space<hbm>>, %arg7: memref<4x128xi32, #tpu.memory_space<vmem>>, %arg8: memref<512x16xf32, #tpu.memory_space<vmem>>, %arg9: memref<4x128xi32, #tpu.memory_space<vmem>>, %arg10: memref<512x16xf32, #tpu.memory_space<vmem>>, %arg11: memref<!tpu.dma_semaphore, #tpu.memory_space<semaphore_mem>>, %arg12: memref<!tpu.dma_semaphore, #tpu.memory_space<semaphore_mem>>) attributes {dimension_semantics = [#tpu.dimension_semantics<core_parallel>, #tpu.dimension_semantics<subcore_parallel>], iteration_bounds = array<i64: 2, 16>, scalar_prefetch = 0 : i64, scratch_operands = 6 : i64, tpu.core_type = #tpu.core_type<sc_vector_subcore>, window_params = [{transform_indices = #map}, {transform_indices = #map}, {transform_indices = #map}, {transform_indices = #map}, {transform_indices = #map}]} {
    %mul3A = arith.constant 2 : i32
    %mul3A_0 = arith.muli %arg1, %mul3A : i32
    %add3A = arith.addi %mul3A_0, %arg0 : i32
    %mul3A_1 = arith.constant 512 : i32
    %mul3A_2 = arith.muli %add3A, %mul3A_1 : i32
    %mul3A_3 = arith.constant 4 : i32
    %mul3A_4 = arith.muli %add3A, %mul3A_3 : i32
    "tpu.region"() ({
      %run_scoped3A = tpu.sem_alloc : memref<!tpu.dma_semaphore, #tpu.memory_space<semaphore_mem>>
      %dma_start3A_165 = arith.constant 0 : i32
      %dma_start3A_166 = tpu.memref_slice %arg3[%mul3A_4, %dma_start3A_165] : memref<128x128xi32, #tpu.memory_space<hbm>> -> memref<4x128xi32, #tpu.memory_space<hbm>>
      %dma_start3A_167 = arith.constant 0 : i32
      %dma_start3A_168 = tpu.memref_slice %arg3[%mul3A_4, %dma_start3A_167] : memref<128x128xi32, #tpu.memory_space<hbm>> -> memref<4x128xi32, #tpu.memory_space<hbm>>
      tpu.enqueue_dma source(%dma_start3A_168 : memref<4x128xi32, #tpu.memory_space<hbm>>) target(%arg7 : memref<4x128xi32, #tpu.memory_space<vmem>>) target_semaphore(%run_scoped3A : memref<!tpu.dma_semaphore, #tpu.memory_space<semaphore_mem>>)
      %dma_wait3A_169 = arith.constant 0 : i32
      %dma_wait3A_170 = tpu.memref_slice %arg3[%mul3A_4, %dma_wait3A_169] : memref<128x128xi32, #tpu.memory_space<hbm>> -> memref<4x128xi32, #tpu.memory_space<hbm>>
      %dma_wait3A_171 = arith.constant 0 : i32
      %dma_wait3A_172 = tpu.memref_slice %arg3[%mul3A_4, %dma_wait3A_171] : memref<128x128xi32, #tpu.memory_space<hbm>> -> memref<4x128xi32, #tpu.memory_space<hbm>>
      tpu.wait_dma2 semaphore(%run_scoped3A : memref<!tpu.dma_semaphore, #tpu.memory_space<semaphore_mem>>) src(%dma_wait3A_172 : memref<4x128xi32, #tpu.memory_space<hbm>>) dst(%arg7 : memref<4x128xi32, #tpu.memory_space<vmem>>)
      tpu.yield
    }) : () -> ()
    %mul3A_5 = arith.constant 4 : i32
    %mul3A_6 = arith.muli %add3A, %mul3A_5 : i32
    "tpu.region"() ({
      %run_scoped3A = tpu.sem_alloc : memref<!tpu.dma_semaphore, #tpu.memory_space<semaphore_mem>>
      %dma_start3A_165 = arith.constant 0 : i32
      %dma_start3A_166 = tpu.memref_slice %arg4[%mul3A_6, %dma_start3A_165] : memref<128x128xi32, #tpu.memory_space<hbm>> -> memref<4x128xi32, #tpu.memory_space<hbm>>
      %dma_start3A_167 = arith.constant 0 : i32
      %dma_start3A_168 = tpu.memref_slice %arg4[%mul3A_6, %dma_start3A_167] : memref<128x128xi32, #tpu.memory_space<hbm>> -> memref<4x128xi32, #tpu.memory_space<hbm>>
      tpu.enqueue_dma source(%dma_start3A_168 : memref<4x128xi32, #tpu.memory_space<hbm>>) target(%arg9 : memref<4x128xi32, #tpu.memory_space<vmem>>) target_semaphore(%run_scoped3A : memref<!tpu.dma_semaphore, #tpu.memory_space<semaphore_mem>>)
      %dma_wait3A_169 = arith.constant 0 : i32
      %dma_wait3A_170 = tpu.memref_slice %arg4[%mul3A_6, %dma_wait3A_169] : memref<128x128xi32, #tpu.memory_space<hbm>> -> memref<4x128xi32, #tpu.memory_space<hbm>>
      %dma_wait3A_171 = arith.constant 0 : i32
      %dma_wait3A_172 = tpu.memref_slice %arg4[%mul3A_6, %dma_wait3A_171] : memref<128x128xi32, #tpu.memory_space<hbm>> -> memref<4x128xi32, #tpu.memory_space<hbm>>
      tpu.wait_dma2 semaphore(%run_scoped3A : memref<!tpu.dma_semaphore, #tpu.memory_space<semaphore_mem>>) src(%dma_wait3A_172 : memref<4x128xi32, #tpu.memory_space<hbm>>) dst(%arg9 : memref<4x128xi32, #tpu.memory_space<vmem>>)
      tpu.yield
    }) : () -> ()
    %dma_start3A = arith.constant 0 : i32
    %dma_start3A_7 = arith.constant 0 : i32
    %dma_start3A_8 = arith.constant 0 : i32
    %dma_start3A_9 = tpu.memref_slice %arg8[%dma_start3A_7, %dma_start3A_8] : memref<512x16xf32, #tpu.memory_space<vmem>> -> memref<128x16xf32, #tpu.memory_space<vmem>>
    %dma_start3A_10 = arith.constant 0 : i32
    %dma_start3A_11 = tpu.memref_slice %arg7[%dma_start3A, %dma_start3A_10] : memref<4x128xi32, #tpu.memory_space<vmem>> -> memref<1x128xi32, #tpu.memory_space<vmem>>
    %dma_start3A_12 = tpu.memref_squeeze %dma_start3A_11 : memref<1x128xi32, #tpu.memory_space<vmem>> -> memref<128xi32, #tpu.memory_space<vmem>>
    %dma_start3A_13 = arith.constant 0 : i32
    %dma_start3A_14 = arith.constant 0 : i32
    %dma_start3A_15 = tpu.memref_slice %arg2[%dma_start3A_13, %dma_start3A_14] : memref<100000x16xf32, #tpu.memory_space<hbm>> -> memref<100000x16xf32, #tpu.memory_space<hbm>>
    tpu.enqueue_indirect_dma source(%dma_start3A_15 : memref<100000x16xf32, #tpu.memory_space<hbm>>) target(%dma_start3A_9 : memref<128x16xf32, #tpu.memory_space<vmem>>) offsets(%dma_start3A_12 : memref<128xi32, #tpu.memory_space<vmem>>) semaphore(%arg11 : memref<!tpu.dma_semaphore, #tpu.memory_space<semaphore_mem>>)
    %dma_start3A_16 = arith.constant 0 : i32
    %dma_start3A_17 = arith.constant 0 : i32
    %dma_start3A_18 = arith.constant 0 : i32
    %dma_start3A_19 = tpu.memref_slice %arg10[%dma_start3A_17, %dma_start3A_18] : memref<512x16xf32, #tpu.memory_space<vmem>> -> memref<128x16xf32, #tpu.memory_space<vmem>>
    %dma_start3A_20 = arith.constant 0 : i32
    %dma_start3A_21 = tpu.memref_slice %arg9[%dma_start3A_16, %dma_start3A_20] : memref<4x128xi32, #tpu.memory_space<vmem>> -> memref<1x128xi32, #tpu.memory_space<vmem>>
    %dma_start3A_22 = tpu.memref_squeeze %dma_start3A_21 : memref<1x128xi32, #tpu.memory_space<vmem>> -> memref<128xi32, #tpu.memory_space<vmem>>
    %dma_start3A_23 = arith.constant 0 : i32
    %dma_start3A_24 = arith.constant 0 : i32
    %dma_start3A_25 = tpu.memref_slice %arg2[%dma_start3A_23, %dma_start3A_24] : memref<100000x16xf32, #tpu.memory_space<hbm>> -> memref<100000x16xf32, #tpu.memory_space<hbm>>
    tpu.enqueue_indirect_dma source(%dma_start3A_25 : memref<100000x16xf32, #tpu.memory_space<hbm>>) target(%dma_start3A_19 : memref<128x16xf32, #tpu.memory_space<vmem>>) offsets(%dma_start3A_22 : memref<128xi32, #tpu.memory_space<vmem>>) semaphore(%arg12 : memref<!tpu.dma_semaphore, #tpu.memory_space<semaphore_mem>>)
    %dma_start3A_26 = arith.constant 1 : i32
    %dma_start3A_27 = arith.constant 128 : i32
    %dma_start3A_28 = arith.constant 0 : i32
    %dma_start3A_29 = tpu.memref_slice %arg8[%dma_start3A_27, %dma_start3A_28] : memref<512x16xf32, #tpu.memory_space<vmem>> -> memref<128x16xf32, #tpu.memory_space<vmem>>
    %dma_start3A_30 = arith.constant 0 : i32
    %dma_start3A_31 = tpu.memref_slice %arg7[%dma_start3A_26, %dma_start3A_30] : memref<4x128xi32, #tpu.memory_space<vmem>> -> memref<1x128xi32, #tpu.memory_space<vmem>>
    %dma_start3A_32 = tpu.memref_squeeze %dma_start3A_31 : memref<1x128xi32, #tpu.memory_space<vmem>> -> memref<128xi32, #tpu.memory_space<vmem>>
    %dma_start3A_33 = arith.constant 0 : i32
    %dma_start3A_34 = arith.constant 0 : i32
    %dma_start3A_35 = tpu.memref_slice %arg2[%dma_start3A_33, %dma_start3A_34] : memref<100000x16xf32, #tpu.memory_space<hbm>> -> memref<100000x16xf32, #tpu.memory_space<hbm>>
    tpu.enqueue_indirect_dma source(%dma_start3A_35 : memref<100000x16xf32, #tpu.memory_space<hbm>>) target(%dma_start3A_29 : memref<128x16xf32, #tpu.memory_space<vmem>>) offsets(%dma_start3A_32 : memref<128xi32, #tpu.memory_space<vmem>>) semaphore(%arg11 : memref<!tpu.dma_semaphore, #tpu.memory_space<semaphore_mem>>)
    %dma_start3A_36 = arith.constant 1 : i32
    %dma_start3A_37 = arith.constant 128 : i32
    %dma_start3A_38 = arith.constant 0 : i32
    %dma_start3A_39 = tpu.memref_slice %arg10[%dma_start3A_37, %dma_start3A_38] : memref<512x16xf32, #tpu.memory_space<vmem>> -> memref<128x16xf32, #tpu.memory_space<vmem>>
    %dma_start3A_40 = arith.constant 0 : i32
    %dma_start3A_41 = tpu.memref_slice %arg9[%dma_start3A_36, %dma_start3A_40] : memref<4x128xi32, #tpu.memory_space<vmem>> -> memref<1x128xi32, #tpu.memory_space<vmem>>
    %dma_start3A_42 = tpu.memref_squeeze %dma_start3A_41 : memref<1x128xi32, #tpu.memory_space<vmem>> -> memref<128xi32, #tpu.memory_space<vmem>>
    %dma_start3A_43 = arith.constant 0 : i32
    %dma_start3A_44 = arith.constant 0 : i32
    %dma_start3A_45 = tpu.memref_slice %arg2[%dma_start3A_43, %dma_start3A_44] : memref<100000x16xf32, #tpu.memory_space<hbm>> -> memref<100000x16xf32, #tpu.memory_space<hbm>>
    tpu.enqueue_indirect_dma source(%dma_start3A_45 : memref<100000x16xf32, #tpu.memory_space<hbm>>) target(%dma_start3A_39 : memref<128x16xf32, #tpu.memory_space<vmem>>) offsets(%dma_start3A_42 : memref<128xi32, #tpu.memory_space<vmem>>) semaphore(%arg12 : memref<!tpu.dma_semaphore, #tpu.memory_space<semaphore_mem>>)
    %dma_start3A_46 = arith.constant 2 : i32
    %dma_start3A_47 = arith.constant 256 : i32
    %dma_start3A_48 = arith.constant 0 : i32
    %dma_start3A_49 = tpu.memref_slice %arg8[%dma_start3A_47, %dma_start3A_48] : memref<512x16xf32, #tpu.memory_space<vmem>> -> memref<128x16xf32, #tpu.memory_space<vmem>>
    %dma_start3A_50 = arith.constant 0 : i32
    %dma_start3A_51 = tpu.memref_slice %arg7[%dma_start3A_46, %dma_start3A_50] : memref<4x128xi32, #tpu.memory_space<vmem>> -> memref<1x128xi32, #tpu.memory_space<vmem>>
    %dma_start3A_52 = tpu.memref_squeeze %dma_start3A_51 : memref<1x128xi32, #tpu.memory_space<vmem>> -> memref<128xi32, #tpu.memory_space<vmem>>
    %dma_start3A_53 = arith.constant 0 : i32
    %dma_start3A_54 = arith.constant 0 : i32
    %dma_start3A_55 = tpu.memref_slice %arg2[%dma_start3A_53, %dma_start3A_54] : memref<100000x16xf32, #tpu.memory_space<hbm>> -> memref<100000x16xf32, #tpu.memory_space<hbm>>
    tpu.enqueue_indirect_dma source(%dma_start3A_55 : memref<100000x16xf32, #tpu.memory_space<hbm>>) target(%dma_start3A_49 : memref<128x16xf32, #tpu.memory_space<vmem>>) offsets(%dma_start3A_52 : memref<128xi32, #tpu.memory_space<vmem>>) semaphore(%arg11 : memref<!tpu.dma_semaphore, #tpu.memory_space<semaphore_mem>>)
    %dma_start3A_56 = arith.constant 2 : i32
    %dma_start3A_57 = arith.constant 256 : i32
    %dma_start3A_58 = arith.constant 0 : i32
    %dma_start3A_59 = tpu.memref_slice %arg10[%dma_start3A_57, %dma_start3A_58] : memref<512x16xf32, #tpu.memory_space<vmem>> -> memref<128x16xf32, #tpu.memory_space<vmem>>
    %dma_start3A_60 = arith.constant 0 : i32
    %dma_start3A_61 = tpu.memref_slice %arg9[%dma_start3A_56, %dma_start3A_60] : memref<4x128xi32, #tpu.memory_space<vmem>> -> memref<1x128xi32, #tpu.memory_space<vmem>>
    %dma_start3A_62 = tpu.memref_squeeze %dma_start3A_61 : memref<1x128xi32, #tpu.memory_space<vmem>> -> memref<128xi32, #tpu.memory_space<vmem>>
    %dma_start3A_63 = arith.constant 0 : i32
    %dma_start3A_64 = arith.constant 0 : i32
    %dma_start3A_65 = tpu.memref_slice %arg2[%dma_start3A_63, %dma_start3A_64] : memref<100000x16xf32, #tpu.memory_space<hbm>> -> memref<100000x16xf32, #tpu.memory_space<hbm>>
    tpu.enqueue_indirect_dma source(%dma_start3A_65 : memref<100000x16xf32, #tpu.memory_space<hbm>>) target(%dma_start3A_59 : memref<128x16xf32, #tpu.memory_space<vmem>>) offsets(%dma_start3A_62 : memref<128xi32, #tpu.memory_space<vmem>>) semaphore(%arg12 : memref<!tpu.dma_semaphore, #tpu.memory_space<semaphore_mem>>)
    %dma_start3A_66 = arith.constant 3 : i32
    %dma_start3A_67 = arith.constant 384 : i32
    %dma_start3A_68 = arith.constant 0 : i32
    %dma_start3A_69 = tpu.memref_slice %arg8[%dma_start3A_67, %dma_start3A_68] : memref<512x16xf32, #tpu.memory_space<vmem>> -> memref<128x16xf32, #tpu.memory_space<vmem>>
    %dma_start3A_70 = arith.constant 0 : i32
    %dma_start3A_71 = tpu.memref_slice %arg7[%dma_start3A_66, %dma_start3A_70] : memref<4x128xi32, #tpu.memory_space<vmem>> -> memref<1x128xi32, #tpu.memory_space<vmem>>
    %dma_start3A_72 = tpu.memref_squeeze %dma_start3A_71 : memref<1x128xi32, #tpu.memory_space<vmem>> -> memref<128xi32, #tpu.memory_space<vmem>>
    %dma_start3A_73 = arith.constant 0 : i32
    %dma_start3A_74 = arith.constant 0 : i32
    %dma_start3A_75 = tpu.memref_slice %arg2[%dma_start3A_73, %dma_start3A_74] : memref<100000x16xf32, #tpu.memory_space<hbm>> -> memref<100000x16xf32, #tpu.memory_space<hbm>>
    tpu.enqueue_indirect_dma source(%dma_start3A_75 : memref<100000x16xf32, #tpu.memory_space<hbm>>) target(%dma_start3A_69 : memref<128x16xf32, #tpu.memory_space<vmem>>) offsets(%dma_start3A_72 : memref<128xi32, #tpu.memory_space<vmem>>) semaphore(%arg11 : memref<!tpu.dma_semaphore, #tpu.memory_space<semaphore_mem>>)
    %dma_start3A_76 = arith.constant 3 : i32
    %dma_start3A_77 = arith.constant 384 : i32
    %dma_start3A_78 = arith.constant 0 : i32
    %dma_start3A_79 = tpu.memref_slice %arg10[%dma_start3A_77, %dma_start3A_78] : memref<512x16xf32, #tpu.memory_space<vmem>> -> memref<128x16xf32, #tpu.memory_space<vmem>>
    %dma_start3A_80 = arith.constant 0 : i32
    %dma_start3A_81 = tpu.memref_slice %arg9[%dma_start3A_76, %dma_start3A_80] : memref<4x128xi32, #tpu.memory_space<vmem>> -> memref<1x128xi32, #tpu.memory_space<vmem>>
    %dma_start3A_82 = tpu.memref_squeeze %dma_start3A_81 : memref<1x128xi32, #tpu.memory_space<vmem>> -> memref<128xi32, #tpu.memory_space<vmem>>
    %dma_start3A_83 = arith.constant 0 : i32
    %dma_start3A_84 = arith.constant 0 : i32
    %dma_start3A_85 = tpu.memref_slice %arg2[%dma_start3A_83, %dma_start3A_84] : memref<100000x16xf32, #tpu.memory_space<hbm>> -> memref<100000x16xf32, #tpu.memory_space<hbm>>
    tpu.enqueue_indirect_dma source(%dma_start3A_85 : memref<100000x16xf32, #tpu.memory_space<hbm>>) target(%dma_start3A_79 : memref<128x16xf32, #tpu.memory_space<vmem>>) offsets(%dma_start3A_82 : memref<128xi32, #tpu.memory_space<vmem>>) semaphore(%arg12 : memref<!tpu.dma_semaphore, #tpu.memory_space<semaphore_mem>>)
    %dma_wait3A = arith.constant 0 : i32
    %dma_wait3A_86 = arith.constant 0 : i32
    %dma_wait3A_87 = arith.constant 0 : i32
    %dma_wait3A_88 = tpu.memref_slice %arg8[%dma_wait3A_86, %dma_wait3A_87] : memref<512x16xf32, #tpu.memory_space<vmem>> -> memref<128x16xf32, #tpu.memory_space<vmem>>
    %dma_wait3A_89 = arith.constant 0 : i32
    %dma_wait3A_90 = tpu.memref_slice %arg7[%dma_wait3A, %dma_wait3A_89] : memref<4x128xi32, #tpu.memory_space<vmem>> -> memref<1x128xi32, #tpu.memory_space<vmem>>
    %dma_wait3A_91 = tpu.memref_squeeze %dma_wait3A_90 : memref<1x128xi32, #tpu.memory_space<vmem>> -> memref<128xi32, #tpu.memory_space<vmem>>
    %dma_wait3A_92 = arith.constant 0 : i32
    %dma_wait3A_93 = arith.constant 0 : i32
    %dma_wait3A_94 = tpu.memref_slice %arg2[%dma_wait3A_92, %dma_wait3A_93] : memref<100000x16xf32, #tpu.memory_space<hbm>> -> memref<100000x16xf32, #tpu.memory_space<hbm>>
    tpu.wait_indirect_dma semaphore(%arg11 : memref<!tpu.dma_semaphore, #tpu.memory_space<semaphore_mem>>) src(%dma_wait3A_94 : memref<100000x16xf32, #tpu.memory_space<hbm>>) dst(%dma_wait3A_88 : memref<128x16xf32, #tpu.memory_space<vmem>>)
    %dma_wait3A_95 = arith.constant 0 : i32
    %dma_wait3A_96 = arith.constant 0 : i32
    %dma_wait3A_97 = arith.constant 0 : i32
    %dma_wait3A_98 = tpu.memref_slice %arg10[%dma_wait3A_96, %dma_wait3A_97] : memref<512x16xf32, #tpu.memory_space<vmem>> -> memref<128x16xf32, #tpu.memory_space<vmem>>
    %dma_wait3A_99 = arith.constant 0 : i32
    %dma_wait3A_100 = tpu.memref_slice %arg9[%dma_wait3A_95, %dma_wait3A_99] : memref<4x128xi32, #tpu.memory_space<vmem>> -> memref<1x128xi32, #tpu.memory_space<vmem>>
    %dma_wait3A_101 = tpu.memref_squeeze %dma_wait3A_100 : memref<1x128xi32, #tpu.memory_space<vmem>> -> memref<128xi32, #tpu.memory_space<vmem>>
    %dma_wait3A_102 = arith.constant 0 : i32
    %dma_wait3A_103 = arith.constant 0 : i32
    %dma_wait3A_104 = tpu.memref_slice %arg2[%dma_wait3A_102, %dma_wait3A_103] : memref<100000x16xf32, #tpu.memory_space<hbm>> -> memref<100000x16xf32, #tpu.memory_space<hbm>>
    tpu.wait_indirect_dma semaphore(%arg12 : memref<!tpu.dma_semaphore, #tpu.memory_space<semaphore_mem>>) src(%dma_wait3A_104 : memref<100000x16xf32, #tpu.memory_space<hbm>>) dst(%dma_wait3A_98 : memref<128x16xf32, #tpu.memory_space<vmem>>)
    %dma_wait3A_105 = arith.constant 1 : i32
    %dma_wait3A_106 = arith.constant 128 : i32
    %dma_wait3A_107 = arith.constant 0 : i32
    %dma_wait3A_108 = tpu.memref_slice %arg8[%dma_wait3A_106, %dma_wait3A_107] : memref<512x16xf32, #tpu.memory_space<vmem>> -> memref<128x16xf32, #tpu.memory_space<vmem>>
    %dma_wait3A_109 = arith.constant 0 : i32
    %dma_wait3A_110 = tpu.memref_slice %arg7[%dma_wait3A_105, %dma_wait3A_109] : memref<4x128xi32, #tpu.memory_space<vmem>> -> memref<1x128xi32, #tpu.memory_space<vmem>>
    %dma_wait3A_111 = tpu.memref_squeeze %dma_wait3A_110 : memref<1x128xi32, #tpu.memory_space<vmem>> -> memref<128xi32, #tpu.memory_space<vmem>>
    %dma_wait3A_112 = arith.constant 0 : i32
    %dma_wait3A_113 = arith.constant 0 : i32
    %dma_wait3A_114 = tpu.memref_slice %arg2[%dma_wait3A_112, %dma_wait3A_113] : memref<100000x16xf32, #tpu.memory_space<hbm>> -> memref<100000x16xf32, #tpu.memory_space<hbm>>
    tpu.wait_indirect_dma semaphore(%arg11 : memref<!tpu.dma_semaphore, #tpu.memory_space<semaphore_mem>>) src(%dma_wait3A_114 : memref<100000x16xf32, #tpu.memory_space<hbm>>) dst(%dma_wait3A_108 : memref<128x16xf32, #tpu.memory_space<vmem>>)
    %dma_wait3A_115 = arith.constant 1 : i32
    %dma_wait3A_116 = arith.constant 128 : i32
    %dma_wait3A_117 = arith.constant 0 : i32
    %dma_wait3A_118 = tpu.memref_slice %arg10[%dma_wait3A_116, %dma_wait3A_117] : memref<512x16xf32, #tpu.memory_space<vmem>> -> memref<128x16xf32, #tpu.memory_space<vmem>>
    %dma_wait3A_119 = arith.constant 0 : i32
    %dma_wait3A_120 = tpu.memref_slice %arg9[%dma_wait3A_115, %dma_wait3A_119] : memref<4x128xi32, #tpu.memory_space<vmem>> -> memref<1x128xi32, #tpu.memory_space<vmem>>
    %dma_wait3A_121 = tpu.memref_squeeze %dma_wait3A_120 : memref<1x128xi32, #tpu.memory_space<vmem>> -> memref<128xi32, #tpu.memory_space<vmem>>
    %dma_wait3A_122 = arith.constant 0 : i32
    %dma_wait3A_123 = arith.constant 0 : i32
    %dma_wait3A_124 = tpu.memref_slice %arg2[%dma_wait3A_122, %dma_wait3A_123] : memref<100000x16xf32, #tpu.memory_space<hbm>> -> memref<100000x16xf32, #tpu.memory_space<hbm>>
    tpu.wait_indirect_dma semaphore(%arg12 : memref<!tpu.dma_semaphore, #tpu.memory_space<semaphore_mem>>) src(%dma_wait3A_124 : memref<100000x16xf32, #tpu.memory_space<hbm>>) dst(%dma_wait3A_118 : memref<128x16xf32, #tpu.memory_space<vmem>>)
    %dma_wait3A_125 = arith.constant 2 : i32
    %dma_wait3A_126 = arith.constant 256 : i32
    %dma_wait3A_127 = arith.constant 0 : i32
    %dma_wait3A_128 = tpu.memref_slice %arg8[%dma_wait3A_126, %dma_wait3A_127] : memref<512x16xf32, #tpu.memory_space<vmem>> -> memref<128x16xf32, #tpu.memory_space<vmem>>
    %dma_wait3A_129 = arith.constant 0 : i32
    %dma_wait3A_130 = tpu.memref_slice %arg7[%dma_wait3A_125, %dma_wait3A_129] : memref<4x128xi32, #tpu.memory_space<vmem>> -> memref<1x128xi32, #tpu.memory_space<vmem>>
    %dma_wait3A_131 = tpu.memref_squeeze %dma_wait3A_130 : memref<1x128xi32, #tpu.memory_space<vmem>> -> memref<128xi32, #tpu.memory_space<vmem>>
    %dma_wait3A_132 = arith.constant 0 : i32
    %dma_wait3A_133 = arith.constant 0 : i32
    %dma_wait3A_134 = tpu.memref_slice %arg2[%dma_wait3A_132, %dma_wait3A_133] : memref<100000x16xf32, #tpu.memory_space<hbm>> -> memref<100000x16xf32, #tpu.memory_space<hbm>>
    tpu.wait_indirect_dma semaphore(%arg11 : memref<!tpu.dma_semaphore, #tpu.memory_space<semaphore_mem>>) src(%dma_wait3A_134 : memref<100000x16xf32, #tpu.memory_space<hbm>>) dst(%dma_wait3A_128 : memref<128x16xf32, #tpu.memory_space<vmem>>)
    %dma_wait3A_135 = arith.constant 2 : i32
    %dma_wait3A_136 = arith.constant 256 : i32
    %dma_wait3A_137 = arith.constant 0 : i32
    %dma_wait3A_138 = tpu.memref_slice %arg10[%dma_wait3A_136, %dma_wait3A_137] : memref<512x16xf32, #tpu.memory_space<vmem>> -> memref<128x16xf32, #tpu.memory_space<vmem>>
    %dma_wait3A_139 = arith.constant 0 : i32
    %dma_wait3A_140 = tpu.memref_slice %arg9[%dma_wait3A_135, %dma_wait3A_139] : memref<4x128xi32, #tpu.memory_space<vmem>> -> memref<1x128xi32, #tpu.memory_space<vmem>>
    %dma_wait3A_141 = tpu.memref_squeeze %dma_wait3A_140 : memref<1x128xi32, #tpu.memory_space<vmem>> -> memref<128xi32, #tpu.memory_space<vmem>>
    %dma_wait3A_142 = arith.constant 0 : i32
    %dma_wait3A_143 = arith.constant 0 : i32
    %dma_wait3A_144 = tpu.memref_slice %arg2[%dma_wait3A_142, %dma_wait3A_143] : memref<100000x16xf32, #tpu.memory_space<hbm>> -> memref<100000x16xf32, #tpu.memory_space<hbm>>
    tpu.wait_indirect_dma semaphore(%arg12 : memref<!tpu.dma_semaphore, #tpu.memory_space<semaphore_mem>>) src(%dma_wait3A_144 : memref<100000x16xf32, #tpu.memory_space<hbm>>) dst(%dma_wait3A_138 : memref<128x16xf32, #tpu.memory_space<vmem>>)
    %dma_wait3A_145 = arith.constant 3 : i32
    %dma_wait3A_146 = arith.constant 384 : i32
    %dma_wait3A_147 = arith.constant 0 : i32
    %dma_wait3A_148 = tpu.memref_slice %arg8[%dma_wait3A_146, %dma_wait3A_147] : memref<512x16xf32, #tpu.memory_space<vmem>> -> memref<128x16xf32, #tpu.memory_space<vmem>>
    %dma_wait3A_149 = arith.constant 0 : i32
    %dma_wait3A_150 = tpu.memref_slice %arg7[%dma_wait3A_145, %dma_wait3A_149] : memref<4x128xi32, #tpu.memory_space<vmem>> -> memref<1x128xi32, #tpu.memory_space<vmem>>
    %dma_wait3A_151 = tpu.memref_squeeze %dma_wait3A_150 : memref<1x128xi32, #tpu.memory_space<vmem>> -> memref<128xi32, #tpu.memory_space<vmem>>
    %dma_wait3A_152 = arith.constant 0 : i32
    %dma_wait3A_153 = arith.constant 0 : i32
    %dma_wait3A_154 = tpu.memref_slice %arg2[%dma_wait3A_152, %dma_wait3A_153] : memref<100000x16xf32, #tpu.memory_space<hbm>> -> memref<100000x16xf32, #tpu.memory_space<hbm>>
    tpu.wait_indirect_dma semaphore(%arg11 : memref<!tpu.dma_semaphore, #tpu.memory_space<semaphore_mem>>) src(%dma_wait3A_154 : memref<100000x16xf32, #tpu.memory_space<hbm>>) dst(%dma_wait3A_148 : memref<128x16xf32, #tpu.memory_space<vmem>>)
    %dma_wait3A_155 = arith.constant 3 : i32
    %dma_wait3A_156 = arith.constant 384 : i32
    %dma_wait3A_157 = arith.constant 0 : i32
    %dma_wait3A_158 = tpu.memref_slice %arg10[%dma_wait3A_156, %dma_wait3A_157] : memref<512x16xf32, #tpu.memory_space<vmem>> -> memref<128x16xf32, #tpu.memory_space<vmem>>
    %dma_wait3A_159 = arith.constant 0 : i32
    %dma_wait3A_160 = tpu.memref_slice %arg9[%dma_wait3A_155, %dma_wait3A_159] : memref<4x128xi32, #tpu.memory_space<vmem>> -> memref<1x128xi32, #tpu.memory_space<vmem>>
    %dma_wait3A_161 = tpu.memref_squeeze %dma_wait3A_160 : memref<1x128xi32, #tpu.memory_space<vmem>> -> memref<128xi32, #tpu.memory_space<vmem>>
    %dma_wait3A_162 = arith.constant 0 : i32
    %dma_wait3A_163 = arith.constant 0 : i32
    %dma_wait3A_164 = tpu.memref_slice %arg2[%dma_wait3A_162, %dma_wait3A_163] : memref<100000x16xf32, #tpu.memory_space<hbm>> -> memref<100000x16xf32, #tpu.memory_space<hbm>>
    tpu.wait_indirect_dma semaphore(%arg12 : memref<!tpu.dma_semaphore, #tpu.memory_space<semaphore_mem>>) src(%dma_wait3A_164 : memref<100000x16xf32, #tpu.memory_space<hbm>>) dst(%dma_wait3A_158 : memref<128x16xf32, #tpu.memory_space<vmem>>)
    "tpu.region"() ({
      %run_scoped3A = tpu.sem_alloc : memref<!tpu.dma_semaphore, #tpu.memory_space<semaphore_mem>>
      %dma_start3A_165 = arith.constant 0 : i32
      %dma_start3A_166 = tpu.memref_slice %arg5[%mul3A_2, %dma_start3A_165] : memref<16384x16xf32, #tpu.memory_space<hbm>> -> memref<512x16xf32, #tpu.memory_space<hbm>>
      %dma_start3A_167 = arith.constant 0 : i32
      %dma_start3A_168 = tpu.memref_slice %arg5[%mul3A_2, %dma_start3A_167] : memref<16384x16xf32, #tpu.memory_space<hbm>> -> memref<512x16xf32, #tpu.memory_space<hbm>>
      tpu.enqueue_dma source(%arg8 : memref<512x16xf32, #tpu.memory_space<vmem>>) target(%dma_start3A_168 : memref<512x16xf32, #tpu.memory_space<hbm>>) target_semaphore(%run_scoped3A : memref<!tpu.dma_semaphore, #tpu.memory_space<semaphore_mem>>)
      %dma_wait3A_169 = arith.constant 0 : i32
      %dma_wait3A_170 = tpu.memref_slice %arg5[%mul3A_2, %dma_wait3A_169] : memref<16384x16xf32, #tpu.memory_space<hbm>> -> memref<512x16xf32, #tpu.memory_space<hbm>>
      %dma_wait3A_171 = arith.constant 0 : i32
      %dma_wait3A_172 = tpu.memref_slice %arg5[%mul3A_2, %dma_wait3A_171] : memref<16384x16xf32, #tpu.memory_space<hbm>> -> memref<512x16xf32, #tpu.memory_space<hbm>>
      tpu.wait_dma2 semaphore(%run_scoped3A : memref<!tpu.dma_semaphore, #tpu.memory_space<semaphore_mem>>) src(%arg8 : memref<512x16xf32, #tpu.memory_space<vmem>>) dst(%dma_wait3A_172 : memref<512x16xf32, #tpu.memory_space<hbm>>)
      tpu.yield
    }) : () -> ()
    "tpu.region"() ({
      %run_scoped3A = tpu.sem_alloc : memref<!tpu.dma_semaphore, #tpu.memory_space<semaphore_mem>>
      %dma_start3A_165 = arith.constant 0 : i32
      %dma_start3A_166 = tpu.memref_slice %arg6[%mul3A_2, %dma_start3A_165] : memref<16384x16xf32, #tpu.memory_space<hbm>> -> memref<512x16xf32, #tpu.memory_space<hbm>>
      %dma_start3A_167 = arith.constant 0 : i32
      %dma_start3A_168 = tpu.memref_slice %arg6[%mul3A_2, %dma_start3A_167] : memref<16384x16xf32, #tpu.memory_space<hbm>> -> memref<512x16xf32, #tpu.memory_space<hbm>>
      tpu.enqueue_dma source(%arg10 : memref<512x16xf32, #tpu.memory_space<vmem>>) target(%dma_start3A_168 : memref<512x16xf32, #tpu.memory_space<hbm>>) target_semaphore(%run_scoped3A : memref<!tpu.dma_semaphore, #tpu.memory_space<semaphore_mem>>)
      %dma_wait3A_169 = arith.constant 0 : i32
      %dma_wait3A_170 = tpu.memref_slice %arg6[%mul3A_2, %dma_wait3A_169] : memref<16384x16xf32, #tpu.memory_space<hbm>> -> memref<512x16xf32, #tpu.memory_space<hbm>>
      %dma_wait3A_171 = arith.constant 0 : i32
      %dma_wait3A_172 = tpu.memref_slice %arg6[%mul3A_2, %dma_wait3A_171] : memref<16384x16xf32, #tpu.memory_space<hbm>> -> memref<512x16xf32, #tpu.memory_space<hbm>>
      tpu.wait_dma2 semaphore(%run_scoped3A : memref<!tpu.dma_semaphore, #tpu.memory_space<semaphore_mem>>) src(%arg10 : memref<512x16xf32, #tpu.memory_space<vmem>>) dst(%dma_wait3A_172 : memref<512x16xf32, #tpu.memory_space<hbm>>)
      tpu.yield
    }) : () -> ()
    return
  }
}

module attributes {stable_mosaic.version = 14 : i64} {
  func.func @_tc_body(%arg0: i32, %arg1: memref<50x1024xi32, #tpu.memory_space<vmem>>, %arg2: memref<50x1024xi32, #tpu.memory_space<vmem>>, %arg3: memref<8x1024xi32, #tpu.memory_space<vmem>>, %arg4: memref<1024x16xf32, #tpu.memory_space<vmem>>, %arg5: memref<1024x16xf32, #tpu.memory_space<vmem>>, %arg6: memref<256x8xf32, #tpu.memory_space<vmem>>, %arg7: memref<8x128xf32, #tpu.memory_space<vmem>>, %arg8: memref<256x1xf32, #tpu.memory_space<vmem>>, %arg9: memref<256x1xf32, #tpu.memory_space<vmem>>, %arg10: memref<256x64xf32, #tpu.memory_space<vmem>>, %arg11: memref<8x16xf32, #tpu.memory_space<vmem>>, %arg12: memref<64x160xf32, #tpu.memory_space<vmem>>, %arg13: memref<64x1xf32, #tpu.memory_space<vmem>>, %arg14: memref<64x1024xf32, #tpu.memory_space<vmem>>) attributes {dimension_semantics = [#tpu.dimension_semantics<arbitrary>], iteration_bounds = array<i64: 16>, scalar_prefetch = 0 : i64, scratch_operands = 0 : i64, tpu.core_type = #tpu.core_type<tc>, window_params = [{transform_indices = @transform_0, window_bounds = array<i64: 50, 1024>}, {transform_indices = @transform_1, window_bounds = array<i64: 50, 1024>}, {transform_indices = @transform_2, window_bounds = array<i64: 8, 1024>}, {transform_indices = @transform_3, window_bounds = array<i64: 1024, 16>}, {transform_indices = @transform_4, window_bounds = array<i64: 1024, 16>}, {pipeline_mode = #tpu.pipeline_mode<synchronous>, transform_indices = @transform_5, window_bounds = array<i64: 256, 8>}, {pipeline_mode = #tpu.pipeline_mode<synchronous>, transform_indices = @transform_6, window_bounds = array<i64: 8, 128>}, {pipeline_mode = #tpu.pipeline_mode<synchronous>, transform_indices = @transform_7, window_bounds = array<i64: 256, 1>}, {pipeline_mode = #tpu.pipeline_mode<synchronous>, transform_indices = @transform_8, window_bounds = array<i64: 256, 1>}, {pipeline_mode = #tpu.pipeline_mode<synchronous>, transform_indices = @transform_9, window_bounds = array<i64: 256, 64>}, {pipeline_mode = #tpu.pipeline_mode<synchronous>, transform_indices = @transform_10, window_bounds = array<i64: 8, 16>}, {pipeline_mode = #tpu.pipeline_mode<synchronous>, transform_indices = @transform_11, window_bounds = array<i64: 64, 160>}, {pipeline_mode = #tpu.pipeline_mode<synchronous>, transform_indices = @transform_12, window_bounds = array<i64: 64, 1>}, {transform_indices = @transform_13, window_bounds = array<i64: 64, 1024>}]} {
    %iota3A = tpu.iota {dimensions = array<i32: 0>} : vector<256x1xi32>
    %ge3A = arith.constant 128 : i32
    %ge3A_0 = vector.broadcast %ge3A : i32 to vector<256x1xi32>
    %ge3A_1 = arith.cmpi sge, %iota3A, %ge3A_0 : vector<256x1xi32>
    %iota3A_2 = tpu.iota {dimensions = array<i32: 0>} : vector<256x1xi32>
    %lt3A = arith.constant 192 : i32
    %lt3A_3 = vector.broadcast %lt3A : i32 to vector<256x1xi32>
    %lt3A_4 = arith.cmpi slt, %iota3A_2, %lt3A_3 : vector<256x1xi32>
    %and3A = arith.andi %ge3A_1, %lt3A_4 : vector<256x1xi1>
    %jit3A = arith.constant 1.000000e+00 : f32
    %jit3A_5 = arith.constant 5.000000e-01 : f32
    %broadcast_in_dim3A = vector.broadcast %jit3A : f32 to vector<256x1xf32>
    %broadcast_in_dim3A_6 = vector.broadcast %jit3A_5 : f32 to vector<256x1xf32>
    %select_n3A = arith.select %and3A, %broadcast_in_dim3A, %broadcast_in_dim3A_6 : vector<256x1xi1>, vector<256x1xf32>
    %iota3A_7 = tpu.iota {dimensions = array<i32: 1>} : vector<1x8xi32>
    %eq3A = arith.constant 7 : i32
    %eq3A_8 = vector.broadcast %eq3A : i32 to vector<1x8xi32>
    %eq3A_9 = arith.cmpi eq, %iota3A_7, %eq3A_8 : vector<1x8xi32>
    %get3A = arith.constant 0 : index
    %get3A_10 = arith.constant 0 : index
    %get3A_11 = vector.load %arg8[%get3A, %get3A_10] : memref<256x1xf32, #tpu.memory_space<vmem>>, vector<256x1xf32>
    %get3A_12 = arith.constant 0 : index
    %get3A_13 = arith.constant 0 : index
    %get3A_14 = vector.load %arg9[%get3A_12, %get3A_13] : memref<256x1xf32, #tpu.memory_space<vmem>>, vector<256x1xf32>
    %add3A = arith.addf %get3A_11, %get3A_14 : vector<256x1xf32>
    %get3A_15 = arith.constant 0 : index
    %get3A_16 = arith.constant 0 : index
    %get3A_17 = vector.load %arg6[%get3A_15, %get3A_16] : memref<256x8xf32, #tpu.memory_space<vmem>>, vector<256x8xf32>
    %broadcast_in_dim3A_18 = vector.shape_cast %eq3A_9 : vector<1x8xi1> to vector<1x8xi1>
    %broadcast_in_dim3A_19 = vector.broadcast %broadcast_in_dim3A_18 : vector<1x8xi1> to vector<256x8xi1>
    %broadcast_in_dim3A_20 = vector.shape_cast %add3A : vector<256x1xf32> to vector<256x1xf32>
    %broadcast_in_dim3A_21 = vector.broadcast %broadcast_in_dim3A_20 : vector<256x1xf32> to vector<256x8xf32>
    %select_n3A_22 = arith.select %broadcast_in_dim3A_19, %broadcast_in_dim3A_21, %get3A_17 : vector<256x8xi1>, vector<256x8xf32>
    %mul3A = vector.broadcast %select_n3A : vector<256x1xf32> to vector<256x8xf32>
    %mul3A_23 = arith.mulf %select_n3A_22, %mul3A : vector<256x8xf32>
    %get3A_24 = arith.constant 0 : index
    %get3A_25 = arith.constant 0 : index
    %get3A_26 = vector.load %arg10[%get3A_24, %get3A_25] : memref<256x64xf32, #tpu.memory_space<vmem>>, vector<256x64xf32>
    %mul3A_27 = vector.broadcast %select_n3A : vector<256x1xf32> to vector<256x64xf32>
    %mul3A_28 = arith.mulf %get3A_26, %mul3A_27 : vector<256x64xf32>
    %concatenate3A = tpu.concatenate %mul3A_23, %mul3A_28 in 1 : vector<256x8xf32>, vector<256x64xf32> -> vector<256x72xf32>
    %convert_element_type3A = arith.truncf %concatenate3A : vector<256x72xf32> to vector<256x72xbf16>
    %get3A_29 = arith.constant 0 : index
    %get3A_30 = arith.constant 0 : index
    %get3A_31 = vector.load %arg7[%get3A_29, %get3A_30] : memref<8x128xf32, #tpu.memory_space<vmem>>, vector<8x128xf32>
    %get3A_32 = arith.constant 0 : index
    %get3A_33 = arith.constant 0 : index
    %get3A_34 = vector.load %arg1[%get3A_32, %get3A_33] : memref<50x1024xi32, #tpu.memory_space<vmem>>, vector<50x1024xi32>
    %get3A_35 = arith.constant 0 : index
    %get3A_36 = arith.constant 0 : index
    %get3A_37 = vector.load %arg2[%get3A_35, %get3A_36] : memref<50x1024xi32, #tpu.memory_space<vmem>>, vector<50x1024xi32>
    %broadcast_in_dim3A_38 = arith.constant 0.000000e+00 : bf16
    %broadcast_in_dim3A_39 = vector.broadcast %broadcast_in_dim3A_38 : bf16 to vector<64x2048xbf16>
    %broadcast_in_dim3A_40 = arith.constant 0.000000e+00 : bf16
    %broadcast_in_dim3A_41 = vector.broadcast %broadcast_in_dim3A_40 : bf16 to vector<64x2048xbf16>
    %slice3A = vector.extract_strided_slice %get3A_34 {offsets = [0, 0], sizes = [1, 1024], strides = [1, 1]} : vector<50x1024xi32> to vector<1x1024xi32>
    %slice3A_42 = vector.extract_strided_slice %get3A_37 {offsets = [0, 0], sizes = [1, 1024], strides = [1, 1]} : vector<50x1024xi32> to vector<1x1024xi32>
    %concatenate3A_43 = tpu.concatenate %slice3A, %slice3A_42 in 1 : vector<1x1024xi32>, vector<1x1024xi32> -> vector<1x2048xi32>
    %broadcast_in_dim3A_44 = vector.shape_cast %concatenate3A_43 : vector<1x2048xi32> to vector<1x2048xi32>
    %broadcast_in_dim3A_45 = vector.broadcast %broadcast_in_dim3A_44 : vector<1x2048xi32> to vector<8x2048xi32>
    %lt3A_46 = arith.constant 0 : i32
    %lt3A_47 = vector.broadcast %lt3A_46 : i32 to vector<8x2048xi32>
    %lt3A_48 = arith.cmpi slt, %broadcast_in_dim3A_45, %lt3A_47 : vector<8x2048xi32>
    %add3A_49 = arith.constant 128 : i32
    %add3A_50 = vector.broadcast %add3A_49 : i32 to vector<8x2048xi32>
    %add3A_51 = arith.addi %broadcast_in_dim3A_45, %add3A_50 : vector<8x2048xi32>
    %select_n3A_52 = arith.select %lt3A_48, %add3A_51, %broadcast_in_dim3A_45 : vector<8x2048xi1>, vector<8x2048xi32>
    %reshape3A = vector.shape_cast %select_n3A_52 : vector<8x2048xi32> to vector<8x2048x1xi32>
    %gather3A = vector.shape_cast %reshape3A : vector<8x2048x1xi32> to vector<8x2048xi32>
    %gather3A_53 = tpu.dynamic_gather %get3A_31[%gather3A] in [1] : vector<8x128xf32>, vector<8x2048xi32> -> vector<8x2048xf32>
    %convert_element_type3A_54 = arith.truncf %gather3A_53 : vector<8x2048xf32> to vector<8x2048xbf16>
    %concatenate3A_55 = tpu.concatenate %convert_element_type3A_54, %broadcast_in_dim3A_39 in 0 : vector<8x2048xbf16>, vector<64x2048xbf16> -> vector<72x2048xbf16>
    %dot_general3A = arith.constant dense<0.000000e+00> : vector<256x2048xf32>
    %dot_general3A_56 = tpu.matmul %convert_element_type3A, %concatenate3A_55, %dot_general3A {dimension_numbers = #tpu.dot_dimension_numbers<[1], [0], [0], [1], [0, 0, 1, 1], [], []>, transpose_lhs_hint = false} : vector<256x72xbf16>, vector<72x2048xbf16>, vector<256x2048xf32> -> vector<256x2048xf32>
    %convert_element_type3A_57 = arith.truncf %dot_general3A_56 : vector<256x2048xf32> to vector<256x2048xbf16>
    %slice3A_58 = vector.extract_strided_slice %convert_element_type3A_57 {offsets = [0, 0], sizes = [64, 2048], strides = [1, 1]} : vector<256x2048xbf16> to vector<64x2048xbf16>
    %tanh3A = math.tanh %slice3A_58 : vector<64x2048xbf16>
    %mul3A_59 = arith.constant 5.000000e-01 : bf16
    %mul3A_60 = vector.broadcast %mul3A_59 : bf16 to vector<64x2048xbf16>
    %mul3A_61 = arith.mulf %mul3A_60, %tanh3A : vector<64x2048xbf16>
    %add3A_62 = arith.constant 5.000000e-01 : bf16
    %add3A_63 = vector.broadcast %add3A_62 : bf16 to vector<64x2048xbf16>
    %add3A_64 = arith.addf %add3A_63, %mul3A_61 : vector<64x2048xbf16>
    %slice3A_65 = vector.extract_strided_slice %convert_element_type3A_57 {offsets = [64, 0], sizes = [64, 2048], strides = [1, 1]} : vector<256x2048xbf16> to vector<64x2048xbf16>
    %tanh3A_66 = math.tanh %slice3A_65 : vector<64x2048xbf16>
    %mul3A_67 = arith.constant 5.000000e-01 : bf16
    %mul3A_68 = vector.broadcast %mul3A_67 : bf16 to vector<64x2048xbf16>
    %mul3A_69 = arith.mulf %mul3A_68, %tanh3A_66 : vector<64x2048xbf16>
    %add3A_70 = arith.constant 5.000000e-01 : bf16
    %add3A_71 = vector.broadcast %add3A_70 : bf16 to vector<64x2048xbf16>
    %add3A_72 = arith.addf %add3A_71, %mul3A_69 : vector<64x2048xbf16>
    %slice3A_73 = vector.extract_strided_slice %convert_element_type3A_57 {offsets = [128, 0], sizes = [64, 2048], strides = [1, 1]} : vector<256x2048xbf16> to vector<64x2048xbf16>
    %tanh3A_74 = math.tanh %slice3A_73 : vector<64x2048xbf16>
    %slice3A_75 = vector.extract_strided_slice %convert_element_type3A_57 {offsets = [192, 0], sizes = [64, 2048], strides = [1, 1]} : vector<256x2048xbf16> to vector<64x2048xbf16>
    %tanh3A_76 = math.tanh %slice3A_75 : vector<64x2048xbf16>
    %mul3A_77 = arith.constant 5.000000e-01 : bf16
    %mul3A_78 = vector.broadcast %mul3A_77 : bf16 to vector<64x2048xbf16>
    %mul3A_79 = arith.mulf %mul3A_78, %tanh3A_76 : vector<64x2048xbf16>
    %add3A_80 = arith.constant 5.000000e-01 : bf16
    %add3A_81 = vector.broadcast %add3A_80 : bf16 to vector<64x2048xbf16>
    %add3A_82 = arith.addf %add3A_81, %mul3A_79 : vector<64x2048xbf16>
    %mul3A_83 = arith.mulf %add3A_72, %broadcast_in_dim3A_41 : vector<64x2048xbf16>
    %mul3A_84 = arith.mulf %add3A_64, %tanh3A_74 : vector<64x2048xbf16>
    %add3A_85 = arith.addf %mul3A_83, %mul3A_84 : vector<64x2048xbf16>
    %tanh3A_86 = math.tanh %add3A_85 : vector<64x2048xbf16>
    %mul3A_87 = arith.mulf %add3A_82, %tanh3A_86 : vector<64x2048xbf16>
    %slice3A_88 = vector.extract_strided_slice %get3A_34 {offsets = [1, 0], sizes = [1, 1024], strides = [1, 1]} : vector<50x1024xi32> to vector<1x1024xi32>
    %slice3A_89 = vector.extract_strided_slice %get3A_37 {offsets = [1, 0], sizes = [1, 1024], strides = [1, 1]} : vector<50x1024xi32> to vector<1x1024xi32>
    %concatenate3A_90 = tpu.concatenate %slice3A_88, %slice3A_89 in 1 : vector<1x1024xi32>, vector<1x1024xi32> -> vector<1x2048xi32>
    %broadcast_in_dim3A_91 = vector.shape_cast %concatenate3A_90 : vector<1x2048xi32> to vector<1x2048xi32>
    %broadcast_in_dim3A_92 = vector.broadcast %broadcast_in_dim3A_91 : vector<1x2048xi32> to vector<8x2048xi32>
    %lt3A_93 = arith.constant 0 : i32
    %lt3A_94 = vector.broadcast %lt3A_93 : i32 to vector<8x2048xi32>
    %lt3A_95 = arith.cmpi slt, %broadcast_in_dim3A_92, %lt3A_94 : vector<8x2048xi32>
    %add3A_96 = arith.constant 128 : i32
    %add3A_97 = vector.broadcast %add3A_96 : i32 to vector<8x2048xi32>
    %add3A_98 = arith.addi %broadcast_in_dim3A_92, %add3A_97 : vector<8x2048xi32>
    %select_n3A_99 = arith.select %lt3A_95, %add3A_98, %broadcast_in_dim3A_92 : vector<8x2048xi1>, vector<8x2048xi32>
    %reshape3A_100 = vector.shape_cast %select_n3A_99 : vector<8x2048xi32> to vector<8x2048x1xi32>
    %gather3A_101 = vector.shape_cast %reshape3A_100 : vector<8x2048x1xi32> to vector<8x2048xi32>
    %gather3A_102 = tpu.dynamic_gather %get3A_31[%gather3A_101] in [1] : vector<8x128xf32>, vector<8x2048xi32> -> vector<8x2048xf32>
    %convert_element_type3A_103 = arith.truncf %gather3A_102 : vector<8x2048xf32> to vector<8x2048xbf16>
    %concatenate3A_104 = tpu.concatenate %convert_element_type3A_103, %mul3A_87 in 0 : vector<8x2048xbf16>, vector<64x2048xbf16> -> vector<72x2048xbf16>
    %dot_general3A_105 = arith.constant dense<0.000000e+00> : vector<256x2048xf32>
    %dot_general3A_106 = tpu.matmul %convert_element_type3A, %concatenate3A_104, %dot_general3A_105 {dimension_numbers = #tpu.dot_dimension_numbers<[1], [0], [0], [1], [0, 0, 1, 1], [], []>, transpose_lhs_hint = false} : vector<256x72xbf16>, vector<72x2048xbf16>, vector<256x2048xf32> -> vector<256x2048xf32>
    %convert_element_type3A_107 = arith.truncf %dot_general3A_106 : vector<256x2048xf32> to vector<256x2048xbf16>
    %slice3A_108 = vector.extract_strided_slice %convert_element_type3A_107 {offsets = [0, 0], sizes = [64, 2048], strides = [1, 1]} : vector<256x2048xbf16> to vector<64x2048xbf16>
    %tanh3A_109 = math.tanh %slice3A_108 : vector<64x2048xbf16>
    %mul3A_110 = arith.constant 5.000000e-01 : bf16
    %mul3A_111 = vector.broadcast %mul3A_110 : bf16 to vector<64x2048xbf16>
    %mul3A_112 = arith.mulf %mul3A_111, %tanh3A_109 : vector<64x2048xbf16>
    %add3A_113 = arith.constant 5.000000e-01 : bf16
    %add3A_114 = vector.broadcast %add3A_113 : bf16 to vector<64x2048xbf16>
    %add3A_115 = arith.addf %add3A_114, %mul3A_112 : vector<64x2048xbf16>
    %slice3A_116 = vector.extract_strided_slice %convert_element_type3A_107 {offsets = [64, 0], sizes = [64, 2048], strides = [1, 1]} : vector<256x2048xbf16> to vector<64x2048xbf16>
    %tanh3A_117 = math.tanh %slice3A_116 : vector<64x2048xbf16>
    %mul3A_118 = arith.constant 5.000000e-01 : bf16
    %mul3A_119 = vector.broadcast %mul3A_118 : bf16 to vector<64x2048xbf16>
    %mul3A_120 = arith.mulf %mul3A_119, %tanh3A_117 : vector<64x2048xbf16>
    %add3A_121 = arith.constant 5.000000e-01 : bf16
    %add3A_122 = vector.broadcast %add3A_121 : bf16 to vector<64x2048xbf16>
    %add3A_123 = arith.addf %add3A_122, %mul3A_120 : vector<64x2048xbf16>
    %slice3A_124 = vector.extract_strided_slice %convert_element_type3A_107 {offsets = [128, 0], sizes = [64, 2048], strides = [1, 1]} : vector<256x2048xbf16> to vector<64x2048xbf16>
    %tanh3A_125 = math.tanh %slice3A_124 : vector<64x2048xbf16>
    %slice3A_126 = vector.extract_strided_slice %convert_element_type3A_107 {offsets = [192, 0], sizes = [64, 2048], strides = [1, 1]} : vector<256x2048xbf16> to vector<64x2048xbf16>
    %tanh3A_127 = math.tanh %slice3A_126 : vector<64x2048xbf16>
    %mul3A_128 = arith.constant 5.000000e-01 : bf16
    %mul3A_129 = vector.broadcast %mul3A_128 : bf16 to vector<64x2048xbf16>
    %mul3A_130 = arith.mulf %mul3A_129, %tanh3A_127 : vector<64x2048xbf16>
    %add3A_131 = arith.constant 5.000000e-01 : bf16
    %add3A_132 = vector.broadcast %add3A_131 : bf16 to vector<64x2048xbf16>
    %add3A_133 = arith.addf %add3A_132, %mul3A_130 : vector<64x2048xbf16>
    %mul3A_134 = arith.mulf %add3A_123, %add3A_85 : vector<64x2048xbf16>
    %mul3A_135 = arith.mulf %add3A_115, %tanh3A_125 : vector<64x2048xbf16>
    %add3A_136 = arith.addf %mul3A_134, %mul3A_135 : vector<64x2048xbf16>
    %tanh3A_137 = math.tanh %add3A_136 : vector<64x2048xbf16>
    %mul3A_138 = arith.mulf %add3A_133, %tanh3A_137 : vector<64x2048xbf16>
    %slice3A_139 = vector.extract_strided_slice %get3A_34 {offsets = [2, 0], sizes = [1, 1024], strides = [1, 1]} : vector<50x1024xi32> to vector<1x1024xi32>
    %slice3A_140 = vector.extract_strided_slice %get3A_37 {offsets = [2, 0], sizes = [1, 1024], strides = [1, 1]} : vector<50x1024xi32> to vector<1x1024xi32>
    %concatenate3A_141 = tpu.concatenate %slice3A_139, %slice3A_140 in 1 : vector<1x1024xi32>, vector<1x1024xi32> -> vector<1x2048xi32>
    %broadcast_in_dim3A_142 = vector.shape_cast %concatenate3A_141 : vector<1x2048xi32> to vector<1x2048xi32>
    %broadcast_in_dim3A_143 = vector.broadcast %broadcast_in_dim3A_142 : vector<1x2048xi32> to vector<8x2048xi32>
    %lt3A_144 = arith.constant 0 : i32
    %lt3A_145 = vector.broadcast %lt3A_144 : i32 to vector<8x2048xi32>
    %lt3A_146 = arith.cmpi slt, %broadcast_in_dim3A_143, %lt3A_145 : vector<8x2048xi32>
    %add3A_147 = arith.constant 128 : i32
    %add3A_148 = vector.broadcast %add3A_147 : i32 to vector<8x2048xi32>
    %add3A_149 = arith.addi %broadcast_in_dim3A_143, %add3A_148 : vector<8x2048xi32>
    %select_n3A_150 = arith.select %lt3A_146, %add3A_149, %broadcast_in_dim3A_143 : vector<8x2048xi1>, vector<8x2048xi32>
    %reshape3A_151 = vector.shape_cast %select_n3A_150 : vector<8x2048xi32> to vector<8x2048x1xi32>
    %gather3A_152 = vector.shape_cast %reshape3A_151 : vector<8x2048x1xi32> to vector<8x2048xi32>
    %gather3A_153 = tpu.dynamic_gather %get3A_31[%gather3A_152] in [1] : vector<8x128xf32>, vector<8x2048xi32> -> vector<8x2048xf32>
    %convert_element_type3A_154 = arith.truncf %gather3A_153 : vector<8x2048xf32> to vector<8x2048xbf16>
    %concatenate3A_155 = tpu.concatenate %convert_element_type3A_154, %mul3A_138 in 0 : vector<8x2048xbf16>, vector<64x2048xbf16> -> vector<72x2048xbf16>
    %dot_general3A_156 = arith.constant dense<0.000000e+00> : vector<256x2048xf32>
    %dot_general3A_157 = tpu.matmul %convert_element_type3A, %concatenate3A_155, %dot_general3A_156 {dimension_numbers = #tpu.dot_dimension_numbers<[1], [0], [0], [1], [0, 0, 1, 1], [], []>, transpose_lhs_hint = false} : vector<256x72xbf16>, vector<72x2048xbf16>, vector<256x2048xf32> -> vector<256x2048xf32>
    %convert_element_type3A_158 = arith.truncf %dot_general3A_157 : vector<256x2048xf32> to vector<256x2048xbf16>
    %slice3A_159 = vector.extract_strided_slice %convert_element_type3A_158 {offsets = [0, 0], sizes = [64, 2048], strides = [1, 1]} : vector<256x2048xbf16> to vector<64x2048xbf16>
    %tanh3A_160 = math.tanh %slice3A_159 : vector<64x2048xbf16>
    %mul3A_161 = arith.constant 5.000000e-01 : bf16
    %mul3A_162 = vector.broadcast %mul3A_161 : bf16 to vector<64x2048xbf16>
    %mul3A_163 = arith.mulf %mul3A_162, %tanh3A_160 : vector<64x2048xbf16>
    %add3A_164 = arith.constant 5.000000e-01 : bf16
    %add3A_165 = vector.broadcast %add3A_164 : bf16 to vector<64x2048xbf16>
    %add3A_166 = arith.addf %add3A_165, %mul3A_163 : vector<64x2048xbf16>
    %slice3A_167 = vector.extract_strided_slice %convert_element_type3A_158 {offsets = [64, 0], sizes = [64, 2048], strides = [1, 1]} : vector<256x2048xbf16> to vector<64x2048xbf16>
    %tanh3A_168 = math.tanh %slice3A_167 : vector<64x2048xbf16>
    %mul3A_169 = arith.constant 5.000000e-01 : bf16
    %mul3A_170 = vector.broadcast %mul3A_169 : bf16 to vector<64x2048xbf16>
    %mul3A_171 = arith.mulf %mul3A_170, %tanh3A_168 : vector<64x2048xbf16>
    %add3A_172 = arith.constant 5.000000e-01 : bf16
    %add3A_173 = vector.broadcast %add3A_172 : bf16 to vector<64x2048xbf16>
    %add3A_174 = arith.addf %add3A_173, %mul3A_171 : vector<64x2048xbf16>
    %slice3A_175 = vector.extract_strided_slice %convert_element_type3A_158 {offsets = [128, 0], sizes = [64, 2048], strides = [1, 1]} : vector<256x2048xbf16> to vector<64x2048xbf16>
    %tanh3A_176 = math.tanh %slice3A_175 : vector<64x2048xbf16>
    %slice3A_177 = vector.extract_strided_slice %convert_element_type3A_158 {offsets = [192, 0], sizes = [64, 2048], strides = [1, 1]} : vector<256x2048xbf16> to vector<64x2048xbf16>
    %tanh3A_178 = math.tanh %slice3A_177 : vector<64x2048xbf16>
    %mul3A_179 = arith.constant 5.000000e-01 : bf16
    %mul3A_180 = vector.broadcast %mul3A_179 : bf16 to vector<64x2048xbf16>
    %mul3A_181 = arith.mulf %mul3A_180, %tanh3A_178 : vector<64x2048xbf16>
    %add3A_182 = arith.constant 5.000000e-01 : bf16
    %add3A_183 = vector.broadcast %add3A_182 : bf16 to vector<64x2048xbf16>
    %add3A_184 = arith.addf %add3A_183, %mul3A_181 : vector<64x2048xbf16>
    %mul3A_185 = arith.mulf %add3A_174, %add3A_136 : vector<64x2048xbf16>
    %mul3A_186 = arith.mulf %add3A_166, %tanh3A_176 : vector<64x2048xbf16>
    %add3A_187 = arith.addf %mul3A_185, %mul3A_186 : vector<64x2048xbf16>
    %tanh3A_188 = math.tanh %add3A_187 : vector<64x2048xbf16>
    %mul3A_189 = arith.mulf %add3A_184, %tanh3A_188 : vector<64x2048xbf16>
    %slice3A_190 = vector.extract_strided_slice %get3A_34 {offsets = [3, 0], sizes = [1, 1024], strides = [1, 1]} : vector<50x1024xi32> to vector<1x1024xi32>
    %slice3A_191 = vector.extract_strided_slice %get3A_37 {offsets = [3, 0], sizes = [1, 1024], strides = [1, 1]} : vector<50x1024xi32> to vector<1x1024xi32>
    %concatenate3A_192 = tpu.concatenate %slice3A_190, %slice3A_191 in 1 : vector<1x1024xi32>, vector<1x1024xi32> -> vector<1x2048xi32>
    %broadcast_in_dim3A_193 = vector.shape_cast %concatenate3A_192 : vector<1x2048xi32> to vector<1x2048xi32>
    %broadcast_in_dim3A_194 = vector.broadcast %broadcast_in_dim3A_193 : vector<1x2048xi32> to vector<8x2048xi32>
    %lt3A_195 = arith.constant 0 : i32
    %lt3A_196 = vector.broadcast %lt3A_195 : i32 to vector<8x2048xi32>
    %lt3A_197 = arith.cmpi slt, %broadcast_in_dim3A_194, %lt3A_196 : vector<8x2048xi32>
    %add3A_198 = arith.constant 128 : i32
    %add3A_199 = vector.broadcast %add3A_198 : i32 to vector<8x2048xi32>
    %add3A_200 = arith.addi %broadcast_in_dim3A_194, %add3A_199 : vector<8x2048xi32>
    %select_n3A_201 = arith.select %lt3A_197, %add3A_200, %broadcast_in_dim3A_194 : vector<8x2048xi1>, vector<8x2048xi32>
    %reshape3A_202 = vector.shape_cast %select_n3A_201 : vector<8x2048xi32> to vector<8x2048x1xi32>
    %gather3A_203 = vector.shape_cast %reshape3A_202 : vector<8x2048x1xi32> to vector<8x2048xi32>
    %gather3A_204 = tpu.dynamic_gather %get3A_31[%gather3A_203] in [1] : vector<8x128xf32>, vector<8x2048xi32> -> vector<8x2048xf32>
    %convert_element_type3A_205 = arith.truncf %gather3A_204 : vector<8x2048xf32> to vector<8x2048xbf16>
    %concatenate3A_206 = tpu.concatenate %convert_element_type3A_205, %mul3A_189 in 0 : vector<8x2048xbf16>, vector<64x2048xbf16> -> vector<72x2048xbf16>
    %dot_general3A_207 = arith.constant dense<0.000000e+00> : vector<256x2048xf32>
    %dot_general3A_208 = tpu.matmul %convert_element_type3A, %concatenate3A_206, %dot_general3A_207 {dimension_numbers = #tpu.dot_dimension_numbers<[1], [0], [0], [1], [0, 0, 1, 1], [], []>, transpose_lhs_hint = false} : vector<256x72xbf16>, vector<72x2048xbf16>, vector<256x2048xf32> -> vector<256x2048xf32>
    %convert_element_type3A_209 = arith.truncf %dot_general3A_208 : vector<256x2048xf32> to vector<256x2048xbf16>
    %slice3A_210 = vector.extract_strided_slice %convert_element_type3A_209 {offsets = [0, 0], sizes = [64, 2048], strides = [1, 1]} : vector<256x2048xbf16> to vector<64x2048xbf16>
    %tanh3A_211 = math.tanh %slice3A_210 : vector<64x2048xbf16>
    %mul3A_212 = arith.constant 5.000000e-01 : bf16
    %mul3A_213 = vector.broadcast %mul3A_212 : bf16 to vector<64x2048xbf16>
    %mul3A_214 = arith.mulf %mul3A_213, %tanh3A_211 : vector<64x2048xbf16>
    %add3A_215 = arith.constant 5.000000e-01 : bf16
    %add3A_216 = vector.broadcast %add3A_215 : bf16 to vector<64x2048xbf16>
    %add3A_217 = arith.addf %add3A_216, %mul3A_214 : vector<64x2048xbf16>
    %slice3A_218 = vector.extract_strided_slice %convert_element_type3A_209 {offsets = [64, 0], sizes = [64, 2048], strides = [1, 1]} : vector<256x2048xbf16> to vector<64x2048xbf16>
    %tanh3A_219 = math.tanh %slice3A_218 : vector<64x2048xbf16>
    %mul3A_220 = arith.constant 5.000000e-01 : bf16
    %mul3A_221 = vector.broadcast %mul3A_220 : bf16 to vector<64x2048xbf16>
    %mul3A_222 = arith.mulf %mul3A_221, %tanh3A_219 : vector<64x2048xbf16>
    %add3A_223 = arith.constant 5.000000e-01 : bf16
    %add3A_224 = vector.broadcast %add3A_223 : bf16 to vector<64x2048xbf16>
    %add3A_225 = arith.addf %add3A_224, %mul3A_222 : vector<64x2048xbf16>
    %slice3A_226 = vector.extract_strided_slice %convert_element_type3A_209 {offsets = [128, 0], sizes = [64, 2048], strides = [1, 1]} : vector<256x2048xbf16> to vector<64x2048xbf16>
    %tanh3A_227 = math.tanh %slice3A_226 : vector<64x2048xbf16>
    %slice3A_228 = vector.extract_strided_slice %convert_element_type3A_209 {offsets = [192, 0], sizes = [64, 2048], strides = [1, 1]} : vector<256x2048xbf16> to vector<64x2048xbf16>
    %tanh3A_229 = math.tanh %slice3A_228 : vector<64x2048xbf16>
    %mul3A_230 = arith.constant 5.000000e-01 : bf16
    %mul3A_231 = vector.broadcast %mul3A_230 : bf16 to vector<64x2048xbf16>
    %mul3A_232 = arith.mulf %mul3A_231, %tanh3A_229 : vector<64x2048xbf16>
    %add3A_233 = arith.constant 5.000000e-01 : bf16
    %add3A_234 = vector.broadcast %add3A_233 : bf16 to vector<64x2048xbf16>
    %add3A_235 = arith.addf %add3A_234, %mul3A_232 : vector<64x2048xbf16>
    %mul3A_236 = arith.mulf %add3A_225, %add3A_187 : vector<64x2048xbf16>
    %mul3A_237 = arith.mulf %add3A_217, %tanh3A_227 : vector<64x2048xbf16>
    %add3A_238 = arith.addf %mul3A_236, %mul3A_237 : vector<64x2048xbf16>
    %tanh3A_239 = math.tanh %add3A_238 : vector<64x2048xbf16>
    %mul3A_240 = arith.mulf %add3A_235, %tanh3A_239 : vector<64x2048xbf16>
    %slice3A_241 = vector.extract_strided_slice %get3A_34 {offsets = [4, 0], sizes = [1, 1024], strides = [1, 1]} : vector<50x1024xi32> to vector<1x1024xi32>
    %slice3A_242 = vector.extract_strided_slice %get3A_37 {offsets = [4, 0], sizes = [1, 1024], strides = [1, 1]} : vector<50x1024xi32> to vector<1x1024xi32>
    %concatenate3A_243 = tpu.concatenate %slice3A_241, %slice3A_242 in 1 : vector<1x1024xi32>, vector<1x1024xi32> -> vector<1x2048xi32>
    %broadcast_in_dim3A_244 = vector.shape_cast %concatenate3A_243 : vector<1x2048xi32> to vector<1x2048xi32>
    %broadcast_in_dim3A_245 = vector.broadcast %broadcast_in_dim3A_244 : vector<1x2048xi32> to vector<8x2048xi32>
    %lt3A_246 = arith.constant 0 : i32
    %lt3A_247 = vector.broadcast %lt3A_246 : i32 to vector<8x2048xi32>
    %lt3A_248 = arith.cmpi slt, %broadcast_in_dim3A_245, %lt3A_247 : vector<8x2048xi32>
    %add3A_249 = arith.constant 128 : i32
    %add3A_250 = vector.broadcast %add3A_249 : i32 to vector<8x2048xi32>
    %add3A_251 = arith.addi %broadcast_in_dim3A_245, %add3A_250 : vector<8x2048xi32>
    %select_n3A_252 = arith.select %lt3A_248, %add3A_251, %broadcast_in_dim3A_245 : vector<8x2048xi1>, vector<8x2048xi32>
    %reshape3A_253 = vector.shape_cast %select_n3A_252 : vector<8x2048xi32> to vector<8x2048x1xi32>
    %gather3A_254 = vector.shape_cast %reshape3A_253 : vector<8x2048x1xi32> to vector<8x2048xi32>
    %gather3A_255 = tpu.dynamic_gather %get3A_31[%gather3A_254] in [1] : vector<8x128xf32>, vector<8x2048xi32> -> vector<8x2048xf32>
    %convert_element_type3A_256 = arith.truncf %gather3A_255 : vector<8x2048xf32> to vector<8x2048xbf16>
    %concatenate3A_257 = tpu.concatenate %convert_element_type3A_256, %mul3A_240 in 0 : vector<8x2048xbf16>, vector<64x2048xbf16> -> vector<72x2048xbf16>
    %dot_general3A_258 = arith.constant dense<0.000000e+00> : vector<256x2048xf32>
    %dot_general3A_259 = tpu.matmul %convert_element_type3A, %concatenate3A_257, %dot_general3A_258 {dimension_numbers = #tpu.dot_dimension_numbers<[1], [0], [0], [1], [0, 0, 1, 1], [], []>, transpose_lhs_hint = false} : vector<256x72xbf16>, vector<72x2048xbf16>, vector<256x2048xf32> -> vector<256x2048xf32>
    %convert_element_type3A_260 = arith.truncf %dot_general3A_259 : vector<256x2048xf32> to vector<256x2048xbf16>
    %slice3A_261 = vector.extract_strided_slice %convert_element_type3A_260 {offsets = [0, 0], sizes = [64, 2048], strides = [1, 1]} : vector<256x2048xbf16> to vector<64x2048xbf16>
    %tanh3A_262 = math.tanh %slice3A_261 : vector<64x2048xbf16>
    %mul3A_263 = arith.constant 5.000000e-01 : bf16
    %mul3A_264 = vector.broadcast %mul3A_263 : bf16 to vector<64x2048xbf16>
    %mul3A_265 = arith.mulf %mul3A_264, %tanh3A_262 : vector<64x2048xbf16>
    %add3A_266 = arith.constant 5.000000e-01 : bf16
    %add3A_267 = vector.broadcast %add3A_266 : bf16 to vector<64x2048xbf16>
    %add3A_268 = arith.addf %add3A_267, %mul3A_265 : vector<64x2048xbf16>
    %slice3A_269 = vector.extract_strided_slice %convert_element_type3A_260 {offsets = [64, 0], sizes = [64, 2048], strides = [1, 1]} : vector<256x2048xbf16> to vector<64x2048xbf16>
    %tanh3A_270 = math.tanh %slice3A_269 : vector<64x2048xbf16>
    %mul3A_271 = arith.constant 5.000000e-01 : bf16
    %mul3A_272 = vector.broadcast %mul3A_271 : bf16 to vector<64x2048xbf16>
    %mul3A_273 = arith.mulf %mul3A_272, %tanh3A_270 : vector<64x2048xbf16>
    %add3A_274 = arith.constant 5.000000e-01 : bf16
    %add3A_275 = vector.broadcast %add3A_274 : bf16 to vector<64x2048xbf16>
    %add3A_276 = arith.addf %add3A_275, %mul3A_273 : vector<64x2048xbf16>
    %slice3A_277 = vector.extract_strided_slice %convert_element_type3A_260 {offsets = [128, 0], sizes = [64, 2048], strides = [1, 1]} : vector<256x2048xbf16> to vector<64x2048xbf16>
    %tanh3A_278 = math.tanh %slice3A_277 : vector<64x2048xbf16>
    %slice3A_279 = vector.extract_strided_slice %convert_element_type3A_260 {offsets = [192, 0], sizes = [64, 2048], strides = [1, 1]} : vector<256x2048xbf16> to vector<64x2048xbf16>
    %tanh3A_280 = math.tanh %slice3A_279 : vector<64x2048xbf16>
    %mul3A_281 = arith.constant 5.000000e-01 : bf16
    %mul3A_282 = vector.broadcast %mul3A_281 : bf16 to vector<64x2048xbf16>
    %mul3A_283 = arith.mulf %mul3A_282, %tanh3A_280 : vector<64x2048xbf16>
    %add3A_284 = arith.constant 5.000000e-01 : bf16
    %add3A_285 = vector.broadcast %add3A_284 : bf16 to vector<64x2048xbf16>
    %add3A_286 = arith.addf %add3A_285, %mul3A_283 : vector<64x2048xbf16>
    %mul3A_287 = arith.mulf %add3A_276, %add3A_238 : vector<64x2048xbf16>
    %mul3A_288 = arith.mulf %add3A_268, %tanh3A_278 : vector<64x2048xbf16>
    %add3A_289 = arith.addf %mul3A_287, %mul3A_288 : vector<64x2048xbf16>
    %tanh3A_290 = math.tanh %add3A_289 : vector<64x2048xbf16>
    %mul3A_291 = arith.mulf %add3A_286, %tanh3A_290 : vector<64x2048xbf16>
    %slice3A_292 = vector.extract_strided_slice %get3A_34 {offsets = [5, 0], sizes = [1, 1024], strides = [1, 1]} : vector<50x1024xi32> to vector<1x1024xi32>
    %slice3A_293 = vector.extract_strided_slice %get3A_37 {offsets = [5, 0], sizes = [1, 1024], strides = [1, 1]} : vector<50x1024xi32> to vector<1x1024xi32>
    %concatenate3A_294 = tpu.concatenate %slice3A_292, %slice3A_293 in 1 : vector<1x1024xi32>, vector<1x1024xi32> -> vector<1x2048xi32>
    %broadcast_in_dim3A_295 = vector.shape_cast %concatenate3A_294 : vector<1x2048xi32> to vector<1x2048xi32>
    %broadcast_in_dim3A_296 = vector.broadcast %broadcast_in_dim3A_295 : vector<1x2048xi32> to vector<8x2048xi32>
    %lt3A_297 = arith.constant 0 : i32
    %lt3A_298 = vector.broadcast %lt3A_297 : i32 to vector<8x2048xi32>
    %lt3A_299 = arith.cmpi slt, %broadcast_in_dim3A_296, %lt3A_298 : vector<8x2048xi32>
    %add3A_300 = arith.constant 128 : i32
    %add3A_301 = vector.broadcast %add3A_300 : i32 to vector<8x2048xi32>
    %add3A_302 = arith.addi %broadcast_in_dim3A_296, %add3A_301 : vector<8x2048xi32>
    %select_n3A_303 = arith.select %lt3A_299, %add3A_302, %broadcast_in_dim3A_296 : vector<8x2048xi1>, vector<8x2048xi32>
    %reshape3A_304 = vector.shape_cast %select_n3A_303 : vector<8x2048xi32> to vector<8x2048x1xi32>
    %gather3A_305 = vector.shape_cast %reshape3A_304 : vector<8x2048x1xi32> to vector<8x2048xi32>
    %gather3A_306 = tpu.dynamic_gather %get3A_31[%gather3A_305] in [1] : vector<8x128xf32>, vector<8x2048xi32> -> vector<8x2048xf32>
    %convert_element_type3A_307 = arith.truncf %gather3A_306 : vector<8x2048xf32> to vector<8x2048xbf16>
    %concatenate3A_308 = tpu.concatenate %convert_element_type3A_307, %mul3A_291 in 0 : vector<8x2048xbf16>, vector<64x2048xbf16> -> vector<72x2048xbf16>
    %dot_general3A_309 = arith.constant dense<0.000000e+00> : vector<256x2048xf32>
    %dot_general3A_310 = tpu.matmul %convert_element_type3A, %concatenate3A_308, %dot_general3A_309 {dimension_numbers = #tpu.dot_dimension_numbers<[1], [0], [0], [1], [0, 0, 1, 1], [], []>, transpose_lhs_hint = false} : vector<256x72xbf16>, vector<72x2048xbf16>, vector<256x2048xf32> -> vector<256x2048xf32>
    %convert_element_type3A_311 = arith.truncf %dot_general3A_310 : vector<256x2048xf32> to vector<256x2048xbf16>
    %slice3A_312 = vector.extract_strided_slice %convert_element_type3A_311 {offsets = [0, 0], sizes = [64, 2048], strides = [1, 1]} : vector<256x2048xbf16> to vector<64x2048xbf16>
    %tanh3A_313 = math.tanh %slice3A_312 : vector<64x2048xbf16>
    %mul3A_314 = arith.constant 5.000000e-01 : bf16
    %mul3A_315 = vector.broadcast %mul3A_314 : bf16 to vector<64x2048xbf16>
    %mul3A_316 = arith.mulf %mul3A_315, %tanh3A_313 : vector<64x2048xbf16>
    %add3A_317 = arith.constant 5.000000e-01 : bf16
    %add3A_318 = vector.broadcast %add3A_317 : bf16 to vector<64x2048xbf16>
    %add3A_319 = arith.addf %add3A_318, %mul3A_316 : vector<64x2048xbf16>
    %slice3A_320 = vector.extract_strided_slice %convert_element_type3A_311 {offsets = [64, 0], sizes = [64, 2048], strides = [1, 1]} : vector<256x2048xbf16> to vector<64x2048xbf16>
    %tanh3A_321 = math.tanh %slice3A_320 : vector<64x2048xbf16>
    %mul3A_322 = arith.constant 5.000000e-01 : bf16
    %mul3A_323 = vector.broadcast %mul3A_322 : bf16 to vector<64x2048xbf16>
    %mul3A_324 = arith.mulf %mul3A_323, %tanh3A_321 : vector<64x2048xbf16>
    %add3A_325 = arith.constant 5.000000e-01 : bf16
    %add3A_326 = vector.broadcast %add3A_325 : bf16 to vector<64x2048xbf16>
    %add3A_327 = arith.addf %add3A_326, %mul3A_324 : vector<64x2048xbf16>
    %slice3A_328 = vector.extract_strided_slice %convert_element_type3A_311 {offsets = [128, 0], sizes = [64, 2048], strides = [1, 1]} : vector<256x2048xbf16> to vector<64x2048xbf16>
    %tanh3A_329 = math.tanh %slice3A_328 : vector<64x2048xbf16>
    %slice3A_330 = vector.extract_strided_slice %convert_element_type3A_311 {offsets = [192, 0], sizes = [64, 2048], strides = [1, 1]} : vector<256x2048xbf16> to vector<64x2048xbf16>
    %tanh3A_331 = math.tanh %slice3A_330 : vector<64x2048xbf16>
    %mul3A_332 = arith.constant 5.000000e-01 : bf16
    %mul3A_333 = vector.broadcast %mul3A_332 : bf16 to vector<64x2048xbf16>
    %mul3A_334 = arith.mulf %mul3A_333, %tanh3A_331 : vector<64x2048xbf16>
    %add3A_335 = arith.constant 5.000000e-01 : bf16
    %add3A_336 = vector.broadcast %add3A_335 : bf16 to vector<64x2048xbf16>
    %add3A_337 = arith.addf %add3A_336, %mul3A_334 : vector<64x2048xbf16>
    %mul3A_338 = arith.mulf %add3A_327, %add3A_289 : vector<64x2048xbf16>
    %mul3A_339 = arith.mulf %add3A_319, %tanh3A_329 : vector<64x2048xbf16>
    %add3A_340 = arith.addf %mul3A_338, %mul3A_339 : vector<64x2048xbf16>
    %tanh3A_341 = math.tanh %add3A_340 : vector<64x2048xbf16>
    %mul3A_342 = arith.mulf %add3A_337, %tanh3A_341 : vector<64x2048xbf16>
    %slice3A_343 = vector.extract_strided_slice %get3A_34 {offsets = [6, 0], sizes = [1, 1024], strides = [1, 1]} : vector<50x1024xi32> to vector<1x1024xi32>
    %slice3A_344 = vector.extract_strided_slice %get3A_37 {offsets = [6, 0], sizes = [1, 1024], strides = [1, 1]} : vector<50x1024xi32> to vector<1x1024xi32>
    %concatenate3A_345 = tpu.concatenate %slice3A_343, %slice3A_344 in 1 : vector<1x1024xi32>, vector<1x1024xi32> -> vector<1x2048xi32>
    %broadcast_in_dim3A_346 = vector.shape_cast %concatenate3A_345 : vector<1x2048xi32> to vector<1x2048xi32>
    %broadcast_in_dim3A_347 = vector.broadcast %broadcast_in_dim3A_346 : vector<1x2048xi32> to vector<8x2048xi32>
    %lt3A_348 = arith.constant 0 : i32
    %lt3A_349 = vector.broadcast %lt3A_348 : i32 to vector<8x2048xi32>
    %lt3A_350 = arith.cmpi slt, %broadcast_in_dim3A_347, %lt3A_349 : vector<8x2048xi32>
    %add3A_351 = arith.constant 128 : i32
    %add3A_352 = vector.broadcast %add3A_351 : i32 to vector<8x2048xi32>
    %add3A_353 = arith.addi %broadcast_in_dim3A_347, %add3A_352 : vector<8x2048xi32>
    %select_n3A_354 = arith.select %lt3A_350, %add3A_353, %broadcast_in_dim3A_347 : vector<8x2048xi1>, vector<8x2048xi32>
    %reshape3A_355 = vector.shape_cast %select_n3A_354 : vector<8x2048xi32> to vector<8x2048x1xi32>
    %gather3A_356 = vector.shape_cast %reshape3A_355 : vector<8x2048x1xi32> to vector<8x2048xi32>
    %gather3A_357 = tpu.dynamic_gather %get3A_31[%gather3A_356] in [1] : vector<8x128xf32>, vector<8x2048xi32> -> vector<8x2048xf32>
    %convert_element_type3A_358 = arith.truncf %gather3A_357 : vector<8x2048xf32> to vector<8x2048xbf16>
    %concatenate3A_359 = tpu.concatenate %convert_element_type3A_358, %mul3A_342 in 0 : vector<8x2048xbf16>, vector<64x2048xbf16> -> vector<72x2048xbf16>
    %dot_general3A_360 = arith.constant dense<0.000000e+00> : vector<256x2048xf32>
    %dot_general3A_361 = tpu.matmul %convert_element_type3A, %concatenate3A_359, %dot_general3A_360 {dimension_numbers = #tpu.dot_dimension_numbers<[1], [0], [0], [1], [0, 0, 1, 1], [], []>, transpose_lhs_hint = false} : vector<256x72xbf16>, vector<72x2048xbf16>, vector<256x2048xf32> -> vector<256x2048xf32>
    %convert_element_type3A_362 = arith.truncf %dot_general3A_361 : vector<256x2048xf32> to vector<256x2048xbf16>
    %slice3A_363 = vector.extract_strided_slice %convert_element_type3A_362 {offsets = [0, 0], sizes = [64, 2048], strides = [1, 1]} : vector<256x2048xbf16> to vector<64x2048xbf16>
    %tanh3A_364 = math.tanh %slice3A_363 : vector<64x2048xbf16>
    %mul3A_365 = arith.constant 5.000000e-01 : bf16
    %mul3A_366 = vector.broadcast %mul3A_365 : bf16 to vector<64x2048xbf16>
    %mul3A_367 = arith.mulf %mul3A_366, %tanh3A_364 : vector<64x2048xbf16>
    %add3A_368 = arith.constant 5.000000e-01 : bf16
    %add3A_369 = vector.broadcast %add3A_368 : bf16 to vector<64x2048xbf16>
    %add3A_370 = arith.addf %add3A_369, %mul3A_367 : vector<64x2048xbf16>
    %slice3A_371 = vector.extract_strided_slice %convert_element_type3A_362 {offsets = [64, 0], sizes = [64, 2048], strides = [1, 1]} : vector<256x2048xbf16> to vector<64x2048xbf16>
    %tanh3A_372 = math.tanh %slice3A_371 : vector<64x2048xbf16>
    %mul3A_373 = arith.constant 5.000000e-01 : bf16
    %mul3A_374 = vector.broadcast %mul3A_373 : bf16 to vector<64x2048xbf16>
    %mul3A_375 = arith.mulf %mul3A_374, %tanh3A_372 : vector<64x2048xbf16>
    %add3A_376 = arith.constant 5.000000e-01 : bf16
    %add3A_377 = vector.broadcast %add3A_376 : bf16 to vector<64x2048xbf16>
    %add3A_378 = arith.addf %add3A_377, %mul3A_375 : vector<64x2048xbf16>
    %slice3A_379 = vector.extract_strided_slice %convert_element_type3A_362 {offsets = [128, 0], sizes = [64, 2048], strides = [1, 1]} : vector<256x2048xbf16> to vector<64x2048xbf16>
    %tanh3A_380 = math.tanh %slice3A_379 : vector<64x2048xbf16>
    %slice3A_381 = vector.extract_strided_slice %convert_element_type3A_362 {offsets = [192, 0], sizes = [64, 2048], strides = [1, 1]} : vector<256x2048xbf16> to vector<64x2048xbf16>
    %tanh3A_382 = math.tanh %slice3A_381 : vector<64x2048xbf16>
    %mul3A_383 = arith.constant 5.000000e-01 : bf16
    %mul3A_384 = vector.broadcast %mul3A_383 : bf16 to vector<64x2048xbf16>
    %mul3A_385 = arith.mulf %mul3A_384, %tanh3A_382 : vector<64x2048xbf16>
    %add3A_386 = arith.constant 5.000000e-01 : bf16
    %add3A_387 = vector.broadcast %add3A_386 : bf16 to vector<64x2048xbf16>
    %add3A_388 = arith.addf %add3A_387, %mul3A_385 : vector<64x2048xbf16>
    %mul3A_389 = arith.mulf %add3A_378, %add3A_340 : vector<64x2048xbf16>
    %mul3A_390 = arith.mulf %add3A_370, %tanh3A_380 : vector<64x2048xbf16>
    %add3A_391 = arith.addf %mul3A_389, %mul3A_390 : vector<64x2048xbf16>
    %tanh3A_392 = math.tanh %add3A_391 : vector<64x2048xbf16>
    %mul3A_393 = arith.mulf %add3A_388, %tanh3A_392 : vector<64x2048xbf16>
    %slice3A_394 = vector.extract_strided_slice %get3A_34 {offsets = [7, 0], sizes = [1, 1024], strides = [1, 1]} : vector<50x1024xi32> to vector<1x1024xi32>
    %slice3A_395 = vector.extract_strided_slice %get3A_37 {offsets = [7, 0], sizes = [1, 1024], strides = [1, 1]} : vector<50x1024xi32> to vector<1x1024xi32>
    %concatenate3A_396 = tpu.concatenate %slice3A_394, %slice3A_395 in 1 : vector<1x1024xi32>, vector<1x1024xi32> -> vector<1x2048xi32>
    %broadcast_in_dim3A_397 = vector.shape_cast %concatenate3A_396 : vector<1x2048xi32> to vector<1x2048xi32>
    %broadcast_in_dim3A_398 = vector.broadcast %broadcast_in_dim3A_397 : vector<1x2048xi32> to vector<8x2048xi32>
    %lt3A_399 = arith.constant 0 : i32
    %lt3A_400 = vector.broadcast %lt3A_399 : i32 to vector<8x2048xi32>
    %lt3A_401 = arith.cmpi slt, %broadcast_in_dim3A_398, %lt3A_400 : vector<8x2048xi32>
    %add3A_402 = arith.constant 128 : i32
    %add3A_403 = vector.broadcast %add3A_402 : i32 to vector<8x2048xi32>
    %add3A_404 = arith.addi %broadcast_in_dim3A_398, %add3A_403 : vector<8x2048xi32>
    %select_n3A_405 = arith.select %lt3A_401, %add3A_404, %broadcast_in_dim3A_398 : vector<8x2048xi1>, vector<8x2048xi32>
    %reshape3A_406 = vector.shape_cast %select_n3A_405 : vector<8x2048xi32> to vector<8x2048x1xi32>
    %gather3A_407 = vector.shape_cast %reshape3A_406 : vector<8x2048x1xi32> to vector<8x2048xi32>
    %gather3A_408 = tpu.dynamic_gather %get3A_31[%gather3A_407] in [1] : vector<8x128xf32>, vector<8x2048xi32> -> vector<8x2048xf32>
    %convert_element_type3A_409 = arith.truncf %gather3A_408 : vector<8x2048xf32> to vector<8x2048xbf16>
    %concatenate3A_410 = tpu.concatenate %convert_element_type3A_409, %mul3A_393 in 0 : vector<8x2048xbf16>, vector<64x2048xbf16> -> vector<72x2048xbf16>
    %dot_general3A_411 = arith.constant dense<0.000000e+00> : vector<256x2048xf32>
    %dot_general3A_412 = tpu.matmul %convert_element_type3A, %concatenate3A_410, %dot_general3A_411 {dimension_numbers = #tpu.dot_dimension_numbers<[1], [0], [0], [1], [0, 0, 1, 1], [], []>, transpose_lhs_hint = false} : vector<256x72xbf16>, vector<72x2048xbf16>, vector<256x2048xf32> -> vector<256x2048xf32>
    %convert_element_type3A_413 = arith.truncf %dot_general3A_412 : vector<256x2048xf32> to vector<256x2048xbf16>
    %slice3A_414 = vector.extract_strided_slice %convert_element_type3A_413 {offsets = [0, 0], sizes = [64, 2048], strides = [1, 1]} : vector<256x2048xbf16> to vector<64x2048xbf16>
    %tanh3A_415 = math.tanh %slice3A_414 : vector<64x2048xbf16>
    %mul3A_416 = arith.constant 5.000000e-01 : bf16
    %mul3A_417 = vector.broadcast %mul3A_416 : bf16 to vector<64x2048xbf16>
    %mul3A_418 = arith.mulf %mul3A_417, %tanh3A_415 : vector<64x2048xbf16>
    %add3A_419 = arith.constant 5.000000e-01 : bf16
    %add3A_420 = vector.broadcast %add3A_419 : bf16 to vector<64x2048xbf16>
    %add3A_421 = arith.addf %add3A_420, %mul3A_418 : vector<64x2048xbf16>
    %slice3A_422 = vector.extract_strided_slice %convert_element_type3A_413 {offsets = [64, 0], sizes = [64, 2048], strides = [1, 1]} : vector<256x2048xbf16> to vector<64x2048xbf16>
    %tanh3A_423 = math.tanh %slice3A_422 : vector<64x2048xbf16>
    %mul3A_424 = arith.constant 5.000000e-01 : bf16
    %mul3A_425 = vector.broadcast %mul3A_424 : bf16 to vector<64x2048xbf16>
    %mul3A_426 = arith.mulf %mul3A_425, %tanh3A_423 : vector<64x2048xbf16>
    %add3A_427 = arith.constant 5.000000e-01 : bf16
    %add3A_428 = vector.broadcast %add3A_427 : bf16 to vector<64x2048xbf16>
    %add3A_429 = arith.addf %add3A_428, %mul3A_426 : vector<64x2048xbf16>
    %slice3A_430 = vector.extract_strided_slice %convert_element_type3A_413 {offsets = [128, 0], sizes = [64, 2048], strides = [1, 1]} : vector<256x2048xbf16> to vector<64x2048xbf16>
    %tanh3A_431 = math.tanh %slice3A_430 : vector<64x2048xbf16>
    %slice3A_432 = vector.extract_strided_slice %convert_element_type3A_413 {offsets = [192, 0], sizes = [64, 2048], strides = [1, 1]} : vector<256x2048xbf16> to vector<64x2048xbf16>
    %tanh3A_433 = math.tanh %slice3A_432 : vector<64x2048xbf16>
    %mul3A_434 = arith.constant 5.000000e-01 : bf16
    %mul3A_435 = vector.broadcast %mul3A_434 : bf16 to vector<64x2048xbf16>
    %mul3A_436 = arith.mulf %mul3A_435, %tanh3A_433 : vector<64x2048xbf16>
    %add3A_437 = arith.constant 5.000000e-01 : bf16
    %add3A_438 = vector.broadcast %add3A_437 : bf16 to vector<64x2048xbf16>
    %add3A_439 = arith.addf %add3A_438, %mul3A_436 : vector<64x2048xbf16>
    %mul3A_440 = arith.mulf %add3A_429, %add3A_391 : vector<64x2048xbf16>
    %mul3A_441 = arith.mulf %add3A_421, %tanh3A_431 : vector<64x2048xbf16>
    %add3A_442 = arith.addf %mul3A_440, %mul3A_441 : vector<64x2048xbf16>
    %tanh3A_443 = math.tanh %add3A_442 : vector<64x2048xbf16>
    %mul3A_444 = arith.mulf %add3A_439, %tanh3A_443 : vector<64x2048xbf16>
    %slice3A_445 = vector.extract_strided_slice %get3A_34 {offsets = [8, 0], sizes = [1, 1024], strides = [1, 1]} : vector<50x1024xi32> to vector<1x1024xi32>
    %slice3A_446 = vector.extract_strided_slice %get3A_37 {offsets = [8, 0], sizes = [1, 1024], strides = [1, 1]} : vector<50x1024xi32> to vector<1x1024xi32>
    %concatenate3A_447 = tpu.concatenate %slice3A_445, %slice3A_446 in 1 : vector<1x1024xi32>, vector<1x1024xi32> -> vector<1x2048xi32>
    %broadcast_in_dim3A_448 = vector.shape_cast %concatenate3A_447 : vector<1x2048xi32> to vector<1x2048xi32>
    %broadcast_in_dim3A_449 = vector.broadcast %broadcast_in_dim3A_448 : vector<1x2048xi32> to vector<8x2048xi32>
    %lt3A_450 = arith.constant 0 : i32
    %lt3A_451 = vector.broadcast %lt3A_450 : i32 to vector<8x2048xi32>
    %lt3A_452 = arith.cmpi slt, %broadcast_in_dim3A_449, %lt3A_451 : vector<8x2048xi32>
    %add3A_453 = arith.constant 128 : i32
    %add3A_454 = vector.broadcast %add3A_453 : i32 to vector<8x2048xi32>
    %add3A_455 = arith.addi %broadcast_in_dim3A_449, %add3A_454 : vector<8x2048xi32>
    %select_n3A_456 = arith.select %lt3A_452, %add3A_455, %broadcast_in_dim3A_449 : vector<8x2048xi1>, vector<8x2048xi32>
    %reshape3A_457 = vector.shape_cast %select_n3A_456 : vector<8x2048xi32> to vector<8x2048x1xi32>
    %gather3A_458 = vector.shape_cast %reshape3A_457 : vector<8x2048x1xi32> to vector<8x2048xi32>
    %gather3A_459 = tpu.dynamic_gather %get3A_31[%gather3A_458] in [1] : vector<8x128xf32>, vector<8x2048xi32> -> vector<8x2048xf32>
    %convert_element_type3A_460 = arith.truncf %gather3A_459 : vector<8x2048xf32> to vector<8x2048xbf16>
    %concatenate3A_461 = tpu.concatenate %convert_element_type3A_460, %mul3A_444 in 0 : vector<8x2048xbf16>, vector<64x2048xbf16> -> vector<72x2048xbf16>
    %dot_general3A_462 = arith.constant dense<0.000000e+00> : vector<256x2048xf32>
    %dot_general3A_463 = tpu.matmul %convert_element_type3A, %concatenate3A_461, %dot_general3A_462 {dimension_numbers = #tpu.dot_dimension_numbers<[1], [0], [0], [1], [0, 0, 1, 1], [], []>, transpose_lhs_hint = false} : vector<256x72xbf16>, vector<72x2048xbf16>, vector<256x2048xf32> -> vector<256x2048xf32>
    %convert_element_type3A_464 = arith.truncf %dot_general3A_463 : vector<256x2048xf32> to vector<256x2048xbf16>
    %slice3A_465 = vector.extract_strided_slice %convert_element_type3A_464 {offsets = [0, 0], sizes = [64, 2048], strides = [1, 1]} : vector<256x2048xbf16> to vector<64x2048xbf16>
    %tanh3A_466 = math.tanh %slice3A_465 : vector<64x2048xbf16>
    %mul3A_467 = arith.constant 5.000000e-01 : bf16
    %mul3A_468 = vector.broadcast %mul3A_467 : bf16 to vector<64x2048xbf16>
    %mul3A_469 = arith.mulf %mul3A_468, %tanh3A_466 : vector<64x2048xbf16>
    %add3A_470 = arith.constant 5.000000e-01 : bf16
    %add3A_471 = vector.broadcast %add3A_470 : bf16 to vector<64x2048xbf16>
    %add3A_472 = arith.addf %add3A_471, %mul3A_469 : vector<64x2048xbf16>
    %slice3A_473 = vector.extract_strided_slice %convert_element_type3A_464 {offsets = [64, 0], sizes = [64, 2048], strides = [1, 1]} : vector<256x2048xbf16> to vector<64x2048xbf16>
    %tanh3A_474 = math.tanh %slice3A_473 : vector<64x2048xbf16>
    %mul3A_475 = arith.constant 5.000000e-01 : bf16
    %mul3A_476 = vector.broadcast %mul3A_475 : bf16 to vector<64x2048xbf16>
    %mul3A_477 = arith.mulf %mul3A_476, %tanh3A_474 : vector<64x2048xbf16>
    %add3A_478 = arith.constant 5.000000e-01 : bf16
    %add3A_479 = vector.broadcast %add3A_478 : bf16 to vector<64x2048xbf16>
    %add3A_480 = arith.addf %add3A_479, %mul3A_477 : vector<64x2048xbf16>
    %slice3A_481 = vector.extract_strided_slice %convert_element_type3A_464 {offsets = [128, 0], sizes = [64, 2048], strides = [1, 1]} : vector<256x2048xbf16> to vector<64x2048xbf16>
    %tanh3A_482 = math.tanh %slice3A_481 : vector<64x2048xbf16>
    %slice3A_483 = vector.extract_strided_slice %convert_element_type3A_464 {offsets = [192, 0], sizes = [64, 2048], strides = [1, 1]} : vector<256x2048xbf16> to vector<64x2048xbf16>
    %tanh3A_484 = math.tanh %slice3A_483 : vector<64x2048xbf16>
    %mul3A_485 = arith.constant 5.000000e-01 : bf16
    %mul3A_486 = vector.broadcast %mul3A_485 : bf16 to vector<64x2048xbf16>
    %mul3A_487 = arith.mulf %mul3A_486, %tanh3A_484 : vector<64x2048xbf16>
    %add3A_488 = arith.constant 5.000000e-01 : bf16
    %add3A_489 = vector.broadcast %add3A_488 : bf16 to vector<64x2048xbf16>
    %add3A_490 = arith.addf %add3A_489, %mul3A_487 : vector<64x2048xbf16>
    %mul3A_491 = arith.mulf %add3A_480, %add3A_442 : vector<64x2048xbf16>
    %mul3A_492 = arith.mulf %add3A_472, %tanh3A_482 : vector<64x2048xbf16>
    %add3A_493 = arith.addf %mul3A_491, %mul3A_492 : vector<64x2048xbf16>
    %tanh3A_494 = math.tanh %add3A_493 : vector<64x2048xbf16>
    %mul3A_495 = arith.mulf %add3A_490, %tanh3A_494 : vector<64x2048xbf16>
    %slice3A_496 = vector.extract_strided_slice %get3A_34 {offsets = [9, 0], sizes = [1, 1024], strides = [1, 1]} : vector<50x1024xi32> to vector<1x1024xi32>
    %slice3A_497 = vector.extract_strided_slice %get3A_37 {offsets = [9, 0], sizes = [1, 1024], strides = [1, 1]} : vector<50x1024xi32> to vector<1x1024xi32>
    %concatenate3A_498 = tpu.concatenate %slice3A_496, %slice3A_497 in 1 : vector<1x1024xi32>, vector<1x1024xi32> -> vector<1x2048xi32>
    %broadcast_in_dim3A_499 = vector.shape_cast %concatenate3A_498 : vector<1x2048xi32> to vector<1x2048xi32>
    %broadcast_in_dim3A_500 = vector.broadcast %broadcast_in_dim3A_499 : vector<1x2048xi32> to vector<8x2048xi32>
    %lt3A_501 = arith.constant 0 : i32
    %lt3A_502 = vector.broadcast %lt3A_501 : i32 to vector<8x2048xi32>
    %lt3A_503 = arith.cmpi slt, %broadcast_in_dim3A_500, %lt3A_502 : vector<8x2048xi32>
    %add3A_504 = arith.constant 128 : i32
    %add3A_505 = vector.broadcast %add3A_504 : i32 to vector<8x2048xi32>
    %add3A_506 = arith.addi %broadcast_in_dim3A_500, %add3A_505 : vector<8x2048xi32>
    %select_n3A_507 = arith.select %lt3A_503, %add3A_506, %broadcast_in_dim3A_500 : vector<8x2048xi1>, vector<8x2048xi32>
    %reshape3A_508 = vector.shape_cast %select_n3A_507 : vector<8x2048xi32> to vector<8x2048x1xi32>
    %gather3A_509 = vector.shape_cast %reshape3A_508 : vector<8x2048x1xi32> to vector<8x2048xi32>
    %gather3A_510 = tpu.dynamic_gather %get3A_31[%gather3A_509] in [1] : vector<8x128xf32>, vector<8x2048xi32> -> vector<8x2048xf32>
    %convert_element_type3A_511 = arith.truncf %gather3A_510 : vector<8x2048xf32> to vector<8x2048xbf16>
    %concatenate3A_512 = tpu.concatenate %convert_element_type3A_511, %mul3A_495 in 0 : vector<8x2048xbf16>, vector<64x2048xbf16> -> vector<72x2048xbf16>
    %dot_general3A_513 = arith.constant dense<0.000000e+00> : vector<256x2048xf32>
    %dot_general3A_514 = tpu.matmul %convert_element_type3A, %concatenate3A_512, %dot_general3A_513 {dimension_numbers = #tpu.dot_dimension_numbers<[1], [0], [0], [1], [0, 0, 1, 1], [], []>, transpose_lhs_hint = false} : vector<256x72xbf16>, vector<72x2048xbf16>, vector<256x2048xf32> -> vector<256x2048xf32>
    %convert_element_type3A_515 = arith.truncf %dot_general3A_514 : vector<256x2048xf32> to vector<256x2048xbf16>
    %slice3A_516 = vector.extract_strided_slice %convert_element_type3A_515 {offsets = [0, 0], sizes = [64, 2048], strides = [1, 1]} : vector<256x2048xbf16> to vector<64x2048xbf16>
    %tanh3A_517 = math.tanh %slice3A_516 : vector<64x2048xbf16>
    %mul3A_518 = arith.constant 5.000000e-01 : bf16
    %mul3A_519 = vector.broadcast %mul3A_518 : bf16 to vector<64x2048xbf16>
    %mul3A_520 = arith.mulf %mul3A_519, %tanh3A_517 : vector<64x2048xbf16>
    %add3A_521 = arith.constant 5.000000e-01 : bf16
    %add3A_522 = vector.broadcast %add3A_521 : bf16 to vector<64x2048xbf16>
    %add3A_523 = arith.addf %add3A_522, %mul3A_520 : vector<64x2048xbf16>
    %slice3A_524 = vector.extract_strided_slice %convert_element_type3A_515 {offsets = [64, 0], sizes = [64, 2048], strides = [1, 1]} : vector<256x2048xbf16> to vector<64x2048xbf16>
    %tanh3A_525 = math.tanh %slice3A_524 : vector<64x2048xbf16>
    %mul3A_526 = arith.constant 5.000000e-01 : bf16
    %mul3A_527 = vector.broadcast %mul3A_526 : bf16 to vector<64x2048xbf16>
    %mul3A_528 = arith.mulf %mul3A_527, %tanh3A_525 : vector<64x2048xbf16>
    %add3A_529 = arith.constant 5.000000e-01 : bf16
    %add3A_530 = vector.broadcast %add3A_529 : bf16 to vector<64x2048xbf16>
    %add3A_531 = arith.addf %add3A_530, %mul3A_528 : vector<64x2048xbf16>
    %slice3A_532 = vector.extract_strided_slice %convert_element_type3A_515 {offsets = [128, 0], sizes = [64, 2048], strides = [1, 1]} : vector<256x2048xbf16> to vector<64x2048xbf16>
    %tanh3A_533 = math.tanh %slice3A_532 : vector<64x2048xbf16>
    %slice3A_534 = vector.extract_strided_slice %convert_element_type3A_515 {offsets = [192, 0], sizes = [64, 2048], strides = [1, 1]} : vector<256x2048xbf16> to vector<64x2048xbf16>
    %tanh3A_535 = math.tanh %slice3A_534 : vector<64x2048xbf16>
    %mul3A_536 = arith.constant 5.000000e-01 : bf16
    %mul3A_537 = vector.broadcast %mul3A_536 : bf16 to vector<64x2048xbf16>
    %mul3A_538 = arith.mulf %mul3A_537, %tanh3A_535 : vector<64x2048xbf16>
    %add3A_539 = arith.constant 5.000000e-01 : bf16
    %add3A_540 = vector.broadcast %add3A_539 : bf16 to vector<64x2048xbf16>
    %add3A_541 = arith.addf %add3A_540, %mul3A_538 : vector<64x2048xbf16>
    %mul3A_542 = arith.mulf %add3A_531, %add3A_493 : vector<64x2048xbf16>
    %mul3A_543 = arith.mulf %add3A_523, %tanh3A_533 : vector<64x2048xbf16>
    %add3A_544 = arith.addf %mul3A_542, %mul3A_543 : vector<64x2048xbf16>
    %tanh3A_545 = math.tanh %add3A_544 : vector<64x2048xbf16>
    %mul3A_546 = arith.mulf %add3A_541, %tanh3A_545 : vector<64x2048xbf16>
    %slice3A_547 = vector.extract_strided_slice %get3A_34 {offsets = [10, 0], sizes = [1, 1024], strides = [1, 1]} : vector<50x1024xi32> to vector<1x1024xi32>
    %slice3A_548 = vector.extract_strided_slice %get3A_37 {offsets = [10, 0], sizes = [1, 1024], strides = [1, 1]} : vector<50x1024xi32> to vector<1x1024xi32>
    %concatenate3A_549 = tpu.concatenate %slice3A_547, %slice3A_548 in 1 : vector<1x1024xi32>, vector<1x1024xi32> -> vector<1x2048xi32>
    %broadcast_in_dim3A_550 = vector.shape_cast %concatenate3A_549 : vector<1x2048xi32> to vector<1x2048xi32>
    %broadcast_in_dim3A_551 = vector.broadcast %broadcast_in_dim3A_550 : vector<1x2048xi32> to vector<8x2048xi32>
    %lt3A_552 = arith.constant 0 : i32
    %lt3A_553 = vector.broadcast %lt3A_552 : i32 to vector<8x2048xi32>
    %lt3A_554 = arith.cmpi slt, %broadcast_in_dim3A_551, %lt3A_553 : vector<8x2048xi32>
    %add3A_555 = arith.constant 128 : i32
    %add3A_556 = vector.broadcast %add3A_555 : i32 to vector<8x2048xi32>
    %add3A_557 = arith.addi %broadcast_in_dim3A_551, %add3A_556 : vector<8x2048xi32>
    %select_n3A_558 = arith.select %lt3A_554, %add3A_557, %broadcast_in_dim3A_551 : vector<8x2048xi1>, vector<8x2048xi32>
    %reshape3A_559 = vector.shape_cast %select_n3A_558 : vector<8x2048xi32> to vector<8x2048x1xi32>
    %gather3A_560 = vector.shape_cast %reshape3A_559 : vector<8x2048x1xi32> to vector<8x2048xi32>
    %gather3A_561 = tpu.dynamic_gather %get3A_31[%gather3A_560] in [1] : vector<8x128xf32>, vector<8x2048xi32> -> vector<8x2048xf32>
    %convert_element_type3A_562 = arith.truncf %gather3A_561 : vector<8x2048xf32> to vector<8x2048xbf16>
    %concatenate3A_563 = tpu.concatenate %convert_element_type3A_562, %mul3A_546 in 0 : vector<8x2048xbf16>, vector<64x2048xbf16> -> vector<72x2048xbf16>
    %dot_general3A_564 = arith.constant dense<0.000000e+00> : vector<256x2048xf32>
    %dot_general3A_565 = tpu.matmul %convert_element_type3A, %concatenate3A_563, %dot_general3A_564 {dimension_numbers = #tpu.dot_dimension_numbers<[1], [0], [0], [1], [0, 0, 1, 1], [], []>, transpose_lhs_hint = false} : vector<256x72xbf16>, vector<72x2048xbf16>, vector<256x2048xf32> -> vector<256x2048xf32>
    %convert_element_type3A_566 = arith.truncf %dot_general3A_565 : vector<256x2048xf32> to vector<256x2048xbf16>
    %slice3A_567 = vector.extract_strided_slice %convert_element_type3A_566 {offsets = [0, 0], sizes = [64, 2048], strides = [1, 1]} : vector<256x2048xbf16> to vector<64x2048xbf16>
    %tanh3A_568 = math.tanh %slice3A_567 : vector<64x2048xbf16>
    %mul3A_569 = arith.constant 5.000000e-01 : bf16
    %mul3A_570 = vector.broadcast %mul3A_569 : bf16 to vector<64x2048xbf16>
    %mul3A_571 = arith.mulf %mul3A_570, %tanh3A_568 : vector<64x2048xbf16>
    %add3A_572 = arith.constant 5.000000e-01 : bf16
    %add3A_573 = vector.broadcast %add3A_572 : bf16 to vector<64x2048xbf16>
    %add3A_574 = arith.addf %add3A_573, %mul3A_571 : vector<64x2048xbf16>
    %slice3A_575 = vector.extract_strided_slice %convert_element_type3A_566 {offsets = [64, 0], sizes = [64, 2048], strides = [1, 1]} : vector<256x2048xbf16> to vector<64x2048xbf16>
    %tanh3A_576 = math.tanh %slice3A_575 : vector<64x2048xbf16>
    %mul3A_577 = arith.constant 5.000000e-01 : bf16
    %mul3A_578 = vector.broadcast %mul3A_577 : bf16 to vector<64x2048xbf16>
    %mul3A_579 = arith.mulf %mul3A_578, %tanh3A_576 : vector<64x2048xbf16>
    %add3A_580 = arith.constant 5.000000e-01 : bf16
    %add3A_581 = vector.broadcast %add3A_580 : bf16 to vector<64x2048xbf16>
    %add3A_582 = arith.addf %add3A_581, %mul3A_579 : vector<64x2048xbf16>
    %slice3A_583 = vector.extract_strided_slice %convert_element_type3A_566 {offsets = [128, 0], sizes = [64, 2048], strides = [1, 1]} : vector<256x2048xbf16> to vector<64x2048xbf16>
    %tanh3A_584 = math.tanh %slice3A_583 : vector<64x2048xbf16>
    %slice3A_585 = vector.extract_strided_slice %convert_element_type3A_566 {offsets = [192, 0], sizes = [64, 2048], strides = [1, 1]} : vector<256x2048xbf16> to vector<64x2048xbf16>
    %tanh3A_586 = math.tanh %slice3A_585 : vector<64x2048xbf16>
    %mul3A_587 = arith.constant 5.000000e-01 : bf16
    %mul3A_588 = vector.broadcast %mul3A_587 : bf16 to vector<64x2048xbf16>
    %mul3A_589 = arith.mulf %mul3A_588, %tanh3A_586 : vector<64x2048xbf16>
    %add3A_590 = arith.constant 5.000000e-01 : bf16
    %add3A_591 = vector.broadcast %add3A_590 : bf16 to vector<64x2048xbf16>
    %add3A_592 = arith.addf %add3A_591, %mul3A_589 : vector<64x2048xbf16>
    %mul3A_593 = arith.mulf %add3A_582, %add3A_544 : vector<64x2048xbf16>
    %mul3A_594 = arith.mulf %add3A_574, %tanh3A_584 : vector<64x2048xbf16>
    %add3A_595 = arith.addf %mul3A_593, %mul3A_594 : vector<64x2048xbf16>
    %tanh3A_596 = math.tanh %add3A_595 : vector<64x2048xbf16>
    %mul3A_597 = arith.mulf %add3A_592, %tanh3A_596 : vector<64x2048xbf16>
    %slice3A_598 = vector.extract_strided_slice %get3A_34 {offsets = [11, 0], sizes = [1, 1024], strides = [1, 1]} : vector<50x1024xi32> to vector<1x1024xi32>
    %slice3A_599 = vector.extract_strided_slice %get3A_37 {offsets = [11, 0], sizes = [1, 1024], strides = [1, 1]} : vector<50x1024xi32> to vector<1x1024xi32>
    %concatenate3A_600 = tpu.concatenate %slice3A_598, %slice3A_599 in 1 : vector<1x1024xi32>, vector<1x1024xi32> -> vector<1x2048xi32>
    %broadcast_in_dim3A_601 = vector.shape_cast %concatenate3A_600 : vector<1x2048xi32> to vector<1x2048xi32>
    %broadcast_in_dim3A_602 = vector.broadcast %broadcast_in_dim3A_601 : vector<1x2048xi32> to vector<8x2048xi32>
    %lt3A_603 = arith.constant 0 : i32
    %lt3A_604 = vector.broadcast %lt3A_603 : i32 to vector<8x2048xi32>
    %lt3A_605 = arith.cmpi slt, %broadcast_in_dim3A_602, %lt3A_604 : vector<8x2048xi32>
    %add3A_606 = arith.constant 128 : i32
    %add3A_607 = vector.broadcast %add3A_606 : i32 to vector<8x2048xi32>
    %add3A_608 = arith.addi %broadcast_in_dim3A_602, %add3A_607 : vector<8x2048xi32>
    %select_n3A_609 = arith.select %lt3A_605, %add3A_608, %broadcast_in_dim3A_602 : vector<8x2048xi1>, vector<8x2048xi32>
    %reshape3A_610 = vector.shape_cast %select_n3A_609 : vector<8x2048xi32> to vector<8x2048x1xi32>
    %gather3A_611 = vector.shape_cast %reshape3A_610 : vector<8x2048x1xi32> to vector<8x2048xi32>
    %gather3A_612 = tpu.dynamic_gather %get3A_31[%gather3A_611] in [1] : vector<8x128xf32>, vector<8x2048xi32> -> vector<8x2048xf32>
    %convert_element_type3A_613 = arith.truncf %gather3A_612 : vector<8x2048xf32> to vector<8x2048xbf16>
    %concatenate3A_614 = tpu.concatenate %convert_element_type3A_613, %mul3A_597 in 0 : vector<8x2048xbf16>, vector<64x2048xbf16> -> vector<72x2048xbf16>
    %dot_general3A_615 = arith.constant dense<0.000000e+00> : vector<256x2048xf32>
    %dot_general3A_616 = tpu.matmul %convert_element_type3A, %concatenate3A_614, %dot_general3A_615 {dimension_numbers = #tpu.dot_dimension_numbers<[1], [0], [0], [1], [0, 0, 1, 1], [], []>, transpose_lhs_hint = false} : vector<256x72xbf16>, vector<72x2048xbf16>, vector<256x2048xf32> -> vector<256x2048xf32>
    %convert_element_type3A_617 = arith.truncf %dot_general3A_616 : vector<256x2048xf32> to vector<256x2048xbf16>
    %slice3A_618 = vector.extract_strided_slice %convert_element_type3A_617 {offsets = [0, 0], sizes = [64, 2048], strides = [1, 1]} : vector<256x2048xbf16> to vector<64x2048xbf16>
    %tanh3A_619 = math.tanh %slice3A_618 : vector<64x2048xbf16>
    %mul3A_620 = arith.constant 5.000000e-01 : bf16
    %mul3A_621 = vector.broadcast %mul3A_620 : bf16 to vector<64x2048xbf16>
    %mul3A_622 = arith.mulf %mul3A_621, %tanh3A_619 : vector<64x2048xbf16>
    %add3A_623 = arith.constant 5.000000e-01 : bf16
    %add3A_624 = vector.broadcast %add3A_623 : bf16 to vector<64x2048xbf16>
    %add3A_625 = arith.addf %add3A_624, %mul3A_622 : vector<64x2048xbf16>
    %slice3A_626 = vector.extract_strided_slice %convert_element_type3A_617 {offsets = [64, 0], sizes = [64, 2048], strides = [1, 1]} : vector<256x2048xbf16> to vector<64x2048xbf16>
    %tanh3A_627 = math.tanh %slice3A_626 : vector<64x2048xbf16>
    %mul3A_628 = arith.constant 5.000000e-01 : bf16
    %mul3A_629 = vector.broadcast %mul3A_628 : bf16 to vector<64x2048xbf16>
    %mul3A_630 = arith.mulf %mul3A_629, %tanh3A_627 : vector<64x2048xbf16>
    %add3A_631 = arith.constant 5.000000e-01 : bf16
    %add3A_632 = vector.broadcast %add3A_631 : bf16 to vector<64x2048xbf16>
    %add3A_633 = arith.addf %add3A_632, %mul3A_630 : vector<64x2048xbf16>
    %slice3A_634 = vector.extract_strided_slice %convert_element_type3A_617 {offsets = [128, 0], sizes = [64, 2048], strides = [1, 1]} : vector<256x2048xbf16> to vector<64x2048xbf16>
    %tanh3A_635 = math.tanh %slice3A_634 : vector<64x2048xbf16>
    %slice3A_636 = vector.extract_strided_slice %convert_element_type3A_617 {offsets = [192, 0], sizes = [64, 2048], strides = [1, 1]} : vector<256x2048xbf16> to vector<64x2048xbf16>
    %tanh3A_637 = math.tanh %slice3A_636 : vector<64x2048xbf16>
    %mul3A_638 = arith.constant 5.000000e-01 : bf16
    %mul3A_639 = vector.broadcast %mul3A_638 : bf16 to vector<64x2048xbf16>
    %mul3A_640 = arith.mulf %mul3A_639, %tanh3A_637 : vector<64x2048xbf16>
    %add3A_641 = arith.constant 5.000000e-01 : bf16
    %add3A_642 = vector.broadcast %add3A_641 : bf16 to vector<64x2048xbf16>
    %add3A_643 = arith.addf %add3A_642, %mul3A_640 : vector<64x2048xbf16>
    %mul3A_644 = arith.mulf %add3A_633, %add3A_595 : vector<64x2048xbf16>
    %mul3A_645 = arith.mulf %add3A_625, %tanh3A_635 : vector<64x2048xbf16>
    %add3A_646 = arith.addf %mul3A_644, %mul3A_645 : vector<64x2048xbf16>
    %tanh3A_647 = math.tanh %add3A_646 : vector<64x2048xbf16>
    %mul3A_648 = arith.mulf %add3A_643, %tanh3A_647 : vector<64x2048xbf16>
    %slice3A_649 = vector.extract_strided_slice %get3A_34 {offsets = [12, 0], sizes = [1, 1024], strides = [1, 1]} : vector<50x1024xi32> to vector<1x1024xi32>
    %slice3A_650 = vector.extract_strided_slice %get3A_37 {offsets = [12, 0], sizes = [1, 1024], strides = [1, 1]} : vector<50x1024xi32> to vector<1x1024xi32>
    %concatenate3A_651 = tpu.concatenate %slice3A_649, %slice3A_650 in 1 : vector<1x1024xi32>, vector<1x1024xi32> -> vector<1x2048xi32>
    %broadcast_in_dim3A_652 = vector.shape_cast %concatenate3A_651 : vector<1x2048xi32> to vector<1x2048xi32>
    %broadcast_in_dim3A_653 = vector.broadcast %broadcast_in_dim3A_652 : vector<1x2048xi32> to vector<8x2048xi32>
    %lt3A_654 = arith.constant 0 : i32
    %lt3A_655 = vector.broadcast %lt3A_654 : i32 to vector<8x2048xi32>
    %lt3A_656 = arith.cmpi slt, %broadcast_in_dim3A_653, %lt3A_655 : vector<8x2048xi32>
    %add3A_657 = arith.constant 128 : i32
    %add3A_658 = vector.broadcast %add3A_657 : i32 to vector<8x2048xi32>
    %add3A_659 = arith.addi %broadcast_in_dim3A_653, %add3A_658 : vector<8x2048xi32>
    %select_n3A_660 = arith.select %lt3A_656, %add3A_659, %broadcast_in_dim3A_653 : vector<8x2048xi1>, vector<8x2048xi32>
    %reshape3A_661 = vector.shape_cast %select_n3A_660 : vector<8x2048xi32> to vector<8x2048x1xi32>
    %gather3A_662 = vector.shape_cast %reshape3A_661 : vector<8x2048x1xi32> to vector<8x2048xi32>
    %gather3A_663 = tpu.dynamic_gather %get3A_31[%gather3A_662] in [1] : vector<8x128xf32>, vector<8x2048xi32> -> vector<8x2048xf32>
    %convert_element_type3A_664 = arith.truncf %gather3A_663 : vector<8x2048xf32> to vector<8x2048xbf16>
    %concatenate3A_665 = tpu.concatenate %convert_element_type3A_664, %mul3A_648 in 0 : vector<8x2048xbf16>, vector<64x2048xbf16> -> vector<72x2048xbf16>
    %dot_general3A_666 = arith.constant dense<0.000000e+00> : vector<256x2048xf32>
    %dot_general3A_667 = tpu.matmul %convert_element_type3A, %concatenate3A_665, %dot_general3A_666 {dimension_numbers = #tpu.dot_dimension_numbers<[1], [0], [0], [1], [0, 0, 1, 1], [], []>, transpose_lhs_hint = false} : vector<256x72xbf16>, vector<72x2048xbf16>, vector<256x2048xf32> -> vector<256x2048xf32>
    %convert_element_type3A_668 = arith.truncf %dot_general3A_667 : vector<256x2048xf32> to vector<256x2048xbf16>
    %slice3A_669 = vector.extract_strided_slice %convert_element_type3A_668 {offsets = [0, 0], sizes = [64, 2048], strides = [1, 1]} : vector<256x2048xbf16> to vector<64x2048xbf16>
    %tanh3A_670 = math.tanh %slice3A_669 : vector<64x2048xbf16>
    %mul3A_671 = arith.constant 5.000000e-01 : bf16
    %mul3A_672 = vector.broadcast %mul3A_671 : bf16 to vector<64x2048xbf16>
    %mul3A_673 = arith.mulf %mul3A_672, %tanh3A_670 : vector<64x2048xbf16>
    %add3A_674 = arith.constant 5.000000e-01 : bf16
    %add3A_675 = vector.broadcast %add3A_674 : bf16 to vector<64x2048xbf16>
    %add3A_676 = arith.addf %add3A_675, %mul3A_673 : vector<64x2048xbf16>
    %slice3A_677 = vector.extract_strided_slice %convert_element_type3A_668 {offsets = [64, 0], sizes = [64, 2048], strides = [1, 1]} : vector<256x2048xbf16> to vector<64x2048xbf16>
    %tanh3A_678 = math.tanh %slice3A_677 : vector<64x2048xbf16>
    %mul3A_679 = arith.constant 5.000000e-01 : bf16
    %mul3A_680 = vector.broadcast %mul3A_679 : bf16 to vector<64x2048xbf16>
    %mul3A_681 = arith.mulf %mul3A_680, %tanh3A_678 : vector<64x2048xbf16>
    %add3A_682 = arith.constant 5.000000e-01 : bf16
    %add3A_683 = vector.broadcast %add3A_682 : bf16 to vector<64x2048xbf16>
    %add3A_684 = arith.addf %add3A_683, %mul3A_681 : vector<64x2048xbf16>
    %slice3A_685 = vector.extract_strided_slice %convert_element_type3A_668 {offsets = [128, 0], sizes = [64, 2048], strides = [1, 1]} : vector<256x2048xbf16> to vector<64x2048xbf16>
    %tanh3A_686 = math.tanh %slice3A_685 : vector<64x2048xbf16>
    %slice3A_687 = vector.extract_strided_slice %convert_element_type3A_668 {offsets = [192, 0], sizes = [64, 2048], strides = [1, 1]} : vector<256x2048xbf16> to vector<64x2048xbf16>
    %tanh3A_688 = math.tanh %slice3A_687 : vector<64x2048xbf16>
    %mul3A_689 = arith.constant 5.000000e-01 : bf16
    %mul3A_690 = vector.broadcast %mul3A_689 : bf16 to vector<64x2048xbf16>
    %mul3A_691 = arith.mulf %mul3A_690, %tanh3A_688 : vector<64x2048xbf16>
    %add3A_692 = arith.constant 5.000000e-01 : bf16
    %add3A_693 = vector.broadcast %add3A_692 : bf16 to vector<64x2048xbf16>
    %add3A_694 = arith.addf %add3A_693, %mul3A_691 : vector<64x2048xbf16>
    %mul3A_695 = arith.mulf %add3A_684, %add3A_646 : vector<64x2048xbf16>
    %mul3A_696 = arith.mulf %add3A_676, %tanh3A_686 : vector<64x2048xbf16>
    %add3A_697 = arith.addf %mul3A_695, %mul3A_696 : vector<64x2048xbf16>
    %tanh3A_698 = math.tanh %add3A_697 : vector<64x2048xbf16>
    %mul3A_699 = arith.mulf %add3A_694, %tanh3A_698 : vector<64x2048xbf16>
    %slice3A_700 = vector.extract_strided_slice %get3A_34 {offsets = [13, 0], sizes = [1, 1024], strides = [1, 1]} : vector<50x1024xi32> to vector<1x1024xi32>
    %slice3A_701 = vector.extract_strided_slice %get3A_37 {offsets = [13, 0], sizes = [1, 1024], strides = [1, 1]} : vector<50x1024xi32> to vector<1x1024xi32>
    %concatenate3A_702 = tpu.concatenate %slice3A_700, %slice3A_701 in 1 : vector<1x1024xi32>, vector<1x1024xi32> -> vector<1x2048xi32>
    %broadcast_in_dim3A_703 = vector.shape_cast %concatenate3A_702 : vector<1x2048xi32> to vector<1x2048xi32>
    %broadcast_in_dim3A_704 = vector.broadcast %broadcast_in_dim3A_703 : vector<1x2048xi32> to vector<8x2048xi32>
    %lt3A_705 = arith.constant 0 : i32
    %lt3A_706 = vector.broadcast %lt3A_705 : i32 to vector<8x2048xi32>
    %lt3A_707 = arith.cmpi slt, %broadcast_in_dim3A_704, %lt3A_706 : vector<8x2048xi32>
    %add3A_708 = arith.constant 128 : i32
    %add3A_709 = vector.broadcast %add3A_708 : i32 to vector<8x2048xi32>
    %add3A_710 = arith.addi %broadcast_in_dim3A_704, %add3A_709 : vector<8x2048xi32>
    %select_n3A_711 = arith.select %lt3A_707, %add3A_710, %broadcast_in_dim3A_704 : vector<8x2048xi1>, vector<8x2048xi32>
    %reshape3A_712 = vector.shape_cast %select_n3A_711 : vector<8x2048xi32> to vector<8x2048x1xi32>
    %gather3A_713 = vector.shape_cast %reshape3A_712 : vector<8x2048x1xi32> to vector<8x2048xi32>
    %gather3A_714 = tpu.dynamic_gather %get3A_31[%gather3A_713] in [1] : vector<8x128xf32>, vector<8x2048xi32> -> vector<8x2048xf32>
    %convert_element_type3A_715 = arith.truncf %gather3A_714 : vector<8x2048xf32> to vector<8x2048xbf16>
    %concatenate3A_716 = tpu.concatenate %convert_element_type3A_715, %mul3A_699 in 0 : vector<8x2048xbf16>, vector<64x2048xbf16> -> vector<72x2048xbf16>
    %dot_general3A_717 = arith.constant dense<0.000000e+00> : vector<256x2048xf32>
    %dot_general3A_718 = tpu.matmul %convert_element_type3A, %concatenate3A_716, %dot_general3A_717 {dimension_numbers = #tpu.dot_dimension_numbers<[1], [0], [0], [1], [0, 0, 1, 1], [], []>, transpose_lhs_hint = false} : vector<256x72xbf16>, vector<72x2048xbf16>, vector<256x2048xf32> -> vector<256x2048xf32>
    %convert_element_type3A_719 = arith.truncf %dot_general3A_718 : vector<256x2048xf32> to vector<256x2048xbf16>
    %slice3A_720 = vector.extract_strided_slice %convert_element_type3A_719 {offsets = [0, 0], sizes = [64, 2048], strides = [1, 1]} : vector<256x2048xbf16> to vector<64x2048xbf16>
    %tanh3A_721 = math.tanh %slice3A_720 : vector<64x2048xbf16>
    %mul3A_722 = arith.constant 5.000000e-01 : bf16
    %mul3A_723 = vector.broadcast %mul3A_722 : bf16 to vector<64x2048xbf16>
    %mul3A_724 = arith.mulf %mul3A_723, %tanh3A_721 : vector<64x2048xbf16>
    %add3A_725 = arith.constant 5.000000e-01 : bf16
    %add3A_726 = vector.broadcast %add3A_725 : bf16 to vector<64x2048xbf16>
    %add3A_727 = arith.addf %add3A_726, %mul3A_724 : vector<64x2048xbf16>
    %slice3A_728 = vector.extract_strided_slice %convert_element_type3A_719 {offsets = [64, 0], sizes = [64, 2048], strides = [1, 1]} : vector<256x2048xbf16> to vector<64x2048xbf16>
    %tanh3A_729 = math.tanh %slice3A_728 : vector<64x2048xbf16>
    %mul3A_730 = arith.constant 5.000000e-01 : bf16
    %mul3A_731 = vector.broadcast %mul3A_730 : bf16 to vector<64x2048xbf16>
    %mul3A_732 = arith.mulf %mul3A_731, %tanh3A_729 : vector<64x2048xbf16>
    %add3A_733 = arith.constant 5.000000e-01 : bf16
    %add3A_734 = vector.broadcast %add3A_733 : bf16 to vector<64x2048xbf16>
    %add3A_735 = arith.addf %add3A_734, %mul3A_732 : vector<64x2048xbf16>
    %slice3A_736 = vector.extract_strided_slice %convert_element_type3A_719 {offsets = [128, 0], sizes = [64, 2048], strides = [1, 1]} : vector<256x2048xbf16> to vector<64x2048xbf16>
    %tanh3A_737 = math.tanh %slice3A_736 : vector<64x2048xbf16>
    %slice3A_738 = vector.extract_strided_slice %convert_element_type3A_719 {offsets = [192, 0], sizes = [64, 2048], strides = [1, 1]} : vector<256x2048xbf16> to vector<64x2048xbf16>
    %tanh3A_739 = math.tanh %slice3A_738 : vector<64x2048xbf16>
    %mul3A_740 = arith.constant 5.000000e-01 : bf16
    %mul3A_741 = vector.broadcast %mul3A_740 : bf16 to vector<64x2048xbf16>
    %mul3A_742 = arith.mulf %mul3A_741, %tanh3A_739 : vector<64x2048xbf16>
    %add3A_743 = arith.constant 5.000000e-01 : bf16
    %add3A_744 = vector.broadcast %add3A_743 : bf16 to vector<64x2048xbf16>
    %add3A_745 = arith.addf %add3A_744, %mul3A_742 : vector<64x2048xbf16>
    %mul3A_746 = arith.mulf %add3A_735, %add3A_697 : vector<64x2048xbf16>
    %mul3A_747 = arith.mulf %add3A_727, %tanh3A_737 : vector<64x2048xbf16>
    %add3A_748 = arith.addf %mul3A_746, %mul3A_747 : vector<64x2048xbf16>
    %tanh3A_749 = math.tanh %add3A_748 : vector<64x2048xbf16>
    %mul3A_750 = arith.mulf %add3A_745, %tanh3A_749 : vector<64x2048xbf16>
    %slice3A_751 = vector.extract_strided_slice %get3A_34 {offsets = [14, 0], sizes = [1, 1024], strides = [1, 1]} : vector<50x1024xi32> to vector<1x1024xi32>
    %slice3A_752 = vector.extract_strided_slice %get3A_37 {offsets = [14, 0], sizes = [1, 1024], strides = [1, 1]} : vector<50x1024xi32> to vector<1x1024xi32>
    %concatenate3A_753 = tpu.concatenate %slice3A_751, %slice3A_752 in 1 : vector<1x1024xi32>, vector<1x1024xi32> -> vector<1x2048xi32>
    %broadcast_in_dim3A_754 = vector.shape_cast %concatenate3A_753 : vector<1x2048xi32> to vector<1x2048xi32>
    %broadcast_in_dim3A_755 = vector.broadcast %broadcast_in_dim3A_754 : vector<1x2048xi32> to vector<8x2048xi32>
    %lt3A_756 = arith.constant 0 : i32
    %lt3A_757 = vector.broadcast %lt3A_756 : i32 to vector<8x2048xi32>
    %lt3A_758 = arith.cmpi slt, %broadcast_in_dim3A_755, %lt3A_757 : vector<8x2048xi32>
    %add3A_759 = arith.constant 128 : i32
    %add3A_760 = vector.broadcast %add3A_759 : i32 to vector<8x2048xi32>
    %add3A_761 = arith.addi %broadcast_in_dim3A_755, %add3A_760 : vector<8x2048xi32>
    %select_n3A_762 = arith.select %lt3A_758, %add3A_761, %broadcast_in_dim3A_755 : vector<8x2048xi1>, vector<8x2048xi32>
    %reshape3A_763 = vector.shape_cast %select_n3A_762 : vector<8x2048xi32> to vector<8x2048x1xi32>
    %gather3A_764 = vector.shape_cast %reshape3A_763 : vector<8x2048x1xi32> to vector<8x2048xi32>
    %gather3A_765 = tpu.dynamic_gather %get3A_31[%gather3A_764] in [1] : vector<8x128xf32>, vector<8x2048xi32> -> vector<8x2048xf32>
    %convert_element_type3A_766 = arith.truncf %gather3A_765 : vector<8x2048xf32> to vector<8x2048xbf16>
    %concatenate3A_767 = tpu.concatenate %convert_element_type3A_766, %mul3A_750 in 0 : vector<8x2048xbf16>, vector<64x2048xbf16> -> vector<72x2048xbf16>
    %dot_general3A_768 = arith.constant dense<0.000000e+00> : vector<256x2048xf32>
    %dot_general3A_769 = tpu.matmul %convert_element_type3A, %concatenate3A_767, %dot_general3A_768 {dimension_numbers = #tpu.dot_dimension_numbers<[1], [0], [0], [1], [0, 0, 1, 1], [], []>, transpose_lhs_hint = false} : vector<256x72xbf16>, vector<72x2048xbf16>, vector<256x2048xf32> -> vector<256x2048xf32>
    %convert_element_type3A_770 = arith.truncf %dot_general3A_769 : vector<256x2048xf32> to vector<256x2048xbf16>
    %slice3A_771 = vector.extract_strided_slice %convert_element_type3A_770 {offsets = [0, 0], sizes = [64, 2048], strides = [1, 1]} : vector<256x2048xbf16> to vector<64x2048xbf16>
    %tanh3A_772 = math.tanh %slice3A_771 : vector<64x2048xbf16>
    %mul3A_773 = arith.constant 5.000000e-01 : bf16
    %mul3A_774 = vector.broadcast %mul3A_773 : bf16 to vector<64x2048xbf16>
    %mul3A_775 = arith.mulf %mul3A_774, %tanh3A_772 : vector<64x2048xbf16>
    %add3A_776 = arith.constant 5.000000e-01 : bf16
    %add3A_777 = vector.broadcast %add3A_776 : bf16 to vector<64x2048xbf16>
    %add3A_778 = arith.addf %add3A_777, %mul3A_775 : vector<64x2048xbf16>
    %slice3A_779 = vector.extract_strided_slice %convert_element_type3A_770 {offsets = [64, 0], sizes = [64, 2048], strides = [1, 1]} : vector<256x2048xbf16> to vector<64x2048xbf16>
    %tanh3A_780 = math.tanh %slice3A_779 : vector<64x2048xbf16>
    %mul3A_781 = arith.constant 5.000000e-01 : bf16
    %mul3A_782 = vector.broadcast %mul3A_781 : bf16 to vector<64x2048xbf16>
    %mul3A_783 = arith.mulf %mul3A_782, %tanh3A_780 : vector<64x2048xbf16>
    %add3A_784 = arith.constant 5.000000e-01 : bf16
    %add3A_785 = vector.broadcast %add3A_784 : bf16 to vector<64x2048xbf16>
    %add3A_786 = arith.addf %add3A_785, %mul3A_783 : vector<64x2048xbf16>
    %slice3A_787 = vector.extract_strided_slice %convert_element_type3A_770 {offsets = [128, 0], sizes = [64, 2048], strides = [1, 1]} : vector<256x2048xbf16> to vector<64x2048xbf16>
    %tanh3A_788 = math.tanh %slice3A_787 : vector<64x2048xbf16>
    %slice3A_789 = vector.extract_strided_slice %convert_element_type3A_770 {offsets = [192, 0], sizes = [64, 2048], strides = [1, 1]} : vector<256x2048xbf16> to vector<64x2048xbf16>
    %tanh3A_790 = math.tanh %slice3A_789 : vector<64x2048xbf16>
    %mul3A_791 = arith.constant 5.000000e-01 : bf16
    %mul3A_792 = vector.broadcast %mul3A_791 : bf16 to vector<64x2048xbf16>
    %mul3A_793 = arith.mulf %mul3A_792, %tanh3A_790 : vector<64x2048xbf16>
    %add3A_794 = arith.constant 5.000000e-01 : bf16
    %add3A_795 = vector.broadcast %add3A_794 : bf16 to vector<64x2048xbf16>
    %add3A_796 = arith.addf %add3A_795, %mul3A_793 : vector<64x2048xbf16>
    %mul3A_797 = arith.mulf %add3A_786, %add3A_748 : vector<64x2048xbf16>
    %mul3A_798 = arith.mulf %add3A_778, %tanh3A_788 : vector<64x2048xbf16>
    %add3A_799 = arith.addf %mul3A_797, %mul3A_798 : vector<64x2048xbf16>
    %tanh3A_800 = math.tanh %add3A_799 : vector<64x2048xbf16>
    %mul3A_801 = arith.mulf %add3A_796, %tanh3A_800 : vector<64x2048xbf16>
    %slice3A_802 = vector.extract_strided_slice %get3A_34 {offsets = [15, 0], sizes = [1, 1024], strides = [1, 1]} : vector<50x1024xi32> to vector<1x1024xi32>
    %slice3A_803 = vector.extract_strided_slice %get3A_37 {offsets = [15, 0], sizes = [1, 1024], strides = [1, 1]} : vector<50x1024xi32> to vector<1x1024xi32>
    %concatenate3A_804 = tpu.concatenate %slice3A_802, %slice3A_803 in 1 : vector<1x1024xi32>, vector<1x1024xi32> -> vector<1x2048xi32>
    %broadcast_in_dim3A_805 = vector.shape_cast %concatenate3A_804 : vector<1x2048xi32> to vector<1x2048xi32>
    %broadcast_in_dim3A_806 = vector.broadcast %broadcast_in_dim3A_805 : vector<1x2048xi32> to vector<8x2048xi32>
    %lt3A_807 = arith.constant 0 : i32
    %lt3A_808 = vector.broadcast %lt3A_807 : i32 to vector<8x2048xi32>
    %lt3A_809 = arith.cmpi slt, %broadcast_in_dim3A_806, %lt3A_808 : vector<8x2048xi32>
    %add3A_810 = arith.constant 128 : i32
    %add3A_811 = vector.broadcast %add3A_810 : i32 to vector<8x2048xi32>
    %add3A_812 = arith.addi %broadcast_in_dim3A_806, %add3A_811 : vector<8x2048xi32>
    %select_n3A_813 = arith.select %lt3A_809, %add3A_812, %broadcast_in_dim3A_806 : vector<8x2048xi1>, vector<8x2048xi32>
    %reshape3A_814 = vector.shape_cast %select_n3A_813 : vector<8x2048xi32> to vector<8x2048x1xi32>
    %gather3A_815 = vector.shape_cast %reshape3A_814 : vector<8x2048x1xi32> to vector<8x2048xi32>
    %gather3A_816 = tpu.dynamic_gather %get3A_31[%gather3A_815] in [1] : vector<8x128xf32>, vector<8x2048xi32> -> vector<8x2048xf32>
    %convert_element_type3A_817 = arith.truncf %gather3A_816 : vector<8x2048xf32> to vector<8x2048xbf16>
    %concatenate3A_818 = tpu.concatenate %convert_element_type3A_817, %mul3A_801 in 0 : vector<8x2048xbf16>, vector<64x2048xbf16> -> vector<72x2048xbf16>
    %dot_general3A_819 = arith.constant dense<0.000000e+00> : vector<256x2048xf32>
    %dot_general3A_820 = tpu.matmul %convert_element_type3A, %concatenate3A_818, %dot_general3A_819 {dimension_numbers = #tpu.dot_dimension_numbers<[1], [0], [0], [1], [0, 0, 1, 1], [], []>, transpose_lhs_hint = false} : vector<256x72xbf16>, vector<72x2048xbf16>, vector<256x2048xf32> -> vector<256x2048xf32>
    %convert_element_type3A_821 = arith.truncf %dot_general3A_820 : vector<256x2048xf32> to vector<256x2048xbf16>
    %slice3A_822 = vector.extract_strided_slice %convert_element_type3A_821 {offsets = [0, 0], sizes = [64, 2048], strides = [1, 1]} : vector<256x2048xbf16> to vector<64x2048xbf16>
    %tanh3A_823 = math.tanh %slice3A_822 : vector<64x2048xbf16>
    %mul3A_824 = arith.constant 5.000000e-01 : bf16
    %mul3A_825 = vector.broadcast %mul3A_824 : bf16 to vector<64x2048xbf16>
    %mul3A_826 = arith.mulf %mul3A_825, %tanh3A_823 : vector<64x2048xbf16>
    %add3A_827 = arith.constant 5.000000e-01 : bf16
    %add3A_828 = vector.broadcast %add3A_827 : bf16 to vector<64x2048xbf16>
    %add3A_829 = arith.addf %add3A_828, %mul3A_826 : vector<64x2048xbf16>
    %slice3A_830 = vector.extract_strided_slice %convert_element_type3A_821 {offsets = [64, 0], sizes = [64, 2048], strides = [1, 1]} : vector<256x2048xbf16> to vector<64x2048xbf16>
    %tanh3A_831 = math.tanh %slice3A_830 : vector<64x2048xbf16>
    %mul3A_832 = arith.constant 5.000000e-01 : bf16
    %mul3A_833 = vector.broadcast %mul3A_832 : bf16 to vector<64x2048xbf16>
    %mul3A_834 = arith.mulf %mul3A_833, %tanh3A_831 : vector<64x2048xbf16>
    %add3A_835 = arith.constant 5.000000e-01 : bf16
    %add3A_836 = vector.broadcast %add3A_835 : bf16 to vector<64x2048xbf16>
    %add3A_837 = arith.addf %add3A_836, %mul3A_834 : vector<64x2048xbf16>
    %slice3A_838 = vector.extract_strided_slice %convert_element_type3A_821 {offsets = [128, 0], sizes = [64, 2048], strides = [1, 1]} : vector<256x2048xbf16> to vector<64x2048xbf16>
    %tanh3A_839 = math.tanh %slice3A_838 : vector<64x2048xbf16>
    %slice3A_840 = vector.extract_strided_slice %convert_element_type3A_821 {offsets = [192, 0], sizes = [64, 2048], strides = [1, 1]} : vector<256x2048xbf16> to vector<64x2048xbf16>
    %tanh3A_841 = math.tanh %slice3A_840 : vector<64x2048xbf16>
    %mul3A_842 = arith.constant 5.000000e-01 : bf16
    %mul3A_843 = vector.broadcast %mul3A_842 : bf16 to vector<64x2048xbf16>
    %mul3A_844 = arith.mulf %mul3A_843, %tanh3A_841 : vector<64x2048xbf16>
    %add3A_845 = arith.constant 5.000000e-01 : bf16
    %add3A_846 = vector.broadcast %add3A_845 : bf16 to vector<64x2048xbf16>
    %add3A_847 = arith.addf %add3A_846, %mul3A_844 : vector<64x2048xbf16>
    %mul3A_848 = arith.mulf %add3A_837, %add3A_799 : vector<64x2048xbf16>
    %mul3A_849 = arith.mulf %add3A_829, %tanh3A_839 : vector<64x2048xbf16>
    %add3A_850 = arith.addf %mul3A_848, %mul3A_849 : vector<64x2048xbf16>
    %tanh3A_851 = math.tanh %add3A_850 : vector<64x2048xbf16>
    %mul3A_852 = arith.mulf %add3A_847, %tanh3A_851 : vector<64x2048xbf16>
    %slice3A_853 = vector.extract_strided_slice %get3A_34 {offsets = [16, 0], sizes = [1, 1024], strides = [1, 1]} : vector<50x1024xi32> to vector<1x1024xi32>
    %slice3A_854 = vector.extract_strided_slice %get3A_37 {offsets = [16, 0], sizes = [1, 1024], strides = [1, 1]} : vector<50x1024xi32> to vector<1x1024xi32>
    %concatenate3A_855 = tpu.concatenate %slice3A_853, %slice3A_854 in 1 : vector<1x1024xi32>, vector<1x1024xi32> -> vector<1x2048xi32>
    %broadcast_in_dim3A_856 = vector.shape_cast %concatenate3A_855 : vector<1x2048xi32> to vector<1x2048xi32>
    %broadcast_in_dim3A_857 = vector.broadcast %broadcast_in_dim3A_856 : vector<1x2048xi32> to vector<8x2048xi32>
    %lt3A_858 = arith.constant 0 : i32
    %lt3A_859 = vector.broadcast %lt3A_858 : i32 to vector<8x2048xi32>
    %lt3A_860 = arith.cmpi slt, %broadcast_in_dim3A_857, %lt3A_859 : vector<8x2048xi32>
    %add3A_861 = arith.constant 128 : i32
    %add3A_862 = vector.broadcast %add3A_861 : i32 to vector<8x2048xi32>
    %add3A_863 = arith.addi %broadcast_in_dim3A_857, %add3A_862 : vector<8x2048xi32>
    %select_n3A_864 = arith.select %lt3A_860, %add3A_863, %broadcast_in_dim3A_857 : vector<8x2048xi1>, vector<8x2048xi32>
    %reshape3A_865 = vector.shape_cast %select_n3A_864 : vector<8x2048xi32> to vector<8x2048x1xi32>
    %gather3A_866 = vector.shape_cast %reshape3A_865 : vector<8x2048x1xi32> to vector<8x2048xi32>
    %gather3A_867 = tpu.dynamic_gather %get3A_31[%gather3A_866] in [1] : vector<8x128xf32>, vector<8x2048xi32> -> vector<8x2048xf32>
    %convert_element_type3A_868 = arith.truncf %gather3A_867 : vector<8x2048xf32> to vector<8x2048xbf16>
    %concatenate3A_869 = tpu.concatenate %convert_element_type3A_868, %mul3A_852 in 0 : vector<8x2048xbf16>, vector<64x2048xbf16> -> vector<72x2048xbf16>
    %dot_general3A_870 = arith.constant dense<0.000000e+00> : vector<256x2048xf32>
    %dot_general3A_871 = tpu.matmul %convert_element_type3A, %concatenate3A_869, %dot_general3A_870 {dimension_numbers = #tpu.dot_dimension_numbers<[1], [0], [0], [1], [0, 0, 1, 1], [], []>, transpose_lhs_hint = false} : vector<256x72xbf16>, vector<72x2048xbf16>, vector<256x2048xf32> -> vector<256x2048xf32>
    %convert_element_type3A_872 = arith.truncf %dot_general3A_871 : vector<256x2048xf32> to vector<256x2048xbf16>
    %slice3A_873 = vector.extract_strided_slice %convert_element_type3A_872 {offsets = [0, 0], sizes = [64, 2048], strides = [1, 1]} : vector<256x2048xbf16> to vector<64x2048xbf16>
    %tanh3A_874 = math.tanh %slice3A_873 : vector<64x2048xbf16>
    %mul3A_875 = arith.constant 5.000000e-01 : bf16
    %mul3A_876 = vector.broadcast %mul3A_875 : bf16 to vector<64x2048xbf16>
    %mul3A_877 = arith.mulf %mul3A_876, %tanh3A_874 : vector<64x2048xbf16>
    %add3A_878 = arith.constant 5.000000e-01 : bf16
    %add3A_879 = vector.broadcast %add3A_878 : bf16 to vector<64x2048xbf16>
    %add3A_880 = arith.addf %add3A_879, %mul3A_877 : vector<64x2048xbf16>
    %slice3A_881 = vector.extract_strided_slice %convert_element_type3A_872 {offsets = [64, 0], sizes = [64, 2048], strides = [1, 1]} : vector<256x2048xbf16> to vector<64x2048xbf16>
    %tanh3A_882 = math.tanh %slice3A_881 : vector<64x2048xbf16>
    %mul3A_883 = arith.constant 5.000000e-01 : bf16
    %mul3A_884 = vector.broadcast %mul3A_883 : bf16 to vector<64x2048xbf16>
    %mul3A_885 = arith.mulf %mul3A_884, %tanh3A_882 : vector<64x2048xbf16>
    %add3A_886 = arith.constant 5.000000e-01 : bf16
    %add3A_887 = vector.broadcast %add3A_886 : bf16 to vector<64x2048xbf16>
    %add3A_888 = arith.addf %add3A_887, %mul3A_885 : vector<64x2048xbf16>
    %slice3A_889 = vector.extract_strided_slice %convert_element_type3A_872 {offsets = [128, 0], sizes = [64, 2048], strides = [1, 1]} : vector<256x2048xbf16> to vector<64x2048xbf16>
    %tanh3A_890 = math.tanh %slice3A_889 : vector<64x2048xbf16>
    %slice3A_891 = vector.extract_strided_slice %convert_element_type3A_872 {offsets = [192, 0], sizes = [64, 2048], strides = [1, 1]} : vector<256x2048xbf16> to vector<64x2048xbf16>
    %tanh3A_892 = math.tanh %slice3A_891 : vector<64x2048xbf16>
    %mul3A_893 = arith.constant 5.000000e-01 : bf16
    %mul3A_894 = vector.broadcast %mul3A_893 : bf16 to vector<64x2048xbf16>
    %mul3A_895 = arith.mulf %mul3A_894, %tanh3A_892 : vector<64x2048xbf16>
    %add3A_896 = arith.constant 5.000000e-01 : bf16
    %add3A_897 = vector.broadcast %add3A_896 : bf16 to vector<64x2048xbf16>
    %add3A_898 = arith.addf %add3A_897, %mul3A_895 : vector<64x2048xbf16>
    %mul3A_899 = arith.mulf %add3A_888, %add3A_850 : vector<64x2048xbf16>
    %mul3A_900 = arith.mulf %add3A_880, %tanh3A_890 : vector<64x2048xbf16>
    %add3A_901 = arith.addf %mul3A_899, %mul3A_900 : vector<64x2048xbf16>
    %tanh3A_902 = math.tanh %add3A_901 : vector<64x2048xbf16>
    %mul3A_903 = arith.mulf %add3A_898, %tanh3A_902 : vector<64x2048xbf16>
    %slice3A_904 = vector.extract_strided_slice %get3A_34 {offsets = [17, 0], sizes = [1, 1024], strides = [1, 1]} : vector<50x1024xi32> to vector<1x1024xi32>
    %slice3A_905 = vector.extract_strided_slice %get3A_37 {offsets = [17, 0], sizes = [1, 1024], strides = [1, 1]} : vector<50x1024xi32> to vector<1x1024xi32>
    %concatenate3A_906 = tpu.concatenate %slice3A_904, %slice3A_905 in 1 : vector<1x1024xi32>, vector<1x1024xi32> -> vector<1x2048xi32>
    %broadcast_in_dim3A_907 = vector.shape_cast %concatenate3A_906 : vector<1x2048xi32> to vector<1x2048xi32>
    %broadcast_in_dim3A_908 = vector.broadcast %broadcast_in_dim3A_907 : vector<1x2048xi32> to vector<8x2048xi32>
    %lt3A_909 = arith.constant 0 : i32
    %lt3A_910 = vector.broadcast %lt3A_909 : i32 to vector<8x2048xi32>
    %lt3A_911 = arith.cmpi slt, %broadcast_in_dim3A_908, %lt3A_910 : vector<8x2048xi32>
    %add3A_912 = arith.constant 128 : i32
    %add3A_913 = vector.broadcast %add3A_912 : i32 to vector<8x2048xi32>
    %add3A_914 = arith.addi %broadcast_in_dim3A_908, %add3A_913 : vector<8x2048xi32>
    %select_n3A_915 = arith.select %lt3A_911, %add3A_914, %broadcast_in_dim3A_908 : vector<8x2048xi1>, vector<8x2048xi32>
    %reshape3A_916 = vector.shape_cast %select_n3A_915 : vector<8x2048xi32> to vector<8x2048x1xi32>
    %gather3A_917 = vector.shape_cast %reshape3A_916 : vector<8x2048x1xi32> to vector<8x2048xi32>
    %gather3A_918 = tpu.dynamic_gather %get3A_31[%gather3A_917] in [1] : vector<8x128xf32>, vector<8x2048xi32> -> vector<8x2048xf32>
    %convert_element_type3A_919 = arith.truncf %gather3A_918 : vector<8x2048xf32> to vector<8x2048xbf16>
    %concatenate3A_920 = tpu.concatenate %convert_element_type3A_919, %mul3A_903 in 0 : vector<8x2048xbf16>, vector<64x2048xbf16> -> vector<72x2048xbf16>
    %dot_general3A_921 = arith.constant dense<0.000000e+00> : vector<256x2048xf32>
    %dot_general3A_922 = tpu.matmul %convert_element_type3A, %concatenate3A_920, %dot_general3A_921 {dimension_numbers = #tpu.dot_dimension_numbers<[1], [0], [0], [1], [0, 0, 1, 1], [], []>, transpose_lhs_hint = false} : vector<256x72xbf16>, vector<72x2048xbf16>, vector<256x2048xf32> -> vector<256x2048xf32>
    %convert_element_type3A_923 = arith.truncf %dot_general3A_922 : vector<256x2048xf32> to vector<256x2048xbf16>
    %slice3A_924 = vector.extract_strided_slice %convert_element_type3A_923 {offsets = [0, 0], sizes = [64, 2048], strides = [1, 1]} : vector<256x2048xbf16> to vector<64x2048xbf16>
    %tanh3A_925 = math.tanh %slice3A_924 : vector<64x2048xbf16>
    %mul3A_926 = arith.constant 5.000000e-01 : bf16
    %mul3A_927 = vector.broadcast %mul3A_926 : bf16 to vector<64x2048xbf16>
    %mul3A_928 = arith.mulf %mul3A_927, %tanh3A_925 : vector<64x2048xbf16>
    %add3A_929 = arith.constant 5.000000e-01 : bf16
    %add3A_930 = vector.broadcast %add3A_929 : bf16 to vector<64x2048xbf16>
    %add3A_931 = arith.addf %add3A_930, %mul3A_928 : vector<64x2048xbf16>
    %slice3A_932 = vector.extract_strided_slice %convert_element_type3A_923 {offsets = [64, 0], sizes = [64, 2048], strides = [1, 1]} : vector<256x2048xbf16> to vector<64x2048xbf16>
    %tanh3A_933 = math.tanh %slice3A_932 : vector<64x2048xbf16>
    %mul3A_934 = arith.constant 5.000000e-01 : bf16
    %mul3A_935 = vector.broadcast %mul3A_934 : bf16 to vector<64x2048xbf16>
    %mul3A_936 = arith.mulf %mul3A_935, %tanh3A_933 : vector<64x2048xbf16>
    %add3A_937 = arith.constant 5.000000e-01 : bf16
    %add3A_938 = vector.broadcast %add3A_937 : bf16 to vector<64x2048xbf16>
    %add3A_939 = arith.addf %add3A_938, %mul3A_936 : vector<64x2048xbf16>
    %slice3A_940 = vector.extract_strided_slice %convert_element_type3A_923 {offsets = [128, 0], sizes = [64, 2048], strides = [1, 1]} : vector<256x2048xbf16> to vector<64x2048xbf16>
    %tanh3A_941 = math.tanh %slice3A_940 : vector<64x2048xbf16>
    %slice3A_942 = vector.extract_strided_slice %convert_element_type3A_923 {offsets = [192, 0], sizes = [64, 2048], strides = [1, 1]} : vector<256x2048xbf16> to vector<64x2048xbf16>
    %tanh3A_943 = math.tanh %slice3A_942 : vector<64x2048xbf16>
    %mul3A_944 = arith.constant 5.000000e-01 : bf16
    %mul3A_945 = vector.broadcast %mul3A_944 : bf16 to vector<64x2048xbf16>
    %mul3A_946 = arith.mulf %mul3A_945, %tanh3A_943 : vector<64x2048xbf16>
    %add3A_947 = arith.constant 5.000000e-01 : bf16
    %add3A_948 = vector.broadcast %add3A_947 : bf16 to vector<64x2048xbf16>
    %add3A_949 = arith.addf %add3A_948, %mul3A_946 : vector<64x2048xbf16>
    %mul3A_950 = arith.mulf %add3A_939, %add3A_901 : vector<64x2048xbf16>
    %mul3A_951 = arith.mulf %add3A_931, %tanh3A_941 : vector<64x2048xbf16>
    %add3A_952 = arith.addf %mul3A_950, %mul3A_951 : vector<64x2048xbf16>
    %tanh3A_953 = math.tanh %add3A_952 : vector<64x2048xbf16>
    %mul3A_954 = arith.mulf %add3A_949, %tanh3A_953 : vector<64x2048xbf16>
    %slice3A_955 = vector.extract_strided_slice %get3A_34 {offsets = [18, 0], sizes = [1, 1024], strides = [1, 1]} : vector<50x1024xi32> to vector<1x1024xi32>
    %slice3A_956 = vector.extract_strided_slice %get3A_37 {offsets = [18, 0], sizes = [1, 1024], strides = [1, 1]} : vector<50x1024xi32> to vector<1x1024xi32>
    %concatenate3A_957 = tpu.concatenate %slice3A_955, %slice3A_956 in 1 : vector<1x1024xi32>, vector<1x1024xi32> -> vector<1x2048xi32>
    %broadcast_in_dim3A_958 = vector.shape_cast %concatenate3A_957 : vector<1x2048xi32> to vector<1x2048xi32>
    %broadcast_in_dim3A_959 = vector.broadcast %broadcast_in_dim3A_958 : vector<1x2048xi32> to vector<8x2048xi32>
    %lt3A_960 = arith.constant 0 : i32
    %lt3A_961 = vector.broadcast %lt3A_960 : i32 to vector<8x2048xi32>
    %lt3A_962 = arith.cmpi slt, %broadcast_in_dim3A_959, %lt3A_961 : vector<8x2048xi32>
    %add3A_963 = arith.constant 128 : i32
    %add3A_964 = vector.broadcast %add3A_963 : i32 to vector<8x2048xi32>
    %add3A_965 = arith.addi %broadcast_in_dim3A_959, %add3A_964 : vector<8x2048xi32>
    %select_n3A_966 = arith.select %lt3A_962, %add3A_965, %broadcast_in_dim3A_959 : vector<8x2048xi1>, vector<8x2048xi32>
    %reshape3A_967 = vector.shape_cast %select_n3A_966 : vector<8x2048xi32> to vector<8x2048x1xi32>
    %gather3A_968 = vector.shape_cast %reshape3A_967 : vector<8x2048x1xi32> to vector<8x2048xi32>
    %gather3A_969 = tpu.dynamic_gather %get3A_31[%gather3A_968] in [1] : vector<8x128xf32>, vector<8x2048xi32> -> vector<8x2048xf32>
    %convert_element_type3A_970 = arith.truncf %gather3A_969 : vector<8x2048xf32> to vector<8x2048xbf16>
    %concatenate3A_971 = tpu.concatenate %convert_element_type3A_970, %mul3A_954 in 0 : vector<8x2048xbf16>, vector<64x2048xbf16> -> vector<72x2048xbf16>
    %dot_general3A_972 = arith.constant dense<0.000000e+00> : vector<256x2048xf32>
    %dot_general3A_973 = tpu.matmul %convert_element_type3A, %concatenate3A_971, %dot_general3A_972 {dimension_numbers = #tpu.dot_dimension_numbers<[1], [0], [0], [1], [0, 0, 1, 1], [], []>, transpose_lhs_hint = false} : vector<256x72xbf16>, vector<72x2048xbf16>, vector<256x2048xf32> -> vector<256x2048xf32>
    %convert_element_type3A_974 = arith.truncf %dot_general3A_973 : vector<256x2048xf32> to vector<256x2048xbf16>
    %slice3A_975 = vector.extract_strided_slice %convert_element_type3A_974 {offsets = [0, 0], sizes = [64, 2048], strides = [1, 1]} : vector<256x2048xbf16> to vector<64x2048xbf16>
    %tanh3A_976 = math.tanh %slice3A_975 : vector<64x2048xbf16>
    %mul3A_977 = arith.constant 5.000000e-01 : bf16
    %mul3A_978 = vector.broadcast %mul3A_977 : bf16 to vector<64x2048xbf16>
    %mul3A_979 = arith.mulf %mul3A_978, %tanh3A_976 : vector<64x2048xbf16>
    %add3A_980 = arith.constant 5.000000e-01 : bf16
    %add3A_981 = vector.broadcast %add3A_980 : bf16 to vector<64x2048xbf16>
    %add3A_982 = arith.addf %add3A_981, %mul3A_979 : vector<64x2048xbf16>
    %slice3A_983 = vector.extract_strided_slice %convert_element_type3A_974 {offsets = [64, 0], sizes = [64, 2048], strides = [1, 1]} : vector<256x2048xbf16> to vector<64x2048xbf16>
    %tanh3A_984 = math.tanh %slice3A_983 : vector<64x2048xbf16>
    %mul3A_985 = arith.constant 5.000000e-01 : bf16
    %mul3A_986 = vector.broadcast %mul3A_985 : bf16 to vector<64x2048xbf16>
    %mul3A_987 = arith.mulf %mul3A_986, %tanh3A_984 : vector<64x2048xbf16>
    %add3A_988 = arith.constant 5.000000e-01 : bf16
    %add3A_989 = vector.broadcast %add3A_988 : bf16 to vector<64x2048xbf16>
    %add3A_990 = arith.addf %add3A_989, %mul3A_987 : vector<64x2048xbf16>
    %slice3A_991 = vector.extract_strided_slice %convert_element_type3A_974 {offsets = [128, 0], sizes = [64, 2048], strides = [1, 1]} : vector<256x2048xbf16> to vector<64x2048xbf16>
    %tanh3A_992 = math.tanh %slice3A_991 : vector<64x2048xbf16>
    %slice3A_993 = vector.extract_strided_slice %convert_element_type3A_974 {offsets = [192, 0], sizes = [64, 2048], strides = [1, 1]} : vector<256x2048xbf16> to vector<64x2048xbf16>
    %tanh3A_994 = math.tanh %slice3A_993 : vector<64x2048xbf16>
    %mul3A_995 = arith.constant 5.000000e-01 : bf16
    %mul3A_996 = vector.broadcast %mul3A_995 : bf16 to vector<64x2048xbf16>
    %mul3A_997 = arith.mulf %mul3A_996, %tanh3A_994 : vector<64x2048xbf16>
    %add3A_998 = arith.constant 5.000000e-01 : bf16
    %add3A_999 = vector.broadcast %add3A_998 : bf16 to vector<64x2048xbf16>
    %add3A_1000 = arith.addf %add3A_999, %mul3A_997 : vector<64x2048xbf16>
    %mul3A_1001 = arith.mulf %add3A_990, %add3A_952 : vector<64x2048xbf16>
    %mul3A_1002 = arith.mulf %add3A_982, %tanh3A_992 : vector<64x2048xbf16>
    %add3A_1003 = arith.addf %mul3A_1001, %mul3A_1002 : vector<64x2048xbf16>
    %tanh3A_1004 = math.tanh %add3A_1003 : vector<64x2048xbf16>
    %mul3A_1005 = arith.mulf %add3A_1000, %tanh3A_1004 : vector<64x2048xbf16>
    %slice3A_1006 = vector.extract_strided_slice %get3A_34 {offsets = [19, 0], sizes = [1, 1024], strides = [1, 1]} : vector<50x1024xi32> to vector<1x1024xi32>
    %slice3A_1007 = vector.extract_strided_slice %get3A_37 {offsets = [19, 0], sizes = [1, 1024], strides = [1, 1]} : vector<50x1024xi32> to vector<1x1024xi32>
    %concatenate3A_1008 = tpu.concatenate %slice3A_1006, %slice3A_1007 in 1 : vector<1x1024xi32>, vector<1x1024xi32> -> vector<1x2048xi32>
    %broadcast_in_dim3A_1009 = vector.shape_cast %concatenate3A_1008 : vector<1x2048xi32> to vector<1x2048xi32>
    %broadcast_in_dim3A_1010 = vector.broadcast %broadcast_in_dim3A_1009 : vector<1x2048xi32> to vector<8x2048xi32>
    %lt3A_1011 = arith.constant 0 : i32
    %lt3A_1012 = vector.broadcast %lt3A_1011 : i32 to vector<8x2048xi32>
    %lt3A_1013 = arith.cmpi slt, %broadcast_in_dim3A_1010, %lt3A_1012 : vector<8x2048xi32>
    %add3A_1014 = arith.constant 128 : i32
    %add3A_1015 = vector.broadcast %add3A_1014 : i32 to vector<8x2048xi32>
    %add3A_1016 = arith.addi %broadcast_in_dim3A_1010, %add3A_1015 : vector<8x2048xi32>
    %select_n3A_1017 = arith.select %lt3A_1013, %add3A_1016, %broadcast_in_dim3A_1010 : vector<8x2048xi1>, vector<8x2048xi32>
    %reshape3A_1018 = vector.shape_cast %select_n3A_1017 : vector<8x2048xi32> to vector<8x2048x1xi32>
    %gather3A_1019 = vector.shape_cast %reshape3A_1018 : vector<8x2048x1xi32> to vector<8x2048xi32>
    %gather3A_1020 = tpu.dynamic_gather %get3A_31[%gather3A_1019] in [1] : vector<8x128xf32>, vector<8x2048xi32> -> vector<8x2048xf32>
    %convert_element_type3A_1021 = arith.truncf %gather3A_1020 : vector<8x2048xf32> to vector<8x2048xbf16>
    %concatenate3A_1022 = tpu.concatenate %convert_element_type3A_1021, %mul3A_1005 in 0 : vector<8x2048xbf16>, vector<64x2048xbf16> -> vector<72x2048xbf16>
    %dot_general3A_1023 = arith.constant dense<0.000000e+00> : vector<256x2048xf32>
    %dot_general3A_1024 = tpu.matmul %convert_element_type3A, %concatenate3A_1022, %dot_general3A_1023 {dimension_numbers = #tpu.dot_dimension_numbers<[1], [0], [0], [1], [0, 0, 1, 1], [], []>, transpose_lhs_hint = false} : vector<256x72xbf16>, vector<72x2048xbf16>, vector<256x2048xf32> -> vector<256x2048xf32>
    %convert_element_type3A_1025 = arith.truncf %dot_general3A_1024 : vector<256x2048xf32> to vector<256x2048xbf16>
    %slice3A_1026 = vector.extract_strided_slice %convert_element_type3A_1025 {offsets = [0, 0], sizes = [64, 2048], strides = [1, 1]} : vector<256x2048xbf16> to vector<64x2048xbf16>
    %tanh3A_1027 = math.tanh %slice3A_1026 : vector<64x2048xbf16>
    %mul3A_1028 = arith.constant 5.000000e-01 : bf16
    %mul3A_1029 = vector.broadcast %mul3A_1028 : bf16 to vector<64x2048xbf16>
    %mul3A_1030 = arith.mulf %mul3A_1029, %tanh3A_1027 : vector<64x2048xbf16>
    %add3A_1031 = arith.constant 5.000000e-01 : bf16
    %add3A_1032 = vector.broadcast %add3A_1031 : bf16 to vector<64x2048xbf16>
    %add3A_1033 = arith.addf %add3A_1032, %mul3A_1030 : vector<64x2048xbf16>
    %slice3A_1034 = vector.extract_strided_slice %convert_element_type3A_1025 {offsets = [64, 0], sizes = [64, 2048], strides = [1, 1]} : vector<256x2048xbf16> to vector<64x2048xbf16>
    %tanh3A_1035 = math.tanh %slice3A_1034 : vector<64x2048xbf16>
    %mul3A_1036 = arith.constant 5.000000e-01 : bf16
    %mul3A_1037 = vector.broadcast %mul3A_1036 : bf16 to vector<64x2048xbf16>
    %mul3A_1038 = arith.mulf %mul3A_1037, %tanh3A_1035 : vector<64x2048xbf16>
    %add3A_1039 = arith.constant 5.000000e-01 : bf16
    %add3A_1040 = vector.broadcast %add3A_1039 : bf16 to vector<64x2048xbf16>
    %add3A_1041 = arith.addf %add3A_1040, %mul3A_1038 : vector<64x2048xbf16>
    %slice3A_1042 = vector.extract_strided_slice %convert_element_type3A_1025 {offsets = [128, 0], sizes = [64, 2048], strides = [1, 1]} : vector<256x2048xbf16> to vector<64x2048xbf16>
    %tanh3A_1043 = math.tanh %slice3A_1042 : vector<64x2048xbf16>
    %slice3A_1044 = vector.extract_strided_slice %convert_element_type3A_1025 {offsets = [192, 0], sizes = [64, 2048], strides = [1, 1]} : vector<256x2048xbf16> to vector<64x2048xbf16>
    %tanh3A_1045 = math.tanh %slice3A_1044 : vector<64x2048xbf16>
    %mul3A_1046 = arith.constant 5.000000e-01 : bf16
    %mul3A_1047 = vector.broadcast %mul3A_1046 : bf16 to vector<64x2048xbf16>
    %mul3A_1048 = arith.mulf %mul3A_1047, %tanh3A_1045 : vector<64x2048xbf16>
    %add3A_1049 = arith.constant 5.000000e-01 : bf16
    %add3A_1050 = vector.broadcast %add3A_1049 : bf16 to vector<64x2048xbf16>
    %add3A_1051 = arith.addf %add3A_1050, %mul3A_1048 : vector<64x2048xbf16>
    %mul3A_1052 = arith.mulf %add3A_1041, %add3A_1003 : vector<64x2048xbf16>
    %mul3A_1053 = arith.mulf %add3A_1033, %tanh3A_1043 : vector<64x2048xbf16>
    %add3A_1054 = arith.addf %mul3A_1052, %mul3A_1053 : vector<64x2048xbf16>
    %tanh3A_1055 = math.tanh %add3A_1054 : vector<64x2048xbf16>
    %mul3A_1056 = arith.mulf %add3A_1051, %tanh3A_1055 : vector<64x2048xbf16>
    %slice3A_1057 = vector.extract_strided_slice %get3A_34 {offsets = [20, 0], sizes = [1, 1024], strides = [1, 1]} : vector<50x1024xi32> to vector<1x1024xi32>
    %slice3A_1058 = vector.extract_strided_slice %get3A_37 {offsets = [20, 0], sizes = [1, 1024], strides = [1, 1]} : vector<50x1024xi32> to vector<1x1024xi32>
    %concatenate3A_1059 = tpu.concatenate %slice3A_1057, %slice3A_1058 in 1 : vector<1x1024xi32>, vector<1x1024xi32> -> vector<1x2048xi32>
    %broadcast_in_dim3A_1060 = vector.shape_cast %concatenate3A_1059 : vector<1x2048xi32> to vector<1x2048xi32>
    %broadcast_in_dim3A_1061 = vector.broadcast %broadcast_in_dim3A_1060 : vector<1x2048xi32> to vector<8x2048xi32>
    %lt3A_1062 = arith.constant 0 : i32
    %lt3A_1063 = vector.broadcast %lt3A_1062 : i32 to vector<8x2048xi32>
    %lt3A_1064 = arith.cmpi slt, %broadcast_in_dim3A_1061, %lt3A_1063 : vector<8x2048xi32>
    %add3A_1065 = arith.constant 128 : i32
    %add3A_1066 = vector.broadcast %add3A_1065 : i32 to vector<8x2048xi32>
    %add3A_1067 = arith.addi %broadcast_in_dim3A_1061, %add3A_1066 : vector<8x2048xi32>
    %select_n3A_1068 = arith.select %lt3A_1064, %add3A_1067, %broadcast_in_dim3A_1061 : vector<8x2048xi1>, vector<8x2048xi32>
    %reshape3A_1069 = vector.shape_cast %select_n3A_1068 : vector<8x2048xi32> to vector<8x2048x1xi32>
    %gather3A_1070 = vector.shape_cast %reshape3A_1069 : vector<8x2048x1xi32> to vector<8x2048xi32>
    %gather3A_1071 = tpu.dynamic_gather %get3A_31[%gather3A_1070] in [1] : vector<8x128xf32>, vector<8x2048xi32> -> vector<8x2048xf32>
    %convert_element_type3A_1072 = arith.truncf %gather3A_1071 : vector<8x2048xf32> to vector<8x2048xbf16>
    %concatenate3A_1073 = tpu.concatenate %convert_element_type3A_1072, %mul3A_1056 in 0 : vector<8x2048xbf16>, vector<64x2048xbf16> -> vector<72x2048xbf16>
    %dot_general3A_1074 = arith.constant dense<0.000000e+00> : vector<256x2048xf32>
    %dot_general3A_1075 = tpu.matmul %convert_element_type3A, %concatenate3A_1073, %dot_general3A_1074 {dimension_numbers = #tpu.dot_dimension_numbers<[1], [0], [0], [1], [0, 0, 1, 1], [], []>, transpose_lhs_hint = false} : vector<256x72xbf16>, vector<72x2048xbf16>, vector<256x2048xf32> -> vector<256x2048xf32>
    %convert_element_type3A_1076 = arith.truncf %dot_general3A_1075 : vector<256x2048xf32> to vector<256x2048xbf16>
    %slice3A_1077 = vector.extract_strided_slice %convert_element_type3A_1076 {offsets = [0, 0], sizes = [64, 2048], strides = [1, 1]} : vector<256x2048xbf16> to vector<64x2048xbf16>
    %tanh3A_1078 = math.tanh %slice3A_1077 : vector<64x2048xbf16>
    %mul3A_1079 = arith.constant 5.000000e-01 : bf16
    %mul3A_1080 = vector.broadcast %mul3A_1079 : bf16 to vector<64x2048xbf16>
    %mul3A_1081 = arith.mulf %mul3A_1080, %tanh3A_1078 : vector<64x2048xbf16>
    %add3A_1082 = arith.constant 5.000000e-01 : bf16
    %add3A_1083 = vector.broadcast %add3A_1082 : bf16 to vector<64x2048xbf16>
    %add3A_1084 = arith.addf %add3A_1083, %mul3A_1081 : vector<64x2048xbf16>
    %slice3A_1085 = vector.extract_strided_slice %convert_element_type3A_1076 {offsets = [64, 0], sizes = [64, 2048], strides = [1, 1]} : vector<256x2048xbf16> to vector<64x2048xbf16>
    %tanh3A_1086 = math.tanh %slice3A_1085 : vector<64x2048xbf16>
    %mul3A_1087 = arith.constant 5.000000e-01 : bf16
    %mul3A_1088 = vector.broadcast %mul3A_1087 : bf16 to vector<64x2048xbf16>
    %mul3A_1089 = arith.mulf %mul3A_1088, %tanh3A_1086 : vector<64x2048xbf16>
    %add3A_1090 = arith.constant 5.000000e-01 : bf16
    %add3A_1091 = vector.broadcast %add3A_1090 : bf16 to vector<64x2048xbf16>
    %add3A_1092 = arith.addf %add3A_1091, %mul3A_1089 : vector<64x2048xbf16>
    %slice3A_1093 = vector.extract_strided_slice %convert_element_type3A_1076 {offsets = [128, 0], sizes = [64, 2048], strides = [1, 1]} : vector<256x2048xbf16> to vector<64x2048xbf16>
    %tanh3A_1094 = math.tanh %slice3A_1093 : vector<64x2048xbf16>
    %slice3A_1095 = vector.extract_strided_slice %convert_element_type3A_1076 {offsets = [192, 0], sizes = [64, 2048], strides = [1, 1]} : vector<256x2048xbf16> to vector<64x2048xbf16>
    %tanh3A_1096 = math.tanh %slice3A_1095 : vector<64x2048xbf16>
    %mul3A_1097 = arith.constant 5.000000e-01 : bf16
    %mul3A_1098 = vector.broadcast %mul3A_1097 : bf16 to vector<64x2048xbf16>
    %mul3A_1099 = arith.mulf %mul3A_1098, %tanh3A_1096 : vector<64x2048xbf16>
    %add3A_1100 = arith.constant 5.000000e-01 : bf16
    %add3A_1101 = vector.broadcast %add3A_1100 : bf16 to vector<64x2048xbf16>
    %add3A_1102 = arith.addf %add3A_1101, %mul3A_1099 : vector<64x2048xbf16>
    %mul3A_1103 = arith.mulf %add3A_1092, %add3A_1054 : vector<64x2048xbf16>
    %mul3A_1104 = arith.mulf %add3A_1084, %tanh3A_1094 : vector<64x2048xbf16>
    %add3A_1105 = arith.addf %mul3A_1103, %mul3A_1104 : vector<64x2048xbf16>
    %tanh3A_1106 = math.tanh %add3A_1105 : vector<64x2048xbf16>
    %mul3A_1107 = arith.mulf %add3A_1102, %tanh3A_1106 : vector<64x2048xbf16>
    %slice3A_1108 = vector.extract_strided_slice %get3A_34 {offsets = [21, 0], sizes = [1, 1024], strides = [1, 1]} : vector<50x1024xi32> to vector<1x1024xi32>
    %slice3A_1109 = vector.extract_strided_slice %get3A_37 {offsets = [21, 0], sizes = [1, 1024], strides = [1, 1]} : vector<50x1024xi32> to vector<1x1024xi32>
    %concatenate3A_1110 = tpu.concatenate %slice3A_1108, %slice3A_1109 in 1 : vector<1x1024xi32>, vector<1x1024xi32> -> vector<1x2048xi32>
    %broadcast_in_dim3A_1111 = vector.shape_cast %concatenate3A_1110 : vector<1x2048xi32> to vector<1x2048xi32>
    %broadcast_in_dim3A_1112 = vector.broadcast %broadcast_in_dim3A_1111 : vector<1x2048xi32> to vector<8x2048xi32>
    %lt3A_1113 = arith.constant 0 : i32
    %lt3A_1114 = vector.broadcast %lt3A_1113 : i32 to vector<8x2048xi32>
    %lt3A_1115 = arith.cmpi slt, %broadcast_in_dim3A_1112, %lt3A_1114 : vector<8x2048xi32>
    %add3A_1116 = arith.constant 128 : i32
    %add3A_1117 = vector.broadcast %add3A_1116 : i32 to vector<8x2048xi32>
    %add3A_1118 = arith.addi %broadcast_in_dim3A_1112, %add3A_1117 : vector<8x2048xi32>
    %select_n3A_1119 = arith.select %lt3A_1115, %add3A_1118, %broadcast_in_dim3A_1112 : vector<8x2048xi1>, vector<8x2048xi32>
    %reshape3A_1120 = vector.shape_cast %select_n3A_1119 : vector<8x2048xi32> to vector<8x2048x1xi32>
    %gather3A_1121 = vector.shape_cast %reshape3A_1120 : vector<8x2048x1xi32> to vector<8x2048xi32>
    %gather3A_1122 = tpu.dynamic_gather %get3A_31[%gather3A_1121] in [1] : vector<8x128xf32>, vector<8x2048xi32> -> vector<8x2048xf32>
    %convert_element_type3A_1123 = arith.truncf %gather3A_1122 : vector<8x2048xf32> to vector<8x2048xbf16>
    %concatenate3A_1124 = tpu.concatenate %convert_element_type3A_1123, %mul3A_1107 in 0 : vector<8x2048xbf16>, vector<64x2048xbf16> -> vector<72x2048xbf16>
    %dot_general3A_1125 = arith.constant dense<0.000000e+00> : vector<256x2048xf32>
    %dot_general3A_1126 = tpu.matmul %convert_element_type3A, %concatenate3A_1124, %dot_general3A_1125 {dimension_numbers = #tpu.dot_dimension_numbers<[1], [0], [0], [1], [0, 0, 1, 1], [], []>, transpose_lhs_hint = false} : vector<256x72xbf16>, vector<72x2048xbf16>, vector<256x2048xf32> -> vector<256x2048xf32>
    %convert_element_type3A_1127 = arith.truncf %dot_general3A_1126 : vector<256x2048xf32> to vector<256x2048xbf16>
    %slice3A_1128 = vector.extract_strided_slice %convert_element_type3A_1127 {offsets = [0, 0], sizes = [64, 2048], strides = [1, 1]} : vector<256x2048xbf16> to vector<64x2048xbf16>
    %tanh3A_1129 = math.tanh %slice3A_1128 : vector<64x2048xbf16>
    %mul3A_1130 = arith.constant 5.000000e-01 : bf16
    %mul3A_1131 = vector.broadcast %mul3A_1130 : bf16 to vector<64x2048xbf16>
    %mul3A_1132 = arith.mulf %mul3A_1131, %tanh3A_1129 : vector<64x2048xbf16>
    %add3A_1133 = arith.constant 5.000000e-01 : bf16
    %add3A_1134 = vector.broadcast %add3A_1133 : bf16 to vector<64x2048xbf16>
    %add3A_1135 = arith.addf %add3A_1134, %mul3A_1132 : vector<64x2048xbf16>
    %slice3A_1136 = vector.extract_strided_slice %convert_element_type3A_1127 {offsets = [64, 0], sizes = [64, 2048], strides = [1, 1]} : vector<256x2048xbf16> to vector<64x2048xbf16>
    %tanh3A_1137 = math.tanh %slice3A_1136 : vector<64x2048xbf16>
    %mul3A_1138 = arith.constant 5.000000e-01 : bf16
    %mul3A_1139 = vector.broadcast %mul3A_1138 : bf16 to vector<64x2048xbf16>
    %mul3A_1140 = arith.mulf %mul3A_1139, %tanh3A_1137 : vector<64x2048xbf16>
    %add3A_1141 = arith.constant 5.000000e-01 : bf16
    %add3A_1142 = vector.broadcast %add3A_1141 : bf16 to vector<64x2048xbf16>
    %add3A_1143 = arith.addf %add3A_1142, %mul3A_1140 : vector<64x2048xbf16>
    %slice3A_1144 = vector.extract_strided_slice %convert_element_type3A_1127 {offsets = [128, 0], sizes = [64, 2048], strides = [1, 1]} : vector<256x2048xbf16> to vector<64x2048xbf16>
    %tanh3A_1145 = math.tanh %slice3A_1144 : vector<64x2048xbf16>
    %slice3A_1146 = vector.extract_strided_slice %convert_element_type3A_1127 {offsets = [192, 0], sizes = [64, 2048], strides = [1, 1]} : vector<256x2048xbf16> to vector<64x2048xbf16>
    %tanh3A_1147 = math.tanh %slice3A_1146 : vector<64x2048xbf16>
    %mul3A_1148 = arith.constant 5.000000e-01 : bf16
    %mul3A_1149 = vector.broadcast %mul3A_1148 : bf16 to vector<64x2048xbf16>
    %mul3A_1150 = arith.mulf %mul3A_1149, %tanh3A_1147 : vector<64x2048xbf16>
    %add3A_1151 = arith.constant 5.000000e-01 : bf16
    %add3A_1152 = vector.broadcast %add3A_1151 : bf16 to vector<64x2048xbf16>
    %add3A_1153 = arith.addf %add3A_1152, %mul3A_1150 : vector<64x2048xbf16>
    %mul3A_1154 = arith.mulf %add3A_1143, %add3A_1105 : vector<64x2048xbf16>
    %mul3A_1155 = arith.mulf %add3A_1135, %tanh3A_1145 : vector<64x2048xbf16>
    %add3A_1156 = arith.addf %mul3A_1154, %mul3A_1155 : vector<64x2048xbf16>
    %tanh3A_1157 = math.tanh %add3A_1156 : vector<64x2048xbf16>
    %mul3A_1158 = arith.mulf %add3A_1153, %tanh3A_1157 : vector<64x2048xbf16>
    %slice3A_1159 = vector.extract_strided_slice %get3A_34 {offsets = [22, 0], sizes = [1, 1024], strides = [1, 1]} : vector<50x1024xi32> to vector<1x1024xi32>
    %slice3A_1160 = vector.extract_strided_slice %get3A_37 {offsets = [22, 0], sizes = [1, 1024], strides = [1, 1]} : vector<50x1024xi32> to vector<1x1024xi32>
    %concatenate3A_1161 = tpu.concatenate %slice3A_1159, %slice3A_1160 in 1 : vector<1x1024xi32>, vector<1x1024xi32> -> vector<1x2048xi32>
    %broadcast_in_dim3A_1162 = vector.shape_cast %concatenate3A_1161 : vector<1x2048xi32> to vector<1x2048xi32>
    %broadcast_in_dim3A_1163 = vector.broadcast %broadcast_in_dim3A_1162 : vector<1x2048xi32> to vector<8x2048xi32>
    %lt3A_1164 = arith.constant 0 : i32
    %lt3A_1165 = vector.broadcast %lt3A_1164 : i32 to vector<8x2048xi32>
    %lt3A_1166 = arith.cmpi slt, %broadcast_in_dim3A_1163, %lt3A_1165 : vector<8x2048xi32>
    %add3A_1167 = arith.constant 128 : i32
    %add3A_1168 = vector.broadcast %add3A_1167 : i32 to vector<8x2048xi32>
    %add3A_1169 = arith.addi %broadcast_in_dim3A_1163, %add3A_1168 : vector<8x2048xi32>
    %select_n3A_1170 = arith.select %lt3A_1166, %add3A_1169, %broadcast_in_dim3A_1163 : vector<8x2048xi1>, vector<8x2048xi32>
    %reshape3A_1171 = vector.shape_cast %select_n3A_1170 : vector<8x2048xi32> to vector<8x2048x1xi32>
    %gather3A_1172 = vector.shape_cast %reshape3A_1171 : vector<8x2048x1xi32> to vector<8x2048xi32>
    %gather3A_1173 = tpu.dynamic_gather %get3A_31[%gather3A_1172] in [1] : vector<8x128xf32>, vector<8x2048xi32> -> vector<8x2048xf32>
    %convert_element_type3A_1174 = arith.truncf %gather3A_1173 : vector<8x2048xf32> to vector<8x2048xbf16>
    %concatenate3A_1175 = tpu.concatenate %convert_element_type3A_1174, %mul3A_1158 in 0 : vector<8x2048xbf16>, vector<64x2048xbf16> -> vector<72x2048xbf16>
    %dot_general3A_1176 = arith.constant dense<0.000000e+00> : vector<256x2048xf32>
    %dot_general3A_1177 = tpu.matmul %convert_element_type3A, %concatenate3A_1175, %dot_general3A_1176 {dimension_numbers = #tpu.dot_dimension_numbers<[1], [0], [0], [1], [0, 0, 1, 1], [], []>, transpose_lhs_hint = false} : vector<256x72xbf16>, vector<72x2048xbf16>, vector<256x2048xf32> -> vector<256x2048xf32>
    %convert_element_type3A_1178 = arith.truncf %dot_general3A_1177 : vector<256x2048xf32> to vector<256x2048xbf16>
    %slice3A_1179 = vector.extract_strided_slice %convert_element_type3A_1178 {offsets = [0, 0], sizes = [64, 2048], strides = [1, 1]} : vector<256x2048xbf16> to vector<64x2048xbf16>
    %tanh3A_1180 = math.tanh %slice3A_1179 : vector<64x2048xbf16>
    %mul3A_1181 = arith.constant 5.000000e-01 : bf16
    %mul3A_1182 = vector.broadcast %mul3A_1181 : bf16 to vector<64x2048xbf16>
    %mul3A_1183 = arith.mulf %mul3A_1182, %tanh3A_1180 : vector<64x2048xbf16>
    %add3A_1184 = arith.constant 5.000000e-01 : bf16
    %add3A_1185 = vector.broadcast %add3A_1184 : bf16 to vector<64x2048xbf16>
    %add3A_1186 = arith.addf %add3A_1185, %mul3A_1183 : vector<64x2048xbf16>
    %slice3A_1187 = vector.extract_strided_slice %convert_element_type3A_1178 {offsets = [64, 0], sizes = [64, 2048], strides = [1, 1]} : vector<256x2048xbf16> to vector<64x2048xbf16>
    %tanh3A_1188 = math.tanh %slice3A_1187 : vector<64x2048xbf16>
    %mul3A_1189 = arith.constant 5.000000e-01 : bf16
    %mul3A_1190 = vector.broadcast %mul3A_1189 : bf16 to vector<64x2048xbf16>
    %mul3A_1191 = arith.mulf %mul3A_1190, %tanh3A_1188 : vector<64x2048xbf16>
    %add3A_1192 = arith.constant 5.000000e-01 : bf16
    %add3A_1193 = vector.broadcast %add3A_1192 : bf16 to vector<64x2048xbf16>
    %add3A_1194 = arith.addf %add3A_1193, %mul3A_1191 : vector<64x2048xbf16>
    %slice3A_1195 = vector.extract_strided_slice %convert_element_type3A_1178 {offsets = [128, 0], sizes = [64, 2048], strides = [1, 1]} : vector<256x2048xbf16> to vector<64x2048xbf16>
    %tanh3A_1196 = math.tanh %slice3A_1195 : vector<64x2048xbf16>
    %slice3A_1197 = vector.extract_strided_slice %convert_element_type3A_1178 {offsets = [192, 0], sizes = [64, 2048], strides = [1, 1]} : vector<256x2048xbf16> to vector<64x2048xbf16>
    %tanh3A_1198 = math.tanh %slice3A_1197 : vector<64x2048xbf16>
    %mul3A_1199 = arith.constant 5.000000e-01 : bf16
    %mul3A_1200 = vector.broadcast %mul3A_1199 : bf16 to vector<64x2048xbf16>
    %mul3A_1201 = arith.mulf %mul3A_1200, %tanh3A_1198 : vector<64x2048xbf16>
    %add3A_1202 = arith.constant 5.000000e-01 : bf16
    %add3A_1203 = vector.broadcast %add3A_1202 : bf16 to vector<64x2048xbf16>
    %add3A_1204 = arith.addf %add3A_1203, %mul3A_1201 : vector<64x2048xbf16>
    %mul3A_1205 = arith.mulf %add3A_1194, %add3A_1156 : vector<64x2048xbf16>
    %mul3A_1206 = arith.mulf %add3A_1186, %tanh3A_1196 : vector<64x2048xbf16>
    %add3A_1207 = arith.addf %mul3A_1205, %mul3A_1206 : vector<64x2048xbf16>
    %tanh3A_1208 = math.tanh %add3A_1207 : vector<64x2048xbf16>
    %mul3A_1209 = arith.mulf %add3A_1204, %tanh3A_1208 : vector<64x2048xbf16>
    %slice3A_1210 = vector.extract_strided_slice %get3A_34 {offsets = [23, 0], sizes = [1, 1024], strides = [1, 1]} : vector<50x1024xi32> to vector<1x1024xi32>
    %slice3A_1211 = vector.extract_strided_slice %get3A_37 {offsets = [23, 0], sizes = [1, 1024], strides = [1, 1]} : vector<50x1024xi32> to vector<1x1024xi32>
    %concatenate3A_1212 = tpu.concatenate %slice3A_1210, %slice3A_1211 in 1 : vector<1x1024xi32>, vector<1x1024xi32> -> vector<1x2048xi32>
    %broadcast_in_dim3A_1213 = vector.shape_cast %concatenate3A_1212 : vector<1x2048xi32> to vector<1x2048xi32>
    %broadcast_in_dim3A_1214 = vector.broadcast %broadcast_in_dim3A_1213 : vector<1x2048xi32> to vector<8x2048xi32>
    %lt3A_1215 = arith.constant 0 : i32
    %lt3A_1216 = vector.broadcast %lt3A_1215 : i32 to vector<8x2048xi32>
    %lt3A_1217 = arith.cmpi slt, %broadcast_in_dim3A_1214, %lt3A_1216 : vector<8x2048xi32>
    %add3A_1218 = arith.constant 128 : i32
    %add3A_1219 = vector.broadcast %add3A_1218 : i32 to vector<8x2048xi32>
    %add3A_1220 = arith.addi %broadcast_in_dim3A_1214, %add3A_1219 : vector<8x2048xi32>
    %select_n3A_1221 = arith.select %lt3A_1217, %add3A_1220, %broadcast_in_dim3A_1214 : vector<8x2048xi1>, vector<8x2048xi32>
    %reshape3A_1222 = vector.shape_cast %select_n3A_1221 : vector<8x2048xi32> to vector<8x2048x1xi32>
    %gather3A_1223 = vector.shape_cast %reshape3A_1222 : vector<8x2048x1xi32> to vector<8x2048xi32>
    %gather3A_1224 = tpu.dynamic_gather %get3A_31[%gather3A_1223] in [1] : vector<8x128xf32>, vector<8x2048xi32> -> vector<8x2048xf32>
    %convert_element_type3A_1225 = arith.truncf %gather3A_1224 : vector<8x2048xf32> to vector<8x2048xbf16>
    %concatenate3A_1226 = tpu.concatenate %convert_element_type3A_1225, %mul3A_1209 in 0 : vector<8x2048xbf16>, vector<64x2048xbf16> -> vector<72x2048xbf16>
    %dot_general3A_1227 = arith.constant dense<0.000000e+00> : vector<256x2048xf32>
    %dot_general3A_1228 = tpu.matmul %convert_element_type3A, %concatenate3A_1226, %dot_general3A_1227 {dimension_numbers = #tpu.dot_dimension_numbers<[1], [0], [0], [1], [0, 0, 1, 1], [], []>, transpose_lhs_hint = false} : vector<256x72xbf16>, vector<72x2048xbf16>, vector<256x2048xf32> -> vector<256x2048xf32>
    %convert_element_type3A_1229 = arith.truncf %dot_general3A_1228 : vector<256x2048xf32> to vector<256x2048xbf16>
    %slice3A_1230 = vector.extract_strided_slice %convert_element_type3A_1229 {offsets = [0, 0], sizes = [64, 2048], strides = [1, 1]} : vector<256x2048xbf16> to vector<64x2048xbf16>
    %tanh3A_1231 = math.tanh %slice3A_1230 : vector<64x2048xbf16>
    %mul3A_1232 = arith.constant 5.000000e-01 : bf16
    %mul3A_1233 = vector.broadcast %mul3A_1232 : bf16 to vector<64x2048xbf16>
    %mul3A_1234 = arith.mulf %mul3A_1233, %tanh3A_1231 : vector<64x2048xbf16>
    %add3A_1235 = arith.constant 5.000000e-01 : bf16
    %add3A_1236 = vector.broadcast %add3A_1235 : bf16 to vector<64x2048xbf16>
    %add3A_1237 = arith.addf %add3A_1236, %mul3A_1234 : vector<64x2048xbf16>
    %slice3A_1238 = vector.extract_strided_slice %convert_element_type3A_1229 {offsets = [64, 0], sizes = [64, 2048], strides = [1, 1]} : vector<256x2048xbf16> to vector<64x2048xbf16>
    %tanh3A_1239 = math.tanh %slice3A_1238 : vector<64x2048xbf16>
    %mul3A_1240 = arith.constant 5.000000e-01 : bf16
    %mul3A_1241 = vector.broadcast %mul3A_1240 : bf16 to vector<64x2048xbf16>
    %mul3A_1242 = arith.mulf %mul3A_1241, %tanh3A_1239 : vector<64x2048xbf16>
    %add3A_1243 = arith.constant 5.000000e-01 : bf16
    %add3A_1244 = vector.broadcast %add3A_1243 : bf16 to vector<64x2048xbf16>
    %add3A_1245 = arith.addf %add3A_1244, %mul3A_1242 : vector<64x2048xbf16>
    %slice3A_1246 = vector.extract_strided_slice %convert_element_type3A_1229 {offsets = [128, 0], sizes = [64, 2048], strides = [1, 1]} : vector<256x2048xbf16> to vector<64x2048xbf16>
    %tanh3A_1247 = math.tanh %slice3A_1246 : vector<64x2048xbf16>
    %slice3A_1248 = vector.extract_strided_slice %convert_element_type3A_1229 {offsets = [192, 0], sizes = [64, 2048], strides = [1, 1]} : vector<256x2048xbf16> to vector<64x2048xbf16>
    %tanh3A_1249 = math.tanh %slice3A_1248 : vector<64x2048xbf16>
    %mul3A_1250 = arith.constant 5.000000e-01 : bf16
    %mul3A_1251 = vector.broadcast %mul3A_1250 : bf16 to vector<64x2048xbf16>
    %mul3A_1252 = arith.mulf %mul3A_1251, %tanh3A_1249 : vector<64x2048xbf16>
    %add3A_1253 = arith.constant 5.000000e-01 : bf16
    %add3A_1254 = vector.broadcast %add3A_1253 : bf16 to vector<64x2048xbf16>
    %add3A_1255 = arith.addf %add3A_1254, %mul3A_1252 : vector<64x2048xbf16>
    %mul3A_1256 = arith.mulf %add3A_1245, %add3A_1207 : vector<64x2048xbf16>
    %mul3A_1257 = arith.mulf %add3A_1237, %tanh3A_1247 : vector<64x2048xbf16>
    %add3A_1258 = arith.addf %mul3A_1256, %mul3A_1257 : vector<64x2048xbf16>
    %tanh3A_1259 = math.tanh %add3A_1258 : vector<64x2048xbf16>
    %mul3A_1260 = arith.mulf %add3A_1255, %tanh3A_1259 : vector<64x2048xbf16>
    %slice3A_1261 = vector.extract_strided_slice %get3A_34 {offsets = [24, 0], sizes = [1, 1024], strides = [1, 1]} : vector<50x1024xi32> to vector<1x1024xi32>
    %slice3A_1262 = vector.extract_strided_slice %get3A_37 {offsets = [24, 0], sizes = [1, 1024], strides = [1, 1]} : vector<50x1024xi32> to vector<1x1024xi32>
    %concatenate3A_1263 = tpu.concatenate %slice3A_1261, %slice3A_1262 in 1 : vector<1x1024xi32>, vector<1x1024xi32> -> vector<1x2048xi32>
    %broadcast_in_dim3A_1264 = vector.shape_cast %concatenate3A_1263 : vector<1x2048xi32> to vector<1x2048xi32>
    %broadcast_in_dim3A_1265 = vector.broadcast %broadcast_in_dim3A_1264 : vector<1x2048xi32> to vector<8x2048xi32>
    %lt3A_1266 = arith.constant 0 : i32
    %lt3A_1267 = vector.broadcast %lt3A_1266 : i32 to vector<8x2048xi32>
    %lt3A_1268 = arith.cmpi slt, %broadcast_in_dim3A_1265, %lt3A_1267 : vector<8x2048xi32>
    %add3A_1269 = arith.constant 128 : i32
    %add3A_1270 = vector.broadcast %add3A_1269 : i32 to vector<8x2048xi32>
    %add3A_1271 = arith.addi %broadcast_in_dim3A_1265, %add3A_1270 : vector<8x2048xi32>
    %select_n3A_1272 = arith.select %lt3A_1268, %add3A_1271, %broadcast_in_dim3A_1265 : vector<8x2048xi1>, vector<8x2048xi32>
    %reshape3A_1273 = vector.shape_cast %select_n3A_1272 : vector<8x2048xi32> to vector<8x2048x1xi32>
    %gather3A_1274 = vector.shape_cast %reshape3A_1273 : vector<8x2048x1xi32> to vector<8x2048xi32>
    %gather3A_1275 = tpu.dynamic_gather %get3A_31[%gather3A_1274] in [1] : vector<8x128xf32>, vector<8x2048xi32> -> vector<8x2048xf32>
    %convert_element_type3A_1276 = arith.truncf %gather3A_1275 : vector<8x2048xf32> to vector<8x2048xbf16>
    %concatenate3A_1277 = tpu.concatenate %convert_element_type3A_1276, %mul3A_1260 in 0 : vector<8x2048xbf16>, vector<64x2048xbf16> -> vector<72x2048xbf16>
    %dot_general3A_1278 = arith.constant dense<0.000000e+00> : vector<256x2048xf32>
    %dot_general3A_1279 = tpu.matmul %convert_element_type3A, %concatenate3A_1277, %dot_general3A_1278 {dimension_numbers = #tpu.dot_dimension_numbers<[1], [0], [0], [1], [0, 0, 1, 1], [], []>, transpose_lhs_hint = false} : vector<256x72xbf16>, vector<72x2048xbf16>, vector<256x2048xf32> -> vector<256x2048xf32>
    %convert_element_type3A_1280 = arith.truncf %dot_general3A_1279 : vector<256x2048xf32> to vector<256x2048xbf16>
    %slice3A_1281 = vector.extract_strided_slice %convert_element_type3A_1280 {offsets = [0, 0], sizes = [64, 2048], strides = [1, 1]} : vector<256x2048xbf16> to vector<64x2048xbf16>
    %tanh3A_1282 = math.tanh %slice3A_1281 : vector<64x2048xbf16>
    %mul3A_1283 = arith.constant 5.000000e-01 : bf16
    %mul3A_1284 = vector.broadcast %mul3A_1283 : bf16 to vector<64x2048xbf16>
    %mul3A_1285 = arith.mulf %mul3A_1284, %tanh3A_1282 : vector<64x2048xbf16>
    %add3A_1286 = arith.constant 5.000000e-01 : bf16
    %add3A_1287 = vector.broadcast %add3A_1286 : bf16 to vector<64x2048xbf16>
    %add3A_1288 = arith.addf %add3A_1287, %mul3A_1285 : vector<64x2048xbf16>
    %slice3A_1289 = vector.extract_strided_slice %convert_element_type3A_1280 {offsets = [64, 0], sizes = [64, 2048], strides = [1, 1]} : vector<256x2048xbf16> to vector<64x2048xbf16>
    %tanh3A_1290 = math.tanh %slice3A_1289 : vector<64x2048xbf16>
    %mul3A_1291 = arith.constant 5.000000e-01 : bf16
    %mul3A_1292 = vector.broadcast %mul3A_1291 : bf16 to vector<64x2048xbf16>
    %mul3A_1293 = arith.mulf %mul3A_1292, %tanh3A_1290 : vector<64x2048xbf16>
    %add3A_1294 = arith.constant 5.000000e-01 : bf16
    %add3A_1295 = vector.broadcast %add3A_1294 : bf16 to vector<64x2048xbf16>
    %add3A_1296 = arith.addf %add3A_1295, %mul3A_1293 : vector<64x2048xbf16>
    %slice3A_1297 = vector.extract_strided_slice %convert_element_type3A_1280 {offsets = [128, 0], sizes = [64, 2048], strides = [1, 1]} : vector<256x2048xbf16> to vector<64x2048xbf16>
    %tanh3A_1298 = math.tanh %slice3A_1297 : vector<64x2048xbf16>
    %slice3A_1299 = vector.extract_strided_slice %convert_element_type3A_1280 {offsets = [192, 0], sizes = [64, 2048], strides = [1, 1]} : vector<256x2048xbf16> to vector<64x2048xbf16>
    %tanh3A_1300 = math.tanh %slice3A_1299 : vector<64x2048xbf16>
    %mul3A_1301 = arith.constant 5.000000e-01 : bf16
    %mul3A_1302 = vector.broadcast %mul3A_1301 : bf16 to vector<64x2048xbf16>
    %mul3A_1303 = arith.mulf %mul3A_1302, %tanh3A_1300 : vector<64x2048xbf16>
    %add3A_1304 = arith.constant 5.000000e-01 : bf16
    %add3A_1305 = vector.broadcast %add3A_1304 : bf16 to vector<64x2048xbf16>
    %add3A_1306 = arith.addf %add3A_1305, %mul3A_1303 : vector<64x2048xbf16>
    %mul3A_1307 = arith.mulf %add3A_1296, %add3A_1258 : vector<64x2048xbf16>
    %mul3A_1308 = arith.mulf %add3A_1288, %tanh3A_1298 : vector<64x2048xbf16>
    %add3A_1309 = arith.addf %mul3A_1307, %mul3A_1308 : vector<64x2048xbf16>
    %tanh3A_1310 = math.tanh %add3A_1309 : vector<64x2048xbf16>
    %mul3A_1311 = arith.mulf %add3A_1306, %tanh3A_1310 : vector<64x2048xbf16>
    %slice3A_1312 = vector.extract_strided_slice %get3A_34 {offsets = [25, 0], sizes = [1, 1024], strides = [1, 1]} : vector<50x1024xi32> to vector<1x1024xi32>
    %slice3A_1313 = vector.extract_strided_slice %get3A_37 {offsets = [25, 0], sizes = [1, 1024], strides = [1, 1]} : vector<50x1024xi32> to vector<1x1024xi32>
    %concatenate3A_1314 = tpu.concatenate %slice3A_1312, %slice3A_1313 in 1 : vector<1x1024xi32>, vector<1x1024xi32> -> vector<1x2048xi32>
    %broadcast_in_dim3A_1315 = vector.shape_cast %concatenate3A_1314 : vector<1x2048xi32> to vector<1x2048xi32>
    %broadcast_in_dim3A_1316 = vector.broadcast %broadcast_in_dim3A_1315 : vector<1x2048xi32> to vector<8x2048xi32>
    %lt3A_1317 = arith.constant 0 : i32
    %lt3A_1318 = vector.broadcast %lt3A_1317 : i32 to vector<8x2048xi32>
    %lt3A_1319 = arith.cmpi slt, %broadcast_in_dim3A_1316, %lt3A_1318 : vector<8x2048xi32>
    %add3A_1320 = arith.constant 128 : i32
    %add3A_1321 = vector.broadcast %add3A_1320 : i32 to vector<8x2048xi32>
    %add3A_1322 = arith.addi %broadcast_in_dim3A_1316, %add3A_1321 : vector<8x2048xi32>
    %select_n3A_1323 = arith.select %lt3A_1319, %add3A_1322, %broadcast_in_dim3A_1316 : vector<8x2048xi1>, vector<8x2048xi32>
    %reshape3A_1324 = vector.shape_cast %select_n3A_1323 : vector<8x2048xi32> to vector<8x2048x1xi32>
    %gather3A_1325 = vector.shape_cast %reshape3A_1324 : vector<8x2048x1xi32> to vector<8x2048xi32>
    %gather3A_1326 = tpu.dynamic_gather %get3A_31[%gather3A_1325] in [1] : vector<8x128xf32>, vector<8x2048xi32> -> vector<8x2048xf32>
    %convert_element_type3A_1327 = arith.truncf %gather3A_1326 : vector<8x2048xf32> to vector<8x2048xbf16>
    %concatenate3A_1328 = tpu.concatenate %convert_element_type3A_1327, %mul3A_1311 in 0 : vector<8x2048xbf16>, vector<64x2048xbf16> -> vector<72x2048xbf16>
    %dot_general3A_1329 = arith.constant dense<0.000000e+00> : vector<256x2048xf32>
    %dot_general3A_1330 = tpu.matmul %convert_element_type3A, %concatenate3A_1328, %dot_general3A_1329 {dimension_numbers = #tpu.dot_dimension_numbers<[1], [0], [0], [1], [0, 0, 1, 1], [], []>, transpose_lhs_hint = false} : vector<256x72xbf16>, vector<72x2048xbf16>, vector<256x2048xf32> -> vector<256x2048xf32>
    %convert_element_type3A_1331 = arith.truncf %dot_general3A_1330 : vector<256x2048xf32> to vector<256x2048xbf16>
    %slice3A_1332 = vector.extract_strided_slice %convert_element_type3A_1331 {offsets = [0, 0], sizes = [64, 2048], strides = [1, 1]} : vector<256x2048xbf16> to vector<64x2048xbf16>
    %tanh3A_1333 = math.tanh %slice3A_1332 : vector<64x2048xbf16>
    %mul3A_1334 = arith.constant 5.000000e-01 : bf16
    %mul3A_1335 = vector.broadcast %mul3A_1334 : bf16 to vector<64x2048xbf16>
    %mul3A_1336 = arith.mulf %mul3A_1335, %tanh3A_1333 : vector<64x2048xbf16>
    %add3A_1337 = arith.constant 5.000000e-01 : bf16
    %add3A_1338 = vector.broadcast %add3A_1337 : bf16 to vector<64x2048xbf16>
    %add3A_1339 = arith.addf %add3A_1338, %mul3A_1336 : vector<64x2048xbf16>
    %slice3A_1340 = vector.extract_strided_slice %convert_element_type3A_1331 {offsets = [64, 0], sizes = [64, 2048], strides = [1, 1]} : vector<256x2048xbf16> to vector<64x2048xbf16>
    %tanh3A_1341 = math.tanh %slice3A_1340 : vector<64x2048xbf16>
    %mul3A_1342 = arith.constant 5.000000e-01 : bf16
    %mul3A_1343 = vector.broadcast %mul3A_1342 : bf16 to vector<64x2048xbf16>
    %mul3A_1344 = arith.mulf %mul3A_1343, %tanh3A_1341 : vector<64x2048xbf16>
    %add3A_1345 = arith.constant 5.000000e-01 : bf16
    %add3A_1346 = vector.broadcast %add3A_1345 : bf16 to vector<64x2048xbf16>
    %add3A_1347 = arith.addf %add3A_1346, %mul3A_1344 : vector<64x2048xbf16>
    %slice3A_1348 = vector.extract_strided_slice %convert_element_type3A_1331 {offsets = [128, 0], sizes = [64, 2048], strides = [1, 1]} : vector<256x2048xbf16> to vector<64x2048xbf16>
    %tanh3A_1349 = math.tanh %slice3A_1348 : vector<64x2048xbf16>
    %slice3A_1350 = vector.extract_strided_slice %convert_element_type3A_1331 {offsets = [192, 0], sizes = [64, 2048], strides = [1, 1]} : vector<256x2048xbf16> to vector<64x2048xbf16>
    %tanh3A_1351 = math.tanh %slice3A_1350 : vector<64x2048xbf16>
    %mul3A_1352 = arith.constant 5.000000e-01 : bf16
    %mul3A_1353 = vector.broadcast %mul3A_1352 : bf16 to vector<64x2048xbf16>
    %mul3A_1354 = arith.mulf %mul3A_1353, %tanh3A_1351 : vector<64x2048xbf16>
    %add3A_1355 = arith.constant 5.000000e-01 : bf16
    %add3A_1356 = vector.broadcast %add3A_1355 : bf16 to vector<64x2048xbf16>
    %add3A_1357 = arith.addf %add3A_1356, %mul3A_1354 : vector<64x2048xbf16>
    %mul3A_1358 = arith.mulf %add3A_1347, %add3A_1309 : vector<64x2048xbf16>
    %mul3A_1359 = arith.mulf %add3A_1339, %tanh3A_1349 : vector<64x2048xbf16>
    %add3A_1360 = arith.addf %mul3A_1358, %mul3A_1359 : vector<64x2048xbf16>
    %tanh3A_1361 = math.tanh %add3A_1360 : vector<64x2048xbf16>
    %mul3A_1362 = arith.mulf %add3A_1357, %tanh3A_1361 : vector<64x2048xbf16>
    %slice3A_1363 = vector.extract_strided_slice %get3A_34 {offsets = [26, 0], sizes = [1, 1024], strides = [1, 1]} : vector<50x1024xi32> to vector<1x1024xi32>
    %slice3A_1364 = vector.extract_strided_slice %get3A_37 {offsets = [26, 0], sizes = [1, 1024], strides = [1, 1]} : vector<50x1024xi32> to vector<1x1024xi32>
    %concatenate3A_1365 = tpu.concatenate %slice3A_1363, %slice3A_1364 in 1 : vector<1x1024xi32>, vector<1x1024xi32> -> vector<1x2048xi32>
    %broadcast_in_dim3A_1366 = vector.shape_cast %concatenate3A_1365 : vector<1x2048xi32> to vector<1x2048xi32>
    %broadcast_in_dim3A_1367 = vector.broadcast %broadcast_in_dim3A_1366 : vector<1x2048xi32> to vector<8x2048xi32>
    %lt3A_1368 = arith.constant 0 : i32
    %lt3A_1369 = vector.broadcast %lt3A_1368 : i32 to vector<8x2048xi32>
    %lt3A_1370 = arith.cmpi slt, %broadcast_in_dim3A_1367, %lt3A_1369 : vector<8x2048xi32>
    %add3A_1371 = arith.constant 128 : i32
    %add3A_1372 = vector.broadcast %add3A_1371 : i32 to vector<8x2048xi32>
    %add3A_1373 = arith.addi %broadcast_in_dim3A_1367, %add3A_1372 : vector<8x2048xi32>
    %select_n3A_1374 = arith.select %lt3A_1370, %add3A_1373, %broadcast_in_dim3A_1367 : vector<8x2048xi1>, vector<8x2048xi32>
    %reshape3A_1375 = vector.shape_cast %select_n3A_1374 : vector<8x2048xi32> to vector<8x2048x1xi32>
    %gather3A_1376 = vector.shape_cast %reshape3A_1375 : vector<8x2048x1xi32> to vector<8x2048xi32>
    %gather3A_1377 = tpu.dynamic_gather %get3A_31[%gather3A_1376] in [1] : vector<8x128xf32>, vector<8x2048xi32> -> vector<8x2048xf32>
    %convert_element_type3A_1378 = arith.truncf %gather3A_1377 : vector<8x2048xf32> to vector<8x2048xbf16>
    %concatenate3A_1379 = tpu.concatenate %convert_element_type3A_1378, %mul3A_1362 in 0 : vector<8x2048xbf16>, vector<64x2048xbf16> -> vector<72x2048xbf16>
    %dot_general3A_1380 = arith.constant dense<0.000000e+00> : vector<256x2048xf32>
    %dot_general3A_1381 = tpu.matmul %convert_element_type3A, %concatenate3A_1379, %dot_general3A_1380 {dimension_numbers = #tpu.dot_dimension_numbers<[1], [0], [0], [1], [0, 0, 1, 1], [], []>, transpose_lhs_hint = false} : vector<256x72xbf16>, vector<72x2048xbf16>, vector<256x2048xf32> -> vector<256x2048xf32>
    %convert_element_type3A_1382 = arith.truncf %dot_general3A_1381 : vector<256x2048xf32> to vector<256x2048xbf16>
    %slice3A_1383 = vector.extract_strided_slice %convert_element_type3A_1382 {offsets = [0, 0], sizes = [64, 2048], strides = [1, 1]} : vector<256x2048xbf16> to vector<64x2048xbf16>
    %tanh3A_1384 = math.tanh %slice3A_1383 : vector<64x2048xbf16>
    %mul3A_1385 = arith.constant 5.000000e-01 : bf16
    %mul3A_1386 = vector.broadcast %mul3A_1385 : bf16 to vector<64x2048xbf16>
    %mul3A_1387 = arith.mulf %mul3A_1386, %tanh3A_1384 : vector<64x2048xbf16>
    %add3A_1388 = arith.constant 5.000000e-01 : bf16
    %add3A_1389 = vector.broadcast %add3A_1388 : bf16 to vector<64x2048xbf16>
    %add3A_1390 = arith.addf %add3A_1389, %mul3A_1387 : vector<64x2048xbf16>
    %slice3A_1391 = vector.extract_strided_slice %convert_element_type3A_1382 {offsets = [64, 0], sizes = [64, 2048], strides = [1, 1]} : vector<256x2048xbf16> to vector<64x2048xbf16>
    %tanh3A_1392 = math.tanh %slice3A_1391 : vector<64x2048xbf16>
    %mul3A_1393 = arith.constant 5.000000e-01 : bf16
    %mul3A_1394 = vector.broadcast %mul3A_1393 : bf16 to vector<64x2048xbf16>
    %mul3A_1395 = arith.mulf %mul3A_1394, %tanh3A_1392 : vector<64x2048xbf16>
    %add3A_1396 = arith.constant 5.000000e-01 : bf16
    %add3A_1397 = vector.broadcast %add3A_1396 : bf16 to vector<64x2048xbf16>
    %add3A_1398 = arith.addf %add3A_1397, %mul3A_1395 : vector<64x2048xbf16>
    %slice3A_1399 = vector.extract_strided_slice %convert_element_type3A_1382 {offsets = [128, 0], sizes = [64, 2048], strides = [1, 1]} : vector<256x2048xbf16> to vector<64x2048xbf16>
    %tanh3A_1400 = math.tanh %slice3A_1399 : vector<64x2048xbf16>
    %slice3A_1401 = vector.extract_strided_slice %convert_element_type3A_1382 {offsets = [192, 0], sizes = [64, 2048], strides = [1, 1]} : vector<256x2048xbf16> to vector<64x2048xbf16>
    %tanh3A_1402 = math.tanh %slice3A_1401 : vector<64x2048xbf16>
    %mul3A_1403 = arith.constant 5.000000e-01 : bf16
    %mul3A_1404 = vector.broadcast %mul3A_1403 : bf16 to vector<64x2048xbf16>
    %mul3A_1405 = arith.mulf %mul3A_1404, %tanh3A_1402 : vector<64x2048xbf16>
    %add3A_1406 = arith.constant 5.000000e-01 : bf16
    %add3A_1407 = vector.broadcast %add3A_1406 : bf16 to vector<64x2048xbf16>
    %add3A_1408 = arith.addf %add3A_1407, %mul3A_1405 : vector<64x2048xbf16>
    %mul3A_1409 = arith.mulf %add3A_1398, %add3A_1360 : vector<64x2048xbf16>
    %mul3A_1410 = arith.mulf %add3A_1390, %tanh3A_1400 : vector<64x2048xbf16>
    %add3A_1411 = arith.addf %mul3A_1409, %mul3A_1410 : vector<64x2048xbf16>
    %tanh3A_1412 = math.tanh %add3A_1411 : vector<64x2048xbf16>
    %mul3A_1413 = arith.mulf %add3A_1408, %tanh3A_1412 : vector<64x2048xbf16>
    %slice3A_1414 = vector.extract_strided_slice %get3A_34 {offsets = [27, 0], sizes = [1, 1024], strides = [1, 1]} : vector<50x1024xi32> to vector<1x1024xi32>
    %slice3A_1415 = vector.extract_strided_slice %get3A_37 {offsets = [27, 0], sizes = [1, 1024], strides = [1, 1]} : vector<50x1024xi32> to vector<1x1024xi32>
    %concatenate3A_1416 = tpu.concatenate %slice3A_1414, %slice3A_1415 in 1 : vector<1x1024xi32>, vector<1x1024xi32> -> vector<1x2048xi32>
    %broadcast_in_dim3A_1417 = vector.shape_cast %concatenate3A_1416 : vector<1x2048xi32> to vector<1x2048xi32>
    %broadcast_in_dim3A_1418 = vector.broadcast %broadcast_in_dim3A_1417 : vector<1x2048xi32> to vector<8x2048xi32>
    %lt3A_1419 = arith.constant 0 : i32
    %lt3A_1420 = vector.broadcast %lt3A_1419 : i32 to vector<8x2048xi32>
    %lt3A_1421 = arith.cmpi slt, %broadcast_in_dim3A_1418, %lt3A_1420 : vector<8x2048xi32>
    %add3A_1422 = arith.constant 128 : i32
    %add3A_1423 = vector.broadcast %add3A_1422 : i32 to vector<8x2048xi32>
    %add3A_1424 = arith.addi %broadcast_in_dim3A_1418, %add3A_1423 : vector<8x2048xi32>
    %select_n3A_1425 = arith.select %lt3A_1421, %add3A_1424, %broadcast_in_dim3A_1418 : vector<8x2048xi1>, vector<8x2048xi32>
    %reshape3A_1426 = vector.shape_cast %select_n3A_1425 : vector<8x2048xi32> to vector<8x2048x1xi32>
    %gather3A_1427 = vector.shape_cast %reshape3A_1426 : vector<8x2048x1xi32> to vector<8x2048xi32>
    %gather3A_1428 = tpu.dynamic_gather %get3A_31[%gather3A_1427] in [1] : vector<8x128xf32>, vector<8x2048xi32> -> vector<8x2048xf32>
    %convert_element_type3A_1429 = arith.truncf %gather3A_1428 : vector<8x2048xf32> to vector<8x2048xbf16>
    %concatenate3A_1430 = tpu.concatenate %convert_element_type3A_1429, %mul3A_1413 in 0 : vector<8x2048xbf16>, vector<64x2048xbf16> -> vector<72x2048xbf16>
    %dot_general3A_1431 = arith.constant dense<0.000000e+00> : vector<256x2048xf32>
    %dot_general3A_1432 = tpu.matmul %convert_element_type3A, %concatenate3A_1430, %dot_general3A_1431 {dimension_numbers = #tpu.dot_dimension_numbers<[1], [0], [0], [1], [0, 0, 1, 1], [], []>, transpose_lhs_hint = false} : vector<256x72xbf16>, vector<72x2048xbf16>, vector<256x2048xf32> -> vector<256x2048xf32>
    %convert_element_type3A_1433 = arith.truncf %dot_general3A_1432 : vector<256x2048xf32> to vector<256x2048xbf16>
    %slice3A_1434 = vector.extract_strided_slice %convert_element_type3A_1433 {offsets = [0, 0], sizes = [64, 2048], strides = [1, 1]} : vector<256x2048xbf16> to vector<64x2048xbf16>
    %tanh3A_1435 = math.tanh %slice3A_1434 : vector<64x2048xbf16>
    %mul3A_1436 = arith.constant 5.000000e-01 : bf16
    %mul3A_1437 = vector.broadcast %mul3A_1436 : bf16 to vector<64x2048xbf16>
    %mul3A_1438 = arith.mulf %mul3A_1437, %tanh3A_1435 : vector<64x2048xbf16>
    %add3A_1439 = arith.constant 5.000000e-01 : bf16
    %add3A_1440 = vector.broadcast %add3A_1439 : bf16 to vector<64x2048xbf16>
    %add3A_1441 = arith.addf %add3A_1440, %mul3A_1438 : vector<64x2048xbf16>
    %slice3A_1442 = vector.extract_strided_slice %convert_element_type3A_1433 {offsets = [64, 0], sizes = [64, 2048], strides = [1, 1]} : vector<256x2048xbf16> to vector<64x2048xbf16>
    %tanh3A_1443 = math.tanh %slice3A_1442 : vector<64x2048xbf16>
    %mul3A_1444 = arith.constant 5.000000e-01 : bf16
    %mul3A_1445 = vector.broadcast %mul3A_1444 : bf16 to vector<64x2048xbf16>
    %mul3A_1446 = arith.mulf %mul3A_1445, %tanh3A_1443 : vector<64x2048xbf16>
    %add3A_1447 = arith.constant 5.000000e-01 : bf16
    %add3A_1448 = vector.broadcast %add3A_1447 : bf16 to vector<64x2048xbf16>
    %add3A_1449 = arith.addf %add3A_1448, %mul3A_1446 : vector<64x2048xbf16>
    %slice3A_1450 = vector.extract_strided_slice %convert_element_type3A_1433 {offsets = [128, 0], sizes = [64, 2048], strides = [1, 1]} : vector<256x2048xbf16> to vector<64x2048xbf16>
    %tanh3A_1451 = math.tanh %slice3A_1450 : vector<64x2048xbf16>
    %slice3A_1452 = vector.extract_strided_slice %convert_element_type3A_1433 {offsets = [192, 0], sizes = [64, 2048], strides = [1, 1]} : vector<256x2048xbf16> to vector<64x2048xbf16>
    %tanh3A_1453 = math.tanh %slice3A_1452 : vector<64x2048xbf16>
    %mul3A_1454 = arith.constant 5.000000e-01 : bf16
    %mul3A_1455 = vector.broadcast %mul3A_1454 : bf16 to vector<64x2048xbf16>
    %mul3A_1456 = arith.mulf %mul3A_1455, %tanh3A_1453 : vector<64x2048xbf16>
    %add3A_1457 = arith.constant 5.000000e-01 : bf16
    %add3A_1458 = vector.broadcast %add3A_1457 : bf16 to vector<64x2048xbf16>
    %add3A_1459 = arith.addf %add3A_1458, %mul3A_1456 : vector<64x2048xbf16>
    %mul3A_1460 = arith.mulf %add3A_1449, %add3A_1411 : vector<64x2048xbf16>
    %mul3A_1461 = arith.mulf %add3A_1441, %tanh3A_1451 : vector<64x2048xbf16>
    %add3A_1462 = arith.addf %mul3A_1460, %mul3A_1461 : vector<64x2048xbf16>
    %tanh3A_1463 = math.tanh %add3A_1462 : vector<64x2048xbf16>
    %mul3A_1464 = arith.mulf %add3A_1459, %tanh3A_1463 : vector<64x2048xbf16>
    %slice3A_1465 = vector.extract_strided_slice %get3A_34 {offsets = [28, 0], sizes = [1, 1024], strides = [1, 1]} : vector<50x1024xi32> to vector<1x1024xi32>
    %slice3A_1466 = vector.extract_strided_slice %get3A_37 {offsets = [28, 0], sizes = [1, 1024], strides = [1, 1]} : vector<50x1024xi32> to vector<1x1024xi32>
    %concatenate3A_1467 = tpu.concatenate %slice3A_1465, %slice3A_1466 in 1 : vector<1x1024xi32>, vector<1x1024xi32> -> vector<1x2048xi32>
    %broadcast_in_dim3A_1468 = vector.shape_cast %concatenate3A_1467 : vector<1x2048xi32> to vector<1x2048xi32>
    %broadcast_in_dim3A_1469 = vector.broadcast %broadcast_in_dim3A_1468 : vector<1x2048xi32> to vector<8x2048xi32>
    %lt3A_1470 = arith.constant 0 : i32
    %lt3A_1471 = vector.broadcast %lt3A_1470 : i32 to vector<8x2048xi32>
    %lt3A_1472 = arith.cmpi slt, %broadcast_in_dim3A_1469, %lt3A_1471 : vector<8x2048xi32>
    %add3A_1473 = arith.constant 128 : i32
    %add3A_1474 = vector.broadcast %add3A_1473 : i32 to vector<8x2048xi32>
    %add3A_1475 = arith.addi %broadcast_in_dim3A_1469, %add3A_1474 : vector<8x2048xi32>
    %select_n3A_1476 = arith.select %lt3A_1472, %add3A_1475, %broadcast_in_dim3A_1469 : vector<8x2048xi1>, vector<8x2048xi32>
    %reshape3A_1477 = vector.shape_cast %select_n3A_1476 : vector<8x2048xi32> to vector<8x2048x1xi32>
    %gather3A_1478 = vector.shape_cast %reshape3A_1477 : vector<8x2048x1xi32> to vector<8x2048xi32>
    %gather3A_1479 = tpu.dynamic_gather %get3A_31[%gather3A_1478] in [1] : vector<8x128xf32>, vector<8x2048xi32> -> vector<8x2048xf32>
    %convert_element_type3A_1480 = arith.truncf %gather3A_1479 : vector<8x2048xf32> to vector<8x2048xbf16>
    %concatenate3A_1481 = tpu.concatenate %convert_element_type3A_1480, %mul3A_1464 in 0 : vector<8x2048xbf16>, vector<64x2048xbf16> -> vector<72x2048xbf16>
    %dot_general3A_1482 = arith.constant dense<0.000000e+00> : vector<256x2048xf32>
    %dot_general3A_1483 = tpu.matmul %convert_element_type3A, %concatenate3A_1481, %dot_general3A_1482 {dimension_numbers = #tpu.dot_dimension_numbers<[1], [0], [0], [1], [0, 0, 1, 1], [], []>, transpose_lhs_hint = false} : vector<256x72xbf16>, vector<72x2048xbf16>, vector<256x2048xf32> -> vector<256x2048xf32>
    %convert_element_type3A_1484 = arith.truncf %dot_general3A_1483 : vector<256x2048xf32> to vector<256x2048xbf16>
    %slice3A_1485 = vector.extract_strided_slice %convert_element_type3A_1484 {offsets = [0, 0], sizes = [64, 2048], strides = [1, 1]} : vector<256x2048xbf16> to vector<64x2048xbf16>
    %tanh3A_1486 = math.tanh %slice3A_1485 : vector<64x2048xbf16>
    %mul3A_1487 = arith.constant 5.000000e-01 : bf16
    %mul3A_1488 = vector.broadcast %mul3A_1487 : bf16 to vector<64x2048xbf16>
    %mul3A_1489 = arith.mulf %mul3A_1488, %tanh3A_1486 : vector<64x2048xbf16>
    %add3A_1490 = arith.constant 5.000000e-01 : bf16
    %add3A_1491 = vector.broadcast %add3A_1490 : bf16 to vector<64x2048xbf16>
    %add3A_1492 = arith.addf %add3A_1491, %mul3A_1489 : vector<64x2048xbf16>
    %slice3A_1493 = vector.extract_strided_slice %convert_element_type3A_1484 {offsets = [64, 0], sizes = [64, 2048], strides = [1, 1]} : vector<256x2048xbf16> to vector<64x2048xbf16>
    %tanh3A_1494 = math.tanh %slice3A_1493 : vector<64x2048xbf16>
    %mul3A_1495 = arith.constant 5.000000e-01 : bf16
    %mul3A_1496 = vector.broadcast %mul3A_1495 : bf16 to vector<64x2048xbf16>
    %mul3A_1497 = arith.mulf %mul3A_1496, %tanh3A_1494 : vector<64x2048xbf16>
    %add3A_1498 = arith.constant 5.000000e-01 : bf16
    %add3A_1499 = vector.broadcast %add3A_1498 : bf16 to vector<64x2048xbf16>
    %add3A_1500 = arith.addf %add3A_1499, %mul3A_1497 : vector<64x2048xbf16>
    %slice3A_1501 = vector.extract_strided_slice %convert_element_type3A_1484 {offsets = [128, 0], sizes = [64, 2048], strides = [1, 1]} : vector<256x2048xbf16> to vector<64x2048xbf16>
    %tanh3A_1502 = math.tanh %slice3A_1501 : vector<64x2048xbf16>
    %slice3A_1503 = vector.extract_strided_slice %convert_element_type3A_1484 {offsets = [192, 0], sizes = [64, 2048], strides = [1, 1]} : vector<256x2048xbf16> to vector<64x2048xbf16>
    %tanh3A_1504 = math.tanh %slice3A_1503 : vector<64x2048xbf16>
    %mul3A_1505 = arith.constant 5.000000e-01 : bf16
    %mul3A_1506 = vector.broadcast %mul3A_1505 : bf16 to vector<64x2048xbf16>
    %mul3A_1507 = arith.mulf %mul3A_1506, %tanh3A_1504 : vector<64x2048xbf16>
    %add3A_1508 = arith.constant 5.000000e-01 : bf16
    %add3A_1509 = vector.broadcast %add3A_1508 : bf16 to vector<64x2048xbf16>
    %add3A_1510 = arith.addf %add3A_1509, %mul3A_1507 : vector<64x2048xbf16>
    %mul3A_1511 = arith.mulf %add3A_1500, %add3A_1462 : vector<64x2048xbf16>
    %mul3A_1512 = arith.mulf %add3A_1492, %tanh3A_1502 : vector<64x2048xbf16>
    %add3A_1513 = arith.addf %mul3A_1511, %mul3A_1512 : vector<64x2048xbf16>
    %tanh3A_1514 = math.tanh %add3A_1513 : vector<64x2048xbf16>
    %mul3A_1515 = arith.mulf %add3A_1510, %tanh3A_1514 : vector<64x2048xbf16>
    %slice3A_1516 = vector.extract_strided_slice %get3A_34 {offsets = [29, 0], sizes = [1, 1024], strides = [1, 1]} : vector<50x1024xi32> to vector<1x1024xi32>
    %slice3A_1517 = vector.extract_strided_slice %get3A_37 {offsets = [29, 0], sizes = [1, 1024], strides = [1, 1]} : vector<50x1024xi32> to vector<1x1024xi32>
    %concatenate3A_1518 = tpu.concatenate %slice3A_1516, %slice3A_1517 in 1 : vector<1x1024xi32>, vector<1x1024xi32> -> vector<1x2048xi32>
    %broadcast_in_dim3A_1519 = vector.shape_cast %concatenate3A_1518 : vector<1x2048xi32> to vector<1x2048xi32>
    %broadcast_in_dim3A_1520 = vector.broadcast %broadcast_in_dim3A_1519 : vector<1x2048xi32> to vector<8x2048xi32>
    %lt3A_1521 = arith.constant 0 : i32
    %lt3A_1522 = vector.broadcast %lt3A_1521 : i32 to vector<8x2048xi32>
    %lt3A_1523 = arith.cmpi slt, %broadcast_in_dim3A_1520, %lt3A_1522 : vector<8x2048xi32>
    %add3A_1524 = arith.constant 128 : i32
    %add3A_1525 = vector.broadcast %add3A_1524 : i32 to vector<8x2048xi32>
    %add3A_1526 = arith.addi %broadcast_in_dim3A_1520, %add3A_1525 : vector<8x2048xi32>
    %select_n3A_1527 = arith.select %lt3A_1523, %add3A_1526, %broadcast_in_dim3A_1520 : vector<8x2048xi1>, vector<8x2048xi32>
    %reshape3A_1528 = vector.shape_cast %select_n3A_1527 : vector<8x2048xi32> to vector<8x2048x1xi32>
    %gather3A_1529 = vector.shape_cast %reshape3A_1528 : vector<8x2048x1xi32> to vector<8x2048xi32>
    %gather3A_1530 = tpu.dynamic_gather %get3A_31[%gather3A_1529] in [1] : vector<8x128xf32>, vector<8x2048xi32> -> vector<8x2048xf32>
    %convert_element_type3A_1531 = arith.truncf %gather3A_1530 : vector<8x2048xf32> to vector<8x2048xbf16>
    %concatenate3A_1532 = tpu.concatenate %convert_element_type3A_1531, %mul3A_1515 in 0 : vector<8x2048xbf16>, vector<64x2048xbf16> -> vector<72x2048xbf16>
    %dot_general3A_1533 = arith.constant dense<0.000000e+00> : vector<256x2048xf32>
    %dot_general3A_1534 = tpu.matmul %convert_element_type3A, %concatenate3A_1532, %dot_general3A_1533 {dimension_numbers = #tpu.dot_dimension_numbers<[1], [0], [0], [1], [0, 0, 1, 1], [], []>, transpose_lhs_hint = false} : vector<256x72xbf16>, vector<72x2048xbf16>, vector<256x2048xf32> -> vector<256x2048xf32>
    %convert_element_type3A_1535 = arith.truncf %dot_general3A_1534 : vector<256x2048xf32> to vector<256x2048xbf16>
    %slice3A_1536 = vector.extract_strided_slice %convert_element_type3A_1535 {offsets = [0, 0], sizes = [64, 2048], strides = [1, 1]} : vector<256x2048xbf16> to vector<64x2048xbf16>
    %tanh3A_1537 = math.tanh %slice3A_1536 : vector<64x2048xbf16>
    %mul3A_1538 = arith.constant 5.000000e-01 : bf16
    %mul3A_1539 = vector.broadcast %mul3A_1538 : bf16 to vector<64x2048xbf16>
    %mul3A_1540 = arith.mulf %mul3A_1539, %tanh3A_1537 : vector<64x2048xbf16>
    %add3A_1541 = arith.constant 5.000000e-01 : bf16
    %add3A_1542 = vector.broadcast %add3A_1541 : bf16 to vector<64x2048xbf16>
    %add3A_1543 = arith.addf %add3A_1542, %mul3A_1540 : vector<64x2048xbf16>
    %slice3A_1544 = vector.extract_strided_slice %convert_element_type3A_1535 {offsets = [64, 0], sizes = [64, 2048], strides = [1, 1]} : vector<256x2048xbf16> to vector<64x2048xbf16>
    %tanh3A_1545 = math.tanh %slice3A_1544 : vector<64x2048xbf16>
    %mul3A_1546 = arith.constant 5.000000e-01 : bf16
    %mul3A_1547 = vector.broadcast %mul3A_1546 : bf16 to vector<64x2048xbf16>
    %mul3A_1548 = arith.mulf %mul3A_1547, %tanh3A_1545 : vector<64x2048xbf16>
    %add3A_1549 = arith.constant 5.000000e-01 : bf16
    %add3A_1550 = vector.broadcast %add3A_1549 : bf16 to vector<64x2048xbf16>
    %add3A_1551 = arith.addf %add3A_1550, %mul3A_1548 : vector<64x2048xbf16>
    %slice3A_1552 = vector.extract_strided_slice %convert_element_type3A_1535 {offsets = [128, 0], sizes = [64, 2048], strides = [1, 1]} : vector<256x2048xbf16> to vector<64x2048xbf16>
    %tanh3A_1553 = math.tanh %slice3A_1552 : vector<64x2048xbf16>
    %slice3A_1554 = vector.extract_strided_slice %convert_element_type3A_1535 {offsets = [192, 0], sizes = [64, 2048], strides = [1, 1]} : vector<256x2048xbf16> to vector<64x2048xbf16>
    %tanh3A_1555 = math.tanh %slice3A_1554 : vector<64x2048xbf16>
    %mul3A_1556 = arith.constant 5.000000e-01 : bf16
    %mul3A_1557 = vector.broadcast %mul3A_1556 : bf16 to vector<64x2048xbf16>
    %mul3A_1558 = arith.mulf %mul3A_1557, %tanh3A_1555 : vector<64x2048xbf16>
    %add3A_1559 = arith.constant 5.000000e-01 : bf16
    %add3A_1560 = vector.broadcast %add3A_1559 : bf16 to vector<64x2048xbf16>
    %add3A_1561 = arith.addf %add3A_1560, %mul3A_1558 : vector<64x2048xbf16>
    %mul3A_1562 = arith.mulf %add3A_1551, %add3A_1513 : vector<64x2048xbf16>
    %mul3A_1563 = arith.mulf %add3A_1543, %tanh3A_1553 : vector<64x2048xbf16>
    %add3A_1564 = arith.addf %mul3A_1562, %mul3A_1563 : vector<64x2048xbf16>
    %tanh3A_1565 = math.tanh %add3A_1564 : vector<64x2048xbf16>
    %mul3A_1566 = arith.mulf %add3A_1561, %tanh3A_1565 : vector<64x2048xbf16>
    %slice3A_1567 = vector.extract_strided_slice %get3A_34 {offsets = [30, 0], sizes = [1, 1024], strides = [1, 1]} : vector<50x1024xi32> to vector<1x1024xi32>
    %slice3A_1568 = vector.extract_strided_slice %get3A_37 {offsets = [30, 0], sizes = [1, 1024], strides = [1, 1]} : vector<50x1024xi32> to vector<1x1024xi32>
    %concatenate3A_1569 = tpu.concatenate %slice3A_1567, %slice3A_1568 in 1 : vector<1x1024xi32>, vector<1x1024xi32> -> vector<1x2048xi32>
    %broadcast_in_dim3A_1570 = vector.shape_cast %concatenate3A_1569 : vector<1x2048xi32> to vector<1x2048xi32>
    %broadcast_in_dim3A_1571 = vector.broadcast %broadcast_in_dim3A_1570 : vector<1x2048xi32> to vector<8x2048xi32>
    %lt3A_1572 = arith.constant 0 : i32
    %lt3A_1573 = vector.broadcast %lt3A_1572 : i32 to vector<8x2048xi32>
    %lt3A_1574 = arith.cmpi slt, %broadcast_in_dim3A_1571, %lt3A_1573 : vector<8x2048xi32>
    %add3A_1575 = arith.constant 128 : i32
    %add3A_1576 = vector.broadcast %add3A_1575 : i32 to vector<8x2048xi32>
    %add3A_1577 = arith.addi %broadcast_in_dim3A_1571, %add3A_1576 : vector<8x2048xi32>
    %select_n3A_1578 = arith.select %lt3A_1574, %add3A_1577, %broadcast_in_dim3A_1571 : vector<8x2048xi1>, vector<8x2048xi32>
    %reshape3A_1579 = vector.shape_cast %select_n3A_1578 : vector<8x2048xi32> to vector<8x2048x1xi32>
    %gather3A_1580 = vector.shape_cast %reshape3A_1579 : vector<8x2048x1xi32> to vector<8x2048xi32>
    %gather3A_1581 = tpu.dynamic_gather %get3A_31[%gather3A_1580] in [1] : vector<8x128xf32>, vector<8x2048xi32> -> vector<8x2048xf32>
    %convert_element_type3A_1582 = arith.truncf %gather3A_1581 : vector<8x2048xf32> to vector<8x2048xbf16>
    %concatenate3A_1583 = tpu.concatenate %convert_element_type3A_1582, %mul3A_1566 in 0 : vector<8x2048xbf16>, vector<64x2048xbf16> -> vector<72x2048xbf16>
    %dot_general3A_1584 = arith.constant dense<0.000000e+00> : vector<256x2048xf32>
    %dot_general3A_1585 = tpu.matmul %convert_element_type3A, %concatenate3A_1583, %dot_general3A_1584 {dimension_numbers = #tpu.dot_dimension_numbers<[1], [0], [0], [1], [0, 0, 1, 1], [], []>, transpose_lhs_hint = false} : vector<256x72xbf16>, vector<72x2048xbf16>, vector<256x2048xf32> -> vector<256x2048xf32>
    %convert_element_type3A_1586 = arith.truncf %dot_general3A_1585 : vector<256x2048xf32> to vector<256x2048xbf16>
    %slice3A_1587 = vector.extract_strided_slice %convert_element_type3A_1586 {offsets = [0, 0], sizes = [64, 2048], strides = [1, 1]} : vector<256x2048xbf16> to vector<64x2048xbf16>
    %tanh3A_1588 = math.tanh %slice3A_1587 : vector<64x2048xbf16>
    %mul3A_1589 = arith.constant 5.000000e-01 : bf16
    %mul3A_1590 = vector.broadcast %mul3A_1589 : bf16 to vector<64x2048xbf16>
    %mul3A_1591 = arith.mulf %mul3A_1590, %tanh3A_1588 : vector<64x2048xbf16>
    %add3A_1592 = arith.constant 5.000000e-01 : bf16
    %add3A_1593 = vector.broadcast %add3A_1592 : bf16 to vector<64x2048xbf16>
    %add3A_1594 = arith.addf %add3A_1593, %mul3A_1591 : vector<64x2048xbf16>
    %slice3A_1595 = vector.extract_strided_slice %convert_element_type3A_1586 {offsets = [64, 0], sizes = [64, 2048], strides = [1, 1]} : vector<256x2048xbf16> to vector<64x2048xbf16>
    %tanh3A_1596 = math.tanh %slice3A_1595 : vector<64x2048xbf16>
    %mul3A_1597 = arith.constant 5.000000e-01 : bf16
    %mul3A_1598 = vector.broadcast %mul3A_1597 : bf16 to vector<64x2048xbf16>
    %mul3A_1599 = arith.mulf %mul3A_1598, %tanh3A_1596 : vector<64x2048xbf16>
    %add3A_1600 = arith.constant 5.000000e-01 : bf16
    %add3A_1601 = vector.broadcast %add3A_1600 : bf16 to vector<64x2048xbf16>
    %add3A_1602 = arith.addf %add3A_1601, %mul3A_1599 : vector<64x2048xbf16>
    %slice3A_1603 = vector.extract_strided_slice %convert_element_type3A_1586 {offsets = [128, 0], sizes = [64, 2048], strides = [1, 1]} : vector<256x2048xbf16> to vector<64x2048xbf16>
    %tanh3A_1604 = math.tanh %slice3A_1603 : vector<64x2048xbf16>
    %slice3A_1605 = vector.extract_strided_slice %convert_element_type3A_1586 {offsets = [192, 0], sizes = [64, 2048], strides = [1, 1]} : vector<256x2048xbf16> to vector<64x2048xbf16>
    %tanh3A_1606 = math.tanh %slice3A_1605 : vector<64x2048xbf16>
    %mul3A_1607 = arith.constant 5.000000e-01 : bf16
    %mul3A_1608 = vector.broadcast %mul3A_1607 : bf16 to vector<64x2048xbf16>
    %mul3A_1609 = arith.mulf %mul3A_1608, %tanh3A_1606 : vector<64x2048xbf16>
    %add3A_1610 = arith.constant 5.000000e-01 : bf16
    %add3A_1611 = vector.broadcast %add3A_1610 : bf16 to vector<64x2048xbf16>
    %add3A_1612 = arith.addf %add3A_1611, %mul3A_1609 : vector<64x2048xbf16>
    %mul3A_1613 = arith.mulf %add3A_1602, %add3A_1564 : vector<64x2048xbf16>
    %mul3A_1614 = arith.mulf %add3A_1594, %tanh3A_1604 : vector<64x2048xbf16>
    %add3A_1615 = arith.addf %mul3A_1613, %mul3A_1614 : vector<64x2048xbf16>
    %tanh3A_1616 = math.tanh %add3A_1615 : vector<64x2048xbf16>
    %mul3A_1617 = arith.mulf %add3A_1612, %tanh3A_1616 : vector<64x2048xbf16>
    %slice3A_1618 = vector.extract_strided_slice %get3A_34 {offsets = [31, 0], sizes = [1, 1024], strides = [1, 1]} : vector<50x1024xi32> to vector<1x1024xi32>
    %slice3A_1619 = vector.extract_strided_slice %get3A_37 {offsets = [31, 0], sizes = [1, 1024], strides = [1, 1]} : vector<50x1024xi32> to vector<1x1024xi32>
    %concatenate3A_1620 = tpu.concatenate %slice3A_1618, %slice3A_1619 in 1 : vector<1x1024xi32>, vector<1x1024xi32> -> vector<1x2048xi32>
    %broadcast_in_dim3A_1621 = vector.shape_cast %concatenate3A_1620 : vector<1x2048xi32> to vector<1x2048xi32>
    %broadcast_in_dim3A_1622 = vector.broadcast %broadcast_in_dim3A_1621 : vector<1x2048xi32> to vector<8x2048xi32>
    %lt3A_1623 = arith.constant 0 : i32
    %lt3A_1624 = vector.broadcast %lt3A_1623 : i32 to vector<8x2048xi32>
    %lt3A_1625 = arith.cmpi slt, %broadcast_in_dim3A_1622, %lt3A_1624 : vector<8x2048xi32>
    %add3A_1626 = arith.constant 128 : i32
    %add3A_1627 = vector.broadcast %add3A_1626 : i32 to vector<8x2048xi32>
    %add3A_1628 = arith.addi %broadcast_in_dim3A_1622, %add3A_1627 : vector<8x2048xi32>
    %select_n3A_1629 = arith.select %lt3A_1625, %add3A_1628, %broadcast_in_dim3A_1622 : vector<8x2048xi1>, vector<8x2048xi32>
    %reshape3A_1630 = vector.shape_cast %select_n3A_1629 : vector<8x2048xi32> to vector<8x2048x1xi32>
    %gather3A_1631 = vector.shape_cast %reshape3A_1630 : vector<8x2048x1xi32> to vector<8x2048xi32>
    %gather3A_1632 = tpu.dynamic_gather %get3A_31[%gather3A_1631] in [1] : vector<8x128xf32>, vector<8x2048xi32> -> vector<8x2048xf32>
    %convert_element_type3A_1633 = arith.truncf %gather3A_1632 : vector<8x2048xf32> to vector<8x2048xbf16>
    %concatenate3A_1634 = tpu.concatenate %convert_element_type3A_1633, %mul3A_1617 in 0 : vector<8x2048xbf16>, vector<64x2048xbf16> -> vector<72x2048xbf16>
    %dot_general3A_1635 = arith.constant dense<0.000000e+00> : vector<256x2048xf32>
    %dot_general3A_1636 = tpu.matmul %convert_element_type3A, %concatenate3A_1634, %dot_general3A_1635 {dimension_numbers = #tpu.dot_dimension_numbers<[1], [0], [0], [1], [0, 0, 1, 1], [], []>, transpose_lhs_hint = false} : vector<256x72xbf16>, vector<72x2048xbf16>, vector<256x2048xf32> -> vector<256x2048xf32>
    %convert_element_type3A_1637 = arith.truncf %dot_general3A_1636 : vector<256x2048xf32> to vector<256x2048xbf16>
    %slice3A_1638 = vector.extract_strided_slice %convert_element_type3A_1637 {offsets = [0, 0], sizes = [64, 2048], strides = [1, 1]} : vector<256x2048xbf16> to vector<64x2048xbf16>
    %tanh3A_1639 = math.tanh %slice3A_1638 : vector<64x2048xbf16>
    %mul3A_1640 = arith.constant 5.000000e-01 : bf16
    %mul3A_1641 = vector.broadcast %mul3A_1640 : bf16 to vector<64x2048xbf16>
    %mul3A_1642 = arith.mulf %mul3A_1641, %tanh3A_1639 : vector<64x2048xbf16>
    %add3A_1643 = arith.constant 5.000000e-01 : bf16
    %add3A_1644 = vector.broadcast %add3A_1643 : bf16 to vector<64x2048xbf16>
    %add3A_1645 = arith.addf %add3A_1644, %mul3A_1642 : vector<64x2048xbf16>
    %slice3A_1646 = vector.extract_strided_slice %convert_element_type3A_1637 {offsets = [64, 0], sizes = [64, 2048], strides = [1, 1]} : vector<256x2048xbf16> to vector<64x2048xbf16>
    %tanh3A_1647 = math.tanh %slice3A_1646 : vector<64x2048xbf16>
    %mul3A_1648 = arith.constant 5.000000e-01 : bf16
    %mul3A_1649 = vector.broadcast %mul3A_1648 : bf16 to vector<64x2048xbf16>
    %mul3A_1650 = arith.mulf %mul3A_1649, %tanh3A_1647 : vector<64x2048xbf16>
    %add3A_1651 = arith.constant 5.000000e-01 : bf16
    %add3A_1652 = vector.broadcast %add3A_1651 : bf16 to vector<64x2048xbf16>
    %add3A_1653 = arith.addf %add3A_1652, %mul3A_1650 : vector<64x2048xbf16>
    %slice3A_1654 = vector.extract_strided_slice %convert_element_type3A_1637 {offsets = [128, 0], sizes = [64, 2048], strides = [1, 1]} : vector<256x2048xbf16> to vector<64x2048xbf16>
    %tanh3A_1655 = math.tanh %slice3A_1654 : vector<64x2048xbf16>
    %slice3A_1656 = vector.extract_strided_slice %convert_element_type3A_1637 {offsets = [192, 0], sizes = [64, 2048], strides = [1, 1]} : vector<256x2048xbf16> to vector<64x2048xbf16>
    %tanh3A_1657 = math.tanh %slice3A_1656 : vector<64x2048xbf16>
    %mul3A_1658 = arith.constant 5.000000e-01 : bf16
    %mul3A_1659 = vector.broadcast %mul3A_1658 : bf16 to vector<64x2048xbf16>
    %mul3A_1660 = arith.mulf %mul3A_1659, %tanh3A_1657 : vector<64x2048xbf16>
    %add3A_1661 = arith.constant 5.000000e-01 : bf16
    %add3A_1662 = vector.broadcast %add3A_1661 : bf16 to vector<64x2048xbf16>
    %add3A_1663 = arith.addf %add3A_1662, %mul3A_1660 : vector<64x2048xbf16>
    %mul3A_1664 = arith.mulf %add3A_1653, %add3A_1615 : vector<64x2048xbf16>
    %mul3A_1665 = arith.mulf %add3A_1645, %tanh3A_1655 : vector<64x2048xbf16>
    %add3A_1666 = arith.addf %mul3A_1664, %mul3A_1665 : vector<64x2048xbf16>
    %tanh3A_1667 = math.tanh %add3A_1666 : vector<64x2048xbf16>
    %mul3A_1668 = arith.mulf %add3A_1663, %tanh3A_1667 : vector<64x2048xbf16>
    %slice3A_1669 = vector.extract_strided_slice %get3A_34 {offsets = [32, 0], sizes = [1, 1024], strides = [1, 1]} : vector<50x1024xi32> to vector<1x1024xi32>
    %slice3A_1670 = vector.extract_strided_slice %get3A_37 {offsets = [32, 0], sizes = [1, 1024], strides = [1, 1]} : vector<50x1024xi32> to vector<1x1024xi32>
    %concatenate3A_1671 = tpu.concatenate %slice3A_1669, %slice3A_1670 in 1 : vector<1x1024xi32>, vector<1x1024xi32> -> vector<1x2048xi32>
    %broadcast_in_dim3A_1672 = vector.shape_cast %concatenate3A_1671 : vector<1x2048xi32> to vector<1x2048xi32>
    %broadcast_in_dim3A_1673 = vector.broadcast %broadcast_in_dim3A_1672 : vector<1x2048xi32> to vector<8x2048xi32>
    %lt3A_1674 = arith.constant 0 : i32
    %lt3A_1675 = vector.broadcast %lt3A_1674 : i32 to vector<8x2048xi32>
    %lt3A_1676 = arith.cmpi slt, %broadcast_in_dim3A_1673, %lt3A_1675 : vector<8x2048xi32>
    %add3A_1677 = arith.constant 128 : i32
    %add3A_1678 = vector.broadcast %add3A_1677 : i32 to vector<8x2048xi32>
    %add3A_1679 = arith.addi %broadcast_in_dim3A_1673, %add3A_1678 : vector<8x2048xi32>
    %select_n3A_1680 = arith.select %lt3A_1676, %add3A_1679, %broadcast_in_dim3A_1673 : vector<8x2048xi1>, vector<8x2048xi32>
    %reshape3A_1681 = vector.shape_cast %select_n3A_1680 : vector<8x2048xi32> to vector<8x2048x1xi32>
    %gather3A_1682 = vector.shape_cast %reshape3A_1681 : vector<8x2048x1xi32> to vector<8x2048xi32>
    %gather3A_1683 = tpu.dynamic_gather %get3A_31[%gather3A_1682] in [1] : vector<8x128xf32>, vector<8x2048xi32> -> vector<8x2048xf32>
    %convert_element_type3A_1684 = arith.truncf %gather3A_1683 : vector<8x2048xf32> to vector<8x2048xbf16>
    %concatenate3A_1685 = tpu.concatenate %convert_element_type3A_1684, %mul3A_1668 in 0 : vector<8x2048xbf16>, vector<64x2048xbf16> -> vector<72x2048xbf16>
    %dot_general3A_1686 = arith.constant dense<0.000000e+00> : vector<256x2048xf32>
    %dot_general3A_1687 = tpu.matmul %convert_element_type3A, %concatenate3A_1685, %dot_general3A_1686 {dimension_numbers = #tpu.dot_dimension_numbers<[1], [0], [0], [1], [0, 0, 1, 1], [], []>, transpose_lhs_hint = false} : vector<256x72xbf16>, vector<72x2048xbf16>, vector<256x2048xf32> -> vector<256x2048xf32>
    %convert_element_type3A_1688 = arith.truncf %dot_general3A_1687 : vector<256x2048xf32> to vector<256x2048xbf16>
    %slice3A_1689 = vector.extract_strided_slice %convert_element_type3A_1688 {offsets = [0, 0], sizes = [64, 2048], strides = [1, 1]} : vector<256x2048xbf16> to vector<64x2048xbf16>
    %tanh3A_1690 = math.tanh %slice3A_1689 : vector<64x2048xbf16>
    %mul3A_1691 = arith.constant 5.000000e-01 : bf16
    %mul3A_1692 = vector.broadcast %mul3A_1691 : bf16 to vector<64x2048xbf16>
    %mul3A_1693 = arith.mulf %mul3A_1692, %tanh3A_1690 : vector<64x2048xbf16>
    %add3A_1694 = arith.constant 5.000000e-01 : bf16
    %add3A_1695 = vector.broadcast %add3A_1694 : bf16 to vector<64x2048xbf16>
    %add3A_1696 = arith.addf %add3A_1695, %mul3A_1693 : vector<64x2048xbf16>
    %slice3A_1697 = vector.extract_strided_slice %convert_element_type3A_1688 {offsets = [64, 0], sizes = [64, 2048], strides = [1, 1]} : vector<256x2048xbf16> to vector<64x2048xbf16>
    %tanh3A_1698 = math.tanh %slice3A_1697 : vector<64x2048xbf16>
    %mul3A_1699 = arith.constant 5.000000e-01 : bf16
    %mul3A_1700 = vector.broadcast %mul3A_1699 : bf16 to vector<64x2048xbf16>
    %mul3A_1701 = arith.mulf %mul3A_1700, %tanh3A_1698 : vector<64x2048xbf16>
    %add3A_1702 = arith.constant 5.000000e-01 : bf16
    %add3A_1703 = vector.broadcast %add3A_1702 : bf16 to vector<64x2048xbf16>
    %add3A_1704 = arith.addf %add3A_1703, %mul3A_1701 : vector<64x2048xbf16>
    %slice3A_1705 = vector.extract_strided_slice %convert_element_type3A_1688 {offsets = [128, 0], sizes = [64, 2048], strides = [1, 1]} : vector<256x2048xbf16> to vector<64x2048xbf16>
    %tanh3A_1706 = math.tanh %slice3A_1705 : vector<64x2048xbf16>
    %slice3A_1707 = vector.extract_strided_slice %convert_element_type3A_1688 {offsets = [192, 0], sizes = [64, 2048], strides = [1, 1]} : vector<256x2048xbf16> to vector<64x2048xbf16>
    %tanh3A_1708 = math.tanh %slice3A_1707 : vector<64x2048xbf16>
    %mul3A_1709 = arith.constant 5.000000e-01 : bf16
    %mul3A_1710 = vector.broadcast %mul3A_1709 : bf16 to vector<64x2048xbf16>
    %mul3A_1711 = arith.mulf %mul3A_1710, %tanh3A_1708 : vector<64x2048xbf16>
    %add3A_1712 = arith.constant 5.000000e-01 : bf16
    %add3A_1713 = vector.broadcast %add3A_1712 : bf16 to vector<64x2048xbf16>
    %add3A_1714 = arith.addf %add3A_1713, %mul3A_1711 : vector<64x2048xbf16>
    %mul3A_1715 = arith.mulf %add3A_1704, %add3A_1666 : vector<64x2048xbf16>
    %mul3A_1716 = arith.mulf %add3A_1696, %tanh3A_1706 : vector<64x2048xbf16>
    %add3A_1717 = arith.addf %mul3A_1715, %mul3A_1716 : vector<64x2048xbf16>
    %tanh3A_1718 = math.tanh %add3A_1717 : vector<64x2048xbf16>
    %mul3A_1719 = arith.mulf %add3A_1714, %tanh3A_1718 : vector<64x2048xbf16>
    %slice3A_1720 = vector.extract_strided_slice %get3A_34 {offsets = [33, 0], sizes = [1, 1024], strides = [1, 1]} : vector<50x1024xi32> to vector<1x1024xi32>
    %slice3A_1721 = vector.extract_strided_slice %get3A_37 {offsets = [33, 0], sizes = [1, 1024], strides = [1, 1]} : vector<50x1024xi32> to vector<1x1024xi32>
    %concatenate3A_1722 = tpu.concatenate %slice3A_1720, %slice3A_1721 in 1 : vector<1x1024xi32>, vector<1x1024xi32> -> vector<1x2048xi32>
    %broadcast_in_dim3A_1723 = vector.shape_cast %concatenate3A_1722 : vector<1x2048xi32> to vector<1x2048xi32>
    %broadcast_in_dim3A_1724 = vector.broadcast %broadcast_in_dim3A_1723 : vector<1x2048xi32> to vector<8x2048xi32>
    %lt3A_1725 = arith.constant 0 : i32
    %lt3A_1726 = vector.broadcast %lt3A_1725 : i32 to vector<8x2048xi32>
    %lt3A_1727 = arith.cmpi slt, %broadcast_in_dim3A_1724, %lt3A_1726 : vector<8x2048xi32>
    %add3A_1728 = arith.constant 128 : i32
    %add3A_1729 = vector.broadcast %add3A_1728 : i32 to vector<8x2048xi32>
    %add3A_1730 = arith.addi %broadcast_in_dim3A_1724, %add3A_1729 : vector<8x2048xi32>
    %select_n3A_1731 = arith.select %lt3A_1727, %add3A_1730, %broadcast_in_dim3A_1724 : vector<8x2048xi1>, vector<8x2048xi32>
    %reshape3A_1732 = vector.shape_cast %select_n3A_1731 : vector<8x2048xi32> to vector<8x2048x1xi32>
    %gather3A_1733 = vector.shape_cast %reshape3A_1732 : vector<8x2048x1xi32> to vector<8x2048xi32>
    %gather3A_1734 = tpu.dynamic_gather %get3A_31[%gather3A_1733] in [1] : vector<8x128xf32>, vector<8x2048xi32> -> vector<8x2048xf32>
    %convert_element_type3A_1735 = arith.truncf %gather3A_1734 : vector<8x2048xf32> to vector<8x2048xbf16>
    %concatenate3A_1736 = tpu.concatenate %convert_element_type3A_1735, %mul3A_1719 in 0 : vector<8x2048xbf16>, vector<64x2048xbf16> -> vector<72x2048xbf16>
    %dot_general3A_1737 = arith.constant dense<0.000000e+00> : vector<256x2048xf32>
    %dot_general3A_1738 = tpu.matmul %convert_element_type3A, %concatenate3A_1736, %dot_general3A_1737 {dimension_numbers = #tpu.dot_dimension_numbers<[1], [0], [0], [1], [0, 0, 1, 1], [], []>, transpose_lhs_hint = false} : vector<256x72xbf16>, vector<72x2048xbf16>, vector<256x2048xf32> -> vector<256x2048xf32>
    %convert_element_type3A_1739 = arith.truncf %dot_general3A_1738 : vector<256x2048xf32> to vector<256x2048xbf16>
    %slice3A_1740 = vector.extract_strided_slice %convert_element_type3A_1739 {offsets = [0, 0], sizes = [64, 2048], strides = [1, 1]} : vector<256x2048xbf16> to vector<64x2048xbf16>
    %tanh3A_1741 = math.tanh %slice3A_1740 : vector<64x2048xbf16>
    %mul3A_1742 = arith.constant 5.000000e-01 : bf16
    %mul3A_1743 = vector.broadcast %mul3A_1742 : bf16 to vector<64x2048xbf16>
    %mul3A_1744 = arith.mulf %mul3A_1743, %tanh3A_1741 : vector<64x2048xbf16>
    %add3A_1745 = arith.constant 5.000000e-01 : bf16
    %add3A_1746 = vector.broadcast %add3A_1745 : bf16 to vector<64x2048xbf16>
    %add3A_1747 = arith.addf %add3A_1746, %mul3A_1744 : vector<64x2048xbf16>
    %slice3A_1748 = vector.extract_strided_slice %convert_element_type3A_1739 {offsets = [64, 0], sizes = [64, 2048], strides = [1, 1]} : vector<256x2048xbf16> to vector<64x2048xbf16>
    %tanh3A_1749 = math.tanh %slice3A_1748 : vector<64x2048xbf16>
    %mul3A_1750 = arith.constant 5.000000e-01 : bf16
    %mul3A_1751 = vector.broadcast %mul3A_1750 : bf16 to vector<64x2048xbf16>
    %mul3A_1752 = arith.mulf %mul3A_1751, %tanh3A_1749 : vector<64x2048xbf16>
    %add3A_1753 = arith.constant 5.000000e-01 : bf16
    %add3A_1754 = vector.broadcast %add3A_1753 : bf16 to vector<64x2048xbf16>
    %add3A_1755 = arith.addf %add3A_1754, %mul3A_1752 : vector<64x2048xbf16>
    %slice3A_1756 = vector.extract_strided_slice %convert_element_type3A_1739 {offsets = [128, 0], sizes = [64, 2048], strides = [1, 1]} : vector<256x2048xbf16> to vector<64x2048xbf16>
    %tanh3A_1757 = math.tanh %slice3A_1756 : vector<64x2048xbf16>
    %slice3A_1758 = vector.extract_strided_slice %convert_element_type3A_1739 {offsets = [192, 0], sizes = [64, 2048], strides = [1, 1]} : vector<256x2048xbf16> to vector<64x2048xbf16>
    %tanh3A_1759 = math.tanh %slice3A_1758 : vector<64x2048xbf16>
    %mul3A_1760 = arith.constant 5.000000e-01 : bf16
    %mul3A_1761 = vector.broadcast %mul3A_1760 : bf16 to vector<64x2048xbf16>
    %mul3A_1762 = arith.mulf %mul3A_1761, %tanh3A_1759 : vector<64x2048xbf16>
    %add3A_1763 = arith.constant 5.000000e-01 : bf16
    %add3A_1764 = vector.broadcast %add3A_1763 : bf16 to vector<64x2048xbf16>
    %add3A_1765 = arith.addf %add3A_1764, %mul3A_1762 : vector<64x2048xbf16>
    %mul3A_1766 = arith.mulf %add3A_1755, %add3A_1717 : vector<64x2048xbf16>
    %mul3A_1767 = arith.mulf %add3A_1747, %tanh3A_1757 : vector<64x2048xbf16>
    %add3A_1768 = arith.addf %mul3A_1766, %mul3A_1767 : vector<64x2048xbf16>
    %tanh3A_1769 = math.tanh %add3A_1768 : vector<64x2048xbf16>
    %mul3A_1770 = arith.mulf %add3A_1765, %tanh3A_1769 : vector<64x2048xbf16>
    %slice3A_1771 = vector.extract_strided_slice %get3A_34 {offsets = [34, 0], sizes = [1, 1024], strides = [1, 1]} : vector<50x1024xi32> to vector<1x1024xi32>
    %slice3A_1772 = vector.extract_strided_slice %get3A_37 {offsets = [34, 0], sizes = [1, 1024], strides = [1, 1]} : vector<50x1024xi32> to vector<1x1024xi32>
    %concatenate3A_1773 = tpu.concatenate %slice3A_1771, %slice3A_1772 in 1 : vector<1x1024xi32>, vector<1x1024xi32> -> vector<1x2048xi32>
    %broadcast_in_dim3A_1774 = vector.shape_cast %concatenate3A_1773 : vector<1x2048xi32> to vector<1x2048xi32>
    %broadcast_in_dim3A_1775 = vector.broadcast %broadcast_in_dim3A_1774 : vector<1x2048xi32> to vector<8x2048xi32>
    %lt3A_1776 = arith.constant 0 : i32
    %lt3A_1777 = vector.broadcast %lt3A_1776 : i32 to vector<8x2048xi32>
    %lt3A_1778 = arith.cmpi slt, %broadcast_in_dim3A_1775, %lt3A_1777 : vector<8x2048xi32>
    %add3A_1779 = arith.constant 128 : i32
    %add3A_1780 = vector.broadcast %add3A_1779 : i32 to vector<8x2048xi32>
    %add3A_1781 = arith.addi %broadcast_in_dim3A_1775, %add3A_1780 : vector<8x2048xi32>
    %select_n3A_1782 = arith.select %lt3A_1778, %add3A_1781, %broadcast_in_dim3A_1775 : vector<8x2048xi1>, vector<8x2048xi32>
    %reshape3A_1783 = vector.shape_cast %select_n3A_1782 : vector<8x2048xi32> to vector<8x2048x1xi32>
    %gather3A_1784 = vector.shape_cast %reshape3A_1783 : vector<8x2048x1xi32> to vector<8x2048xi32>
    %gather3A_1785 = tpu.dynamic_gather %get3A_31[%gather3A_1784] in [1] : vector<8x128xf32>, vector<8x2048xi32> -> vector<8x2048xf32>
    %convert_element_type3A_1786 = arith.truncf %gather3A_1785 : vector<8x2048xf32> to vector<8x2048xbf16>
    %concatenate3A_1787 = tpu.concatenate %convert_element_type3A_1786, %mul3A_1770 in 0 : vector<8x2048xbf16>, vector<64x2048xbf16> -> vector<72x2048xbf16>
    %dot_general3A_1788 = arith.constant dense<0.000000e+00> : vector<256x2048xf32>
    %dot_general3A_1789 = tpu.matmul %convert_element_type3A, %concatenate3A_1787, %dot_general3A_1788 {dimension_numbers = #tpu.dot_dimension_numbers<[1], [0], [0], [1], [0, 0, 1, 1], [], []>, transpose_lhs_hint = false} : vector<256x72xbf16>, vector<72x2048xbf16>, vector<256x2048xf32> -> vector<256x2048xf32>
    %convert_element_type3A_1790 = arith.truncf %dot_general3A_1789 : vector<256x2048xf32> to vector<256x2048xbf16>
    %slice3A_1791 = vector.extract_strided_slice %convert_element_type3A_1790 {offsets = [0, 0], sizes = [64, 2048], strides = [1, 1]} : vector<256x2048xbf16> to vector<64x2048xbf16>
    %tanh3A_1792 = math.tanh %slice3A_1791 : vector<64x2048xbf16>
    %mul3A_1793 = arith.constant 5.000000e-01 : bf16
    %mul3A_1794 = vector.broadcast %mul3A_1793 : bf16 to vector<64x2048xbf16>
    %mul3A_1795 = arith.mulf %mul3A_1794, %tanh3A_1792 : vector<64x2048xbf16>
    %add3A_1796 = arith.constant 5.000000e-01 : bf16
    %add3A_1797 = vector.broadcast %add3A_1796 : bf16 to vector<64x2048xbf16>
    %add3A_1798 = arith.addf %add3A_1797, %mul3A_1795 : vector<64x2048xbf16>
    %slice3A_1799 = vector.extract_strided_slice %convert_element_type3A_1790 {offsets = [64, 0], sizes = [64, 2048], strides = [1, 1]} : vector<256x2048xbf16> to vector<64x2048xbf16>
    %tanh3A_1800 = math.tanh %slice3A_1799 : vector<64x2048xbf16>
    %mul3A_1801 = arith.constant 5.000000e-01 : bf16
    %mul3A_1802 = vector.broadcast %mul3A_1801 : bf16 to vector<64x2048xbf16>
    %mul3A_1803 = arith.mulf %mul3A_1802, %tanh3A_1800 : vector<64x2048xbf16>
    %add3A_1804 = arith.constant 5.000000e-01 : bf16
    %add3A_1805 = vector.broadcast %add3A_1804 : bf16 to vector<64x2048xbf16>
    %add3A_1806 = arith.addf %add3A_1805, %mul3A_1803 : vector<64x2048xbf16>
    %slice3A_1807 = vector.extract_strided_slice %convert_element_type3A_1790 {offsets = [128, 0], sizes = [64, 2048], strides = [1, 1]} : vector<256x2048xbf16> to vector<64x2048xbf16>
    %tanh3A_1808 = math.tanh %slice3A_1807 : vector<64x2048xbf16>
    %slice3A_1809 = vector.extract_strided_slice %convert_element_type3A_1790 {offsets = [192, 0], sizes = [64, 2048], strides = [1, 1]} : vector<256x2048xbf16> to vector<64x2048xbf16>
    %tanh3A_1810 = math.tanh %slice3A_1809 : vector<64x2048xbf16>
    %mul3A_1811 = arith.constant 5.000000e-01 : bf16
    %mul3A_1812 = vector.broadcast %mul3A_1811 : bf16 to vector<64x2048xbf16>
    %mul3A_1813 = arith.mulf %mul3A_1812, %tanh3A_1810 : vector<64x2048xbf16>
    %add3A_1814 = arith.constant 5.000000e-01 : bf16
    %add3A_1815 = vector.broadcast %add3A_1814 : bf16 to vector<64x2048xbf16>
    %add3A_1816 = arith.addf %add3A_1815, %mul3A_1813 : vector<64x2048xbf16>
    %mul3A_1817 = arith.mulf %add3A_1806, %add3A_1768 : vector<64x2048xbf16>
    %mul3A_1818 = arith.mulf %add3A_1798, %tanh3A_1808 : vector<64x2048xbf16>
    %add3A_1819 = arith.addf %mul3A_1817, %mul3A_1818 : vector<64x2048xbf16>
    %tanh3A_1820 = math.tanh %add3A_1819 : vector<64x2048xbf16>
    %mul3A_1821 = arith.mulf %add3A_1816, %tanh3A_1820 : vector<64x2048xbf16>
    %slice3A_1822 = vector.extract_strided_slice %get3A_34 {offsets = [35, 0], sizes = [1, 1024], strides = [1, 1]} : vector<50x1024xi32> to vector<1x1024xi32>
    %slice3A_1823 = vector.extract_strided_slice %get3A_37 {offsets = [35, 0], sizes = [1, 1024], strides = [1, 1]} : vector<50x1024xi32> to vector<1x1024xi32>
    %concatenate3A_1824 = tpu.concatenate %slice3A_1822, %slice3A_1823 in 1 : vector<1x1024xi32>, vector<1x1024xi32> -> vector<1x2048xi32>
    %broadcast_in_dim3A_1825 = vector.shape_cast %concatenate3A_1824 : vector<1x2048xi32> to vector<1x2048xi32>
    %broadcast_in_dim3A_1826 = vector.broadcast %broadcast_in_dim3A_1825 : vector<1x2048xi32> to vector<8x2048xi32>
    %lt3A_1827 = arith.constant 0 : i32
    %lt3A_1828 = vector.broadcast %lt3A_1827 : i32 to vector<8x2048xi32>
    %lt3A_1829 = arith.cmpi slt, %broadcast_in_dim3A_1826, %lt3A_1828 : vector<8x2048xi32>
    %add3A_1830 = arith.constant 128 : i32
    %add3A_1831 = vector.broadcast %add3A_1830 : i32 to vector<8x2048xi32>
    %add3A_1832 = arith.addi %broadcast_in_dim3A_1826, %add3A_1831 : vector<8x2048xi32>
    %select_n3A_1833 = arith.select %lt3A_1829, %add3A_1832, %broadcast_in_dim3A_1826 : vector<8x2048xi1>, vector<8x2048xi32>
    %reshape3A_1834 = vector.shape_cast %select_n3A_1833 : vector<8x2048xi32> to vector<8x2048x1xi32>
    %gather3A_1835 = vector.shape_cast %reshape3A_1834 : vector<8x2048x1xi32> to vector<8x2048xi32>
    %gather3A_1836 = tpu.dynamic_gather %get3A_31[%gather3A_1835] in [1] : vector<8x128xf32>, vector<8x2048xi32> -> vector<8x2048xf32>
    %convert_element_type3A_1837 = arith.truncf %gather3A_1836 : vector<8x2048xf32> to vector<8x2048xbf16>
    %concatenate3A_1838 = tpu.concatenate %convert_element_type3A_1837, %mul3A_1821 in 0 : vector<8x2048xbf16>, vector<64x2048xbf16> -> vector<72x2048xbf16>
    %dot_general3A_1839 = arith.constant dense<0.000000e+00> : vector<256x2048xf32>
    %dot_general3A_1840 = tpu.matmul %convert_element_type3A, %concatenate3A_1838, %dot_general3A_1839 {dimension_numbers = #tpu.dot_dimension_numbers<[1], [0], [0], [1], [0, 0, 1, 1], [], []>, transpose_lhs_hint = false} : vector<256x72xbf16>, vector<72x2048xbf16>, vector<256x2048xf32> -> vector<256x2048xf32>
    %convert_element_type3A_1841 = arith.truncf %dot_general3A_1840 : vector<256x2048xf32> to vector<256x2048xbf16>
    %slice3A_1842 = vector.extract_strided_slice %convert_element_type3A_1841 {offsets = [0, 0], sizes = [64, 2048], strides = [1, 1]} : vector<256x2048xbf16> to vector<64x2048xbf16>
    %tanh3A_1843 = math.tanh %slice3A_1842 : vector<64x2048xbf16>
    %mul3A_1844 = arith.constant 5.000000e-01 : bf16
    %mul3A_1845 = vector.broadcast %mul3A_1844 : bf16 to vector<64x2048xbf16>
    %mul3A_1846 = arith.mulf %mul3A_1845, %tanh3A_1843 : vector<64x2048xbf16>
    %add3A_1847 = arith.constant 5.000000e-01 : bf16
    %add3A_1848 = vector.broadcast %add3A_1847 : bf16 to vector<64x2048xbf16>
    %add3A_1849 = arith.addf %add3A_1848, %mul3A_1846 : vector<64x2048xbf16>
    %slice3A_1850 = vector.extract_strided_slice %convert_element_type3A_1841 {offsets = [64, 0], sizes = [64, 2048], strides = [1, 1]} : vector<256x2048xbf16> to vector<64x2048xbf16>
    %tanh3A_1851 = math.tanh %slice3A_1850 : vector<64x2048xbf16>
    %mul3A_1852 = arith.constant 5.000000e-01 : bf16
    %mul3A_1853 = vector.broadcast %mul3A_1852 : bf16 to vector<64x2048xbf16>
    %mul3A_1854 = arith.mulf %mul3A_1853, %tanh3A_1851 : vector<64x2048xbf16>
    %add3A_1855 = arith.constant 5.000000e-01 : bf16
    %add3A_1856 = vector.broadcast %add3A_1855 : bf16 to vector<64x2048xbf16>
    %add3A_1857 = arith.addf %add3A_1856, %mul3A_1854 : vector<64x2048xbf16>
    %slice3A_1858 = vector.extract_strided_slice %convert_element_type3A_1841 {offsets = [128, 0], sizes = [64, 2048], strides = [1, 1]} : vector<256x2048xbf16> to vector<64x2048xbf16>
    %tanh3A_1859 = math.tanh %slice3A_1858 : vector<64x2048xbf16>
    %slice3A_1860 = vector.extract_strided_slice %convert_element_type3A_1841 {offsets = [192, 0], sizes = [64, 2048], strides = [1, 1]} : vector<256x2048xbf16> to vector<64x2048xbf16>
    %tanh3A_1861 = math.tanh %slice3A_1860 : vector<64x2048xbf16>
    %mul3A_1862 = arith.constant 5.000000e-01 : bf16
    %mul3A_1863 = vector.broadcast %mul3A_1862 : bf16 to vector<64x2048xbf16>
    %mul3A_1864 = arith.mulf %mul3A_1863, %tanh3A_1861 : vector<64x2048xbf16>
    %add3A_1865 = arith.constant 5.000000e-01 : bf16
    %add3A_1866 = vector.broadcast %add3A_1865 : bf16 to vector<64x2048xbf16>
    %add3A_1867 = arith.addf %add3A_1866, %mul3A_1864 : vector<64x2048xbf16>
    %mul3A_1868 = arith.mulf %add3A_1857, %add3A_1819 : vector<64x2048xbf16>
    %mul3A_1869 = arith.mulf %add3A_1849, %tanh3A_1859 : vector<64x2048xbf16>
    %add3A_1870 = arith.addf %mul3A_1868, %mul3A_1869 : vector<64x2048xbf16>
    %tanh3A_1871 = math.tanh %add3A_1870 : vector<64x2048xbf16>
    %mul3A_1872 = arith.mulf %add3A_1867, %tanh3A_1871 : vector<64x2048xbf16>
    %slice3A_1873 = vector.extract_strided_slice %get3A_34 {offsets = [36, 0], sizes = [1, 1024], strides = [1, 1]} : vector<50x1024xi32> to vector<1x1024xi32>
    %slice3A_1874 = vector.extract_strided_slice %get3A_37 {offsets = [36, 0], sizes = [1, 1024], strides = [1, 1]} : vector<50x1024xi32> to vector<1x1024xi32>
    %concatenate3A_1875 = tpu.concatenate %slice3A_1873, %slice3A_1874 in 1 : vector<1x1024xi32>, vector<1x1024xi32> -> vector<1x2048xi32>
    %broadcast_in_dim3A_1876 = vector.shape_cast %concatenate3A_1875 : vector<1x2048xi32> to vector<1x2048xi32>
    %broadcast_in_dim3A_1877 = vector.broadcast %broadcast_in_dim3A_1876 : vector<1x2048xi32> to vector<8x2048xi32>
    %lt3A_1878 = arith.constant 0 : i32
    %lt3A_1879 = vector.broadcast %lt3A_1878 : i32 to vector<8x2048xi32>
    %lt3A_1880 = arith.cmpi slt, %broadcast_in_dim3A_1877, %lt3A_1879 : vector<8x2048xi32>
    %add3A_1881 = arith.constant 128 : i32
    %add3A_1882 = vector.broadcast %add3A_1881 : i32 to vector<8x2048xi32>
    %add3A_1883 = arith.addi %broadcast_in_dim3A_1877, %add3A_1882 : vector<8x2048xi32>
    %select_n3A_1884 = arith.select %lt3A_1880, %add3A_1883, %broadcast_in_dim3A_1877 : vector<8x2048xi1>, vector<8x2048xi32>
    %reshape3A_1885 = vector.shape_cast %select_n3A_1884 : vector<8x2048xi32> to vector<8x2048x1xi32>
    %gather3A_1886 = vector.shape_cast %reshape3A_1885 : vector<8x2048x1xi32> to vector<8x2048xi32>
    %gather3A_1887 = tpu.dynamic_gather %get3A_31[%gather3A_1886] in [1] : vector<8x128xf32>, vector<8x2048xi32> -> vector<8x2048xf32>
    %convert_element_type3A_1888 = arith.truncf %gather3A_1887 : vector<8x2048xf32> to vector<8x2048xbf16>
    %concatenate3A_1889 = tpu.concatenate %convert_element_type3A_1888, %mul3A_1872 in 0 : vector<8x2048xbf16>, vector<64x2048xbf16> -> vector<72x2048xbf16>
    %dot_general3A_1890 = arith.constant dense<0.000000e+00> : vector<256x2048xf32>
    %dot_general3A_1891 = tpu.matmul %convert_element_type3A, %concatenate3A_1889, %dot_general3A_1890 {dimension_numbers = #tpu.dot_dimension_numbers<[1], [0], [0], [1], [0, 0, 1, 1], [], []>, transpose_lhs_hint = false} : vector<256x72xbf16>, vector<72x2048xbf16>, vector<256x2048xf32> -> vector<256x2048xf32>
    %convert_element_type3A_1892 = arith.truncf %dot_general3A_1891 : vector<256x2048xf32> to vector<256x2048xbf16>
    %slice3A_1893 = vector.extract_strided_slice %convert_element_type3A_1892 {offsets = [0, 0], sizes = [64, 2048], strides = [1, 1]} : vector<256x2048xbf16> to vector<64x2048xbf16>
    %tanh3A_1894 = math.tanh %slice3A_1893 : vector<64x2048xbf16>
    %mul3A_1895 = arith.constant 5.000000e-01 : bf16
    %mul3A_1896 = vector.broadcast %mul3A_1895 : bf16 to vector<64x2048xbf16>
    %mul3A_1897 = arith.mulf %mul3A_1896, %tanh3A_1894 : vector<64x2048xbf16>
    %add3A_1898 = arith.constant 5.000000e-01 : bf16
    %add3A_1899 = vector.broadcast %add3A_1898 : bf16 to vector<64x2048xbf16>
    %add3A_1900 = arith.addf %add3A_1899, %mul3A_1897 : vector<64x2048xbf16>
    %slice3A_1901 = vector.extract_strided_slice %convert_element_type3A_1892 {offsets = [64, 0], sizes = [64, 2048], strides = [1, 1]} : vector<256x2048xbf16> to vector<64x2048xbf16>
    %tanh3A_1902 = math.tanh %slice3A_1901 : vector<64x2048xbf16>
    %mul3A_1903 = arith.constant 5.000000e-01 : bf16
    %mul3A_1904 = vector.broadcast %mul3A_1903 : bf16 to vector<64x2048xbf16>
    %mul3A_1905 = arith.mulf %mul3A_1904, %tanh3A_1902 : vector<64x2048xbf16>
    %add3A_1906 = arith.constant 5.000000e-01 : bf16
    %add3A_1907 = vector.broadcast %add3A_1906 : bf16 to vector<64x2048xbf16>
    %add3A_1908 = arith.addf %add3A_1907, %mul3A_1905 : vector<64x2048xbf16>
    %slice3A_1909 = vector.extract_strided_slice %convert_element_type3A_1892 {offsets = [128, 0], sizes = [64, 2048], strides = [1, 1]} : vector<256x2048xbf16> to vector<64x2048xbf16>
    %tanh3A_1910 = math.tanh %slice3A_1909 : vector<64x2048xbf16>
    %slice3A_1911 = vector.extract_strided_slice %convert_element_type3A_1892 {offsets = [192, 0], sizes = [64, 2048], strides = [1, 1]} : vector<256x2048xbf16> to vector<64x2048xbf16>
    %tanh3A_1912 = math.tanh %slice3A_1911 : vector<64x2048xbf16>
    %mul3A_1913 = arith.constant 5.000000e-01 : bf16
    %mul3A_1914 = vector.broadcast %mul3A_1913 : bf16 to vector<64x2048xbf16>
    %mul3A_1915 = arith.mulf %mul3A_1914, %tanh3A_1912 : vector<64x2048xbf16>
    %add3A_1916 = arith.constant 5.000000e-01 : bf16
    %add3A_1917 = vector.broadcast %add3A_1916 : bf16 to vector<64x2048xbf16>
    %add3A_1918 = arith.addf %add3A_1917, %mul3A_1915 : vector<64x2048xbf16>
    %mul3A_1919 = arith.mulf %add3A_1908, %add3A_1870 : vector<64x2048xbf16>
    %mul3A_1920 = arith.mulf %add3A_1900, %tanh3A_1910 : vector<64x2048xbf16>
    %add3A_1921 = arith.addf %mul3A_1919, %mul3A_1920 : vector<64x2048xbf16>
    %tanh3A_1922 = math.tanh %add3A_1921 : vector<64x2048xbf16>
    %mul3A_1923 = arith.mulf %add3A_1918, %tanh3A_1922 : vector<64x2048xbf16>
    %slice3A_1924 = vector.extract_strided_slice %get3A_34 {offsets = [37, 0], sizes = [1, 1024], strides = [1, 1]} : vector<50x1024xi32> to vector<1x1024xi32>
    %slice3A_1925 = vector.extract_strided_slice %get3A_37 {offsets = [37, 0], sizes = [1, 1024], strides = [1, 1]} : vector<50x1024xi32> to vector<1x1024xi32>
    %concatenate3A_1926 = tpu.concatenate %slice3A_1924, %slice3A_1925 in 1 : vector<1x1024xi32>, vector<1x1024xi32> -> vector<1x2048xi32>
    %broadcast_in_dim3A_1927 = vector.shape_cast %concatenate3A_1926 : vector<1x2048xi32> to vector<1x2048xi32>
    %broadcast_in_dim3A_1928 = vector.broadcast %broadcast_in_dim3A_1927 : vector<1x2048xi32> to vector<8x2048xi32>
    %lt3A_1929 = arith.constant 0 : i32
    %lt3A_1930 = vector.broadcast %lt3A_1929 : i32 to vector<8x2048xi32>
    %lt3A_1931 = arith.cmpi slt, %broadcast_in_dim3A_1928, %lt3A_1930 : vector<8x2048xi32>
    %add3A_1932 = arith.constant 128 : i32
    %add3A_1933 = vector.broadcast %add3A_1932 : i32 to vector<8x2048xi32>
    %add3A_1934 = arith.addi %broadcast_in_dim3A_1928, %add3A_1933 : vector<8x2048xi32>
    %select_n3A_1935 = arith.select %lt3A_1931, %add3A_1934, %broadcast_in_dim3A_1928 : vector<8x2048xi1>, vector<8x2048xi32>
    %reshape3A_1936 = vector.shape_cast %select_n3A_1935 : vector<8x2048xi32> to vector<8x2048x1xi32>
    %gather3A_1937 = vector.shape_cast %reshape3A_1936 : vector<8x2048x1xi32> to vector<8x2048xi32>
    %gather3A_1938 = tpu.dynamic_gather %get3A_31[%gather3A_1937] in [1] : vector<8x128xf32>, vector<8x2048xi32> -> vector<8x2048xf32>
    %convert_element_type3A_1939 = arith.truncf %gather3A_1938 : vector<8x2048xf32> to vector<8x2048xbf16>
    %concatenate3A_1940 = tpu.concatenate %convert_element_type3A_1939, %mul3A_1923 in 0 : vector<8x2048xbf16>, vector<64x2048xbf16> -> vector<72x2048xbf16>
    %dot_general3A_1941 = arith.constant dense<0.000000e+00> : vector<256x2048xf32>
    %dot_general3A_1942 = tpu.matmul %convert_element_type3A, %concatenate3A_1940, %dot_general3A_1941 {dimension_numbers = #tpu.dot_dimension_numbers<[1], [0], [0], [1], [0, 0, 1, 1], [], []>, transpose_lhs_hint = false} : vector<256x72xbf16>, vector<72x2048xbf16>, vector<256x2048xf32> -> vector<256x2048xf32>
    %convert_element_type3A_1943 = arith.truncf %dot_general3A_1942 : vector<256x2048xf32> to vector<256x2048xbf16>
    %slice3A_1944 = vector.extract_strided_slice %convert_element_type3A_1943 {offsets = [0, 0], sizes = [64, 2048], strides = [1, 1]} : vector<256x2048xbf16> to vector<64x2048xbf16>
    %tanh3A_1945 = math.tanh %slice3A_1944 : vector<64x2048xbf16>
    %mul3A_1946 = arith.constant 5.000000e-01 : bf16
    %mul3A_1947 = vector.broadcast %mul3A_1946 : bf16 to vector<64x2048xbf16>
    %mul3A_1948 = arith.mulf %mul3A_1947, %tanh3A_1945 : vector<64x2048xbf16>
    %add3A_1949 = arith.constant 5.000000e-01 : bf16
    %add3A_1950 = vector.broadcast %add3A_1949 : bf16 to vector<64x2048xbf16>
    %add3A_1951 = arith.addf %add3A_1950, %mul3A_1948 : vector<64x2048xbf16>
    %slice3A_1952 = vector.extract_strided_slice %convert_element_type3A_1943 {offsets = [64, 0], sizes = [64, 2048], strides = [1, 1]} : vector<256x2048xbf16> to vector<64x2048xbf16>
    %tanh3A_1953 = math.tanh %slice3A_1952 : vector<64x2048xbf16>
    %mul3A_1954 = arith.constant 5.000000e-01 : bf16
    %mul3A_1955 = vector.broadcast %mul3A_1954 : bf16 to vector<64x2048xbf16>
    %mul3A_1956 = arith.mulf %mul3A_1955, %tanh3A_1953 : vector<64x2048xbf16>
    %add3A_1957 = arith.constant 5.000000e-01 : bf16
    %add3A_1958 = vector.broadcast %add3A_1957 : bf16 to vector<64x2048xbf16>
    %add3A_1959 = arith.addf %add3A_1958, %mul3A_1956 : vector<64x2048xbf16>
    %slice3A_1960 = vector.extract_strided_slice %convert_element_type3A_1943 {offsets = [128, 0], sizes = [64, 2048], strides = [1, 1]} : vector<256x2048xbf16> to vector<64x2048xbf16>
    %tanh3A_1961 = math.tanh %slice3A_1960 : vector<64x2048xbf16>
    %slice3A_1962 = vector.extract_strided_slice %convert_element_type3A_1943 {offsets = [192, 0], sizes = [64, 2048], strides = [1, 1]} : vector<256x2048xbf16> to vector<64x2048xbf16>
    %tanh3A_1963 = math.tanh %slice3A_1962 : vector<64x2048xbf16>
    %mul3A_1964 = arith.constant 5.000000e-01 : bf16
    %mul3A_1965 = vector.broadcast %mul3A_1964 : bf16 to vector<64x2048xbf16>
    %mul3A_1966 = arith.mulf %mul3A_1965, %tanh3A_1963 : vector<64x2048xbf16>
    %add3A_1967 = arith.constant 5.000000e-01 : bf16
    %add3A_1968 = vector.broadcast %add3A_1967 : bf16 to vector<64x2048xbf16>
    %add3A_1969 = arith.addf %add3A_1968, %mul3A_1966 : vector<64x2048xbf16>
    %mul3A_1970 = arith.mulf %add3A_1959, %add3A_1921 : vector<64x2048xbf16>
    %mul3A_1971 = arith.mulf %add3A_1951, %tanh3A_1961 : vector<64x2048xbf16>
    %add3A_1972 = arith.addf %mul3A_1970, %mul3A_1971 : vector<64x2048xbf16>
    %tanh3A_1973 = math.tanh %add3A_1972 : vector<64x2048xbf16>
    %mul3A_1974 = arith.mulf %add3A_1969, %tanh3A_1973 : vector<64x2048xbf16>
    %slice3A_1975 = vector.extract_strided_slice %get3A_34 {offsets = [38, 0], sizes = [1, 1024], strides = [1, 1]} : vector<50x1024xi32> to vector<1x1024xi32>
    %slice3A_1976 = vector.extract_strided_slice %get3A_37 {offsets = [38, 0], sizes = [1, 1024], strides = [1, 1]} : vector<50x1024xi32> to vector<1x1024xi32>
    %concatenate3A_1977 = tpu.concatenate %slice3A_1975, %slice3A_1976 in 1 : vector<1x1024xi32>, vector<1x1024xi32> -> vector<1x2048xi32>
    %broadcast_in_dim3A_1978 = vector.shape_cast %concatenate3A_1977 : vector<1x2048xi32> to vector<1x2048xi32>
    %broadcast_in_dim3A_1979 = vector.broadcast %broadcast_in_dim3A_1978 : vector<1x2048xi32> to vector<8x2048xi32>
    %lt3A_1980 = arith.constant 0 : i32
    %lt3A_1981 = vector.broadcast %lt3A_1980 : i32 to vector<8x2048xi32>
    %lt3A_1982 = arith.cmpi slt, %broadcast_in_dim3A_1979, %lt3A_1981 : vector<8x2048xi32>
    %add3A_1983 = arith.constant 128 : i32
    %add3A_1984 = vector.broadcast %add3A_1983 : i32 to vector<8x2048xi32>
    %add3A_1985 = arith.addi %broadcast_in_dim3A_1979, %add3A_1984 : vector<8x2048xi32>
    %select_n3A_1986 = arith.select %lt3A_1982, %add3A_1985, %broadcast_in_dim3A_1979 : vector<8x2048xi1>, vector<8x2048xi32>
    %reshape3A_1987 = vector.shape_cast %select_n3A_1986 : vector<8x2048xi32> to vector<8x2048x1xi32>
    %gather3A_1988 = vector.shape_cast %reshape3A_1987 : vector<8x2048x1xi32> to vector<8x2048xi32>
    %gather3A_1989 = tpu.dynamic_gather %get3A_31[%gather3A_1988] in [1] : vector<8x128xf32>, vector<8x2048xi32> -> vector<8x2048xf32>
    %convert_element_type3A_1990 = arith.truncf %gather3A_1989 : vector<8x2048xf32> to vector<8x2048xbf16>
    %concatenate3A_1991 = tpu.concatenate %convert_element_type3A_1990, %mul3A_1974 in 0 : vector<8x2048xbf16>, vector<64x2048xbf16> -> vector<72x2048xbf16>
    %dot_general3A_1992 = arith.constant dense<0.000000e+00> : vector<256x2048xf32>
    %dot_general3A_1993 = tpu.matmul %convert_element_type3A, %concatenate3A_1991, %dot_general3A_1992 {dimension_numbers = #tpu.dot_dimension_numbers<[1], [0], [0], [1], [0, 0, 1, 1], [], []>, transpose_lhs_hint = false} : vector<256x72xbf16>, vector<72x2048xbf16>, vector<256x2048xf32> -> vector<256x2048xf32>
    %convert_element_type3A_1994 = arith.truncf %dot_general3A_1993 : vector<256x2048xf32> to vector<256x2048xbf16>
    %slice3A_1995 = vector.extract_strided_slice %convert_element_type3A_1994 {offsets = [0, 0], sizes = [64, 2048], strides = [1, 1]} : vector<256x2048xbf16> to vector<64x2048xbf16>
    %tanh3A_1996 = math.tanh %slice3A_1995 : vector<64x2048xbf16>
    %mul3A_1997 = arith.constant 5.000000e-01 : bf16
    %mul3A_1998 = vector.broadcast %mul3A_1997 : bf16 to vector<64x2048xbf16>
    %mul3A_1999 = arith.mulf %mul3A_1998, %tanh3A_1996 : vector<64x2048xbf16>
    %add3A_2000 = arith.constant 5.000000e-01 : bf16
    %add3A_2001 = vector.broadcast %add3A_2000 : bf16 to vector<64x2048xbf16>
    %add3A_2002 = arith.addf %add3A_2001, %mul3A_1999 : vector<64x2048xbf16>
    %slice3A_2003 = vector.extract_strided_slice %convert_element_type3A_1994 {offsets = [64, 0], sizes = [64, 2048], strides = [1, 1]} : vector<256x2048xbf16> to vector<64x2048xbf16>
    %tanh3A_2004 = math.tanh %slice3A_2003 : vector<64x2048xbf16>
    %mul3A_2005 = arith.constant 5.000000e-01 : bf16
    %mul3A_2006 = vector.broadcast %mul3A_2005 : bf16 to vector<64x2048xbf16>
    %mul3A_2007 = arith.mulf %mul3A_2006, %tanh3A_2004 : vector<64x2048xbf16>
    %add3A_2008 = arith.constant 5.000000e-01 : bf16
    %add3A_2009 = vector.broadcast %add3A_2008 : bf16 to vector<64x2048xbf16>
    %add3A_2010 = arith.addf %add3A_2009, %mul3A_2007 : vector<64x2048xbf16>
    %slice3A_2011 = vector.extract_strided_slice %convert_element_type3A_1994 {offsets = [128, 0], sizes = [64, 2048], strides = [1, 1]} : vector<256x2048xbf16> to vector<64x2048xbf16>
    %tanh3A_2012 = math.tanh %slice3A_2011 : vector<64x2048xbf16>
    %slice3A_2013 = vector.extract_strided_slice %convert_element_type3A_1994 {offsets = [192, 0], sizes = [64, 2048], strides = [1, 1]} : vector<256x2048xbf16> to vector<64x2048xbf16>
    %tanh3A_2014 = math.tanh %slice3A_2013 : vector<64x2048xbf16>
    %mul3A_2015 = arith.constant 5.000000e-01 : bf16
    %mul3A_2016 = vector.broadcast %mul3A_2015 : bf16 to vector<64x2048xbf16>
    %mul3A_2017 = arith.mulf %mul3A_2016, %tanh3A_2014 : vector<64x2048xbf16>
    %add3A_2018 = arith.constant 5.000000e-01 : bf16
    %add3A_2019 = vector.broadcast %add3A_2018 : bf16 to vector<64x2048xbf16>
    %add3A_2020 = arith.addf %add3A_2019, %mul3A_2017 : vector<64x2048xbf16>
    %mul3A_2021 = arith.mulf %add3A_2010, %add3A_1972 : vector<64x2048xbf16>
    %mul3A_2022 = arith.mulf %add3A_2002, %tanh3A_2012 : vector<64x2048xbf16>
    %add3A_2023 = arith.addf %mul3A_2021, %mul3A_2022 : vector<64x2048xbf16>
    %tanh3A_2024 = math.tanh %add3A_2023 : vector<64x2048xbf16>
    %mul3A_2025 = arith.mulf %add3A_2020, %tanh3A_2024 : vector<64x2048xbf16>
    %slice3A_2026 = vector.extract_strided_slice %get3A_34 {offsets = [39, 0], sizes = [1, 1024], strides = [1, 1]} : vector<50x1024xi32> to vector<1x1024xi32>
    %slice3A_2027 = vector.extract_strided_slice %get3A_37 {offsets = [39, 0], sizes = [1, 1024], strides = [1, 1]} : vector<50x1024xi32> to vector<1x1024xi32>
    %concatenate3A_2028 = tpu.concatenate %slice3A_2026, %slice3A_2027 in 1 : vector<1x1024xi32>, vector<1x1024xi32> -> vector<1x2048xi32>
    %broadcast_in_dim3A_2029 = vector.shape_cast %concatenate3A_2028 : vector<1x2048xi32> to vector<1x2048xi32>
    %broadcast_in_dim3A_2030 = vector.broadcast %broadcast_in_dim3A_2029 : vector<1x2048xi32> to vector<8x2048xi32>
    %lt3A_2031 = arith.constant 0 : i32
    %lt3A_2032 = vector.broadcast %lt3A_2031 : i32 to vector<8x2048xi32>
    %lt3A_2033 = arith.cmpi slt, %broadcast_in_dim3A_2030, %lt3A_2032 : vector<8x2048xi32>
    %add3A_2034 = arith.constant 128 : i32
    %add3A_2035 = vector.broadcast %add3A_2034 : i32 to vector<8x2048xi32>
    %add3A_2036 = arith.addi %broadcast_in_dim3A_2030, %add3A_2035 : vector<8x2048xi32>
    %select_n3A_2037 = arith.select %lt3A_2033, %add3A_2036, %broadcast_in_dim3A_2030 : vector<8x2048xi1>, vector<8x2048xi32>
    %reshape3A_2038 = vector.shape_cast %select_n3A_2037 : vector<8x2048xi32> to vector<8x2048x1xi32>
    %gather3A_2039 = vector.shape_cast %reshape3A_2038 : vector<8x2048x1xi32> to vector<8x2048xi32>
    %gather3A_2040 = tpu.dynamic_gather %get3A_31[%gather3A_2039] in [1] : vector<8x128xf32>, vector<8x2048xi32> -> vector<8x2048xf32>
    %convert_element_type3A_2041 = arith.truncf %gather3A_2040 : vector<8x2048xf32> to vector<8x2048xbf16>
    %concatenate3A_2042 = tpu.concatenate %convert_element_type3A_2041, %mul3A_2025 in 0 : vector<8x2048xbf16>, vector<64x2048xbf16> -> vector<72x2048xbf16>
    %dot_general3A_2043 = arith.constant dense<0.000000e+00> : vector<256x2048xf32>
    %dot_general3A_2044 = tpu.matmul %convert_element_type3A, %concatenate3A_2042, %dot_general3A_2043 {dimension_numbers = #tpu.dot_dimension_numbers<[1], [0], [0], [1], [0, 0, 1, 1], [], []>, transpose_lhs_hint = false} : vector<256x72xbf16>, vector<72x2048xbf16>, vector<256x2048xf32> -> vector<256x2048xf32>
    %convert_element_type3A_2045 = arith.truncf %dot_general3A_2044 : vector<256x2048xf32> to vector<256x2048xbf16>
    %slice3A_2046 = vector.extract_strided_slice %convert_element_type3A_2045 {offsets = [0, 0], sizes = [64, 2048], strides = [1, 1]} : vector<256x2048xbf16> to vector<64x2048xbf16>
    %tanh3A_2047 = math.tanh %slice3A_2046 : vector<64x2048xbf16>
    %mul3A_2048 = arith.constant 5.000000e-01 : bf16
    %mul3A_2049 = vector.broadcast %mul3A_2048 : bf16 to vector<64x2048xbf16>
    %mul3A_2050 = arith.mulf %mul3A_2049, %tanh3A_2047 : vector<64x2048xbf16>
    %add3A_2051 = arith.constant 5.000000e-01 : bf16
    %add3A_2052 = vector.broadcast %add3A_2051 : bf16 to vector<64x2048xbf16>
    %add3A_2053 = arith.addf %add3A_2052, %mul3A_2050 : vector<64x2048xbf16>
    %slice3A_2054 = vector.extract_strided_slice %convert_element_type3A_2045 {offsets = [64, 0], sizes = [64, 2048], strides = [1, 1]} : vector<256x2048xbf16> to vector<64x2048xbf16>
    %tanh3A_2055 = math.tanh %slice3A_2054 : vector<64x2048xbf16>
    %mul3A_2056 = arith.constant 5.000000e-01 : bf16
    %mul3A_2057 = vector.broadcast %mul3A_2056 : bf16 to vector<64x2048xbf16>
    %mul3A_2058 = arith.mulf %mul3A_2057, %tanh3A_2055 : vector<64x2048xbf16>
    %add3A_2059 = arith.constant 5.000000e-01 : bf16
    %add3A_2060 = vector.broadcast %add3A_2059 : bf16 to vector<64x2048xbf16>
    %add3A_2061 = arith.addf %add3A_2060, %mul3A_2058 : vector<64x2048xbf16>
    %slice3A_2062 = vector.extract_strided_slice %convert_element_type3A_2045 {offsets = [128, 0], sizes = [64, 2048], strides = [1, 1]} : vector<256x2048xbf16> to vector<64x2048xbf16>
    %tanh3A_2063 = math.tanh %slice3A_2062 : vector<64x2048xbf16>
    %slice3A_2064 = vector.extract_strided_slice %convert_element_type3A_2045 {offsets = [192, 0], sizes = [64, 2048], strides = [1, 1]} : vector<256x2048xbf16> to vector<64x2048xbf16>
    %tanh3A_2065 = math.tanh %slice3A_2064 : vector<64x2048xbf16>
    %mul3A_2066 = arith.constant 5.000000e-01 : bf16
    %mul3A_2067 = vector.broadcast %mul3A_2066 : bf16 to vector<64x2048xbf16>
    %mul3A_2068 = arith.mulf %mul3A_2067, %tanh3A_2065 : vector<64x2048xbf16>
    %add3A_2069 = arith.constant 5.000000e-01 : bf16
    %add3A_2070 = vector.broadcast %add3A_2069 : bf16 to vector<64x2048xbf16>
    %add3A_2071 = arith.addf %add3A_2070, %mul3A_2068 : vector<64x2048xbf16>
    %mul3A_2072 = arith.mulf %add3A_2061, %add3A_2023 : vector<64x2048xbf16>
    %mul3A_2073 = arith.mulf %add3A_2053, %tanh3A_2063 : vector<64x2048xbf16>
    %add3A_2074 = arith.addf %mul3A_2072, %mul3A_2073 : vector<64x2048xbf16>
    %tanh3A_2075 = math.tanh %add3A_2074 : vector<64x2048xbf16>
    %mul3A_2076 = arith.mulf %add3A_2071, %tanh3A_2075 : vector<64x2048xbf16>
    %slice3A_2077 = vector.extract_strided_slice %get3A_34 {offsets = [40, 0], sizes = [1, 1024], strides = [1, 1]} : vector<50x1024xi32> to vector<1x1024xi32>
    %slice3A_2078 = vector.extract_strided_slice %get3A_37 {offsets = [40, 0], sizes = [1, 1024], strides = [1, 1]} : vector<50x1024xi32> to vector<1x1024xi32>
    %concatenate3A_2079 = tpu.concatenate %slice3A_2077, %slice3A_2078 in 1 : vector<1x1024xi32>, vector<1x1024xi32> -> vector<1x2048xi32>
    %broadcast_in_dim3A_2080 = vector.shape_cast %concatenate3A_2079 : vector<1x2048xi32> to vector<1x2048xi32>
    %broadcast_in_dim3A_2081 = vector.broadcast %broadcast_in_dim3A_2080 : vector<1x2048xi32> to vector<8x2048xi32>
    %lt3A_2082 = arith.constant 0 : i32
    %lt3A_2083 = vector.broadcast %lt3A_2082 : i32 to vector<8x2048xi32>
    %lt3A_2084 = arith.cmpi slt, %broadcast_in_dim3A_2081, %lt3A_2083 : vector<8x2048xi32>
    %add3A_2085 = arith.constant 128 : i32
    %add3A_2086 = vector.broadcast %add3A_2085 : i32 to vector<8x2048xi32>
    %add3A_2087 = arith.addi %broadcast_in_dim3A_2081, %add3A_2086 : vector<8x2048xi32>
    %select_n3A_2088 = arith.select %lt3A_2084, %add3A_2087, %broadcast_in_dim3A_2081 : vector<8x2048xi1>, vector<8x2048xi32>
    %reshape3A_2089 = vector.shape_cast %select_n3A_2088 : vector<8x2048xi32> to vector<8x2048x1xi32>
    %gather3A_2090 = vector.shape_cast %reshape3A_2089 : vector<8x2048x1xi32> to vector<8x2048xi32>
    %gather3A_2091 = tpu.dynamic_gather %get3A_31[%gather3A_2090] in [1] : vector<8x128xf32>, vector<8x2048xi32> -> vector<8x2048xf32>
    %convert_element_type3A_2092 = arith.truncf %gather3A_2091 : vector<8x2048xf32> to vector<8x2048xbf16>
    %concatenate3A_2093 = tpu.concatenate %convert_element_type3A_2092, %mul3A_2076 in 0 : vector<8x2048xbf16>, vector<64x2048xbf16> -> vector<72x2048xbf16>
    %dot_general3A_2094 = arith.constant dense<0.000000e+00> : vector<256x2048xf32>
    %dot_general3A_2095 = tpu.matmul %convert_element_type3A, %concatenate3A_2093, %dot_general3A_2094 {dimension_numbers = #tpu.dot_dimension_numbers<[1], [0], [0], [1], [0, 0, 1, 1], [], []>, transpose_lhs_hint = false} : vector<256x72xbf16>, vector<72x2048xbf16>, vector<256x2048xf32> -> vector<256x2048xf32>
    %convert_element_type3A_2096 = arith.truncf %dot_general3A_2095 : vector<256x2048xf32> to vector<256x2048xbf16>
    %slice3A_2097 = vector.extract_strided_slice %convert_element_type3A_2096 {offsets = [0, 0], sizes = [64, 2048], strides = [1, 1]} : vector<256x2048xbf16> to vector<64x2048xbf16>
    %tanh3A_2098 = math.tanh %slice3A_2097 : vector<64x2048xbf16>
    %mul3A_2099 = arith.constant 5.000000e-01 : bf16
    %mul3A_2100 = vector.broadcast %mul3A_2099 : bf16 to vector<64x2048xbf16>
    %mul3A_2101 = arith.mulf %mul3A_2100, %tanh3A_2098 : vector<64x2048xbf16>
    %add3A_2102 = arith.constant 5.000000e-01 : bf16
    %add3A_2103 = vector.broadcast %add3A_2102 : bf16 to vector<64x2048xbf16>
    %add3A_2104 = arith.addf %add3A_2103, %mul3A_2101 : vector<64x2048xbf16>
    %slice3A_2105 = vector.extract_strided_slice %convert_element_type3A_2096 {offsets = [64, 0], sizes = [64, 2048], strides = [1, 1]} : vector<256x2048xbf16> to vector<64x2048xbf16>
    %tanh3A_2106 = math.tanh %slice3A_2105 : vector<64x2048xbf16>
    %mul3A_2107 = arith.constant 5.000000e-01 : bf16
    %mul3A_2108 = vector.broadcast %mul3A_2107 : bf16 to vector<64x2048xbf16>
    %mul3A_2109 = arith.mulf %mul3A_2108, %tanh3A_2106 : vector<64x2048xbf16>
    %add3A_2110 = arith.constant 5.000000e-01 : bf16
    %add3A_2111 = vector.broadcast %add3A_2110 : bf16 to vector<64x2048xbf16>
    %add3A_2112 = arith.addf %add3A_2111, %mul3A_2109 : vector<64x2048xbf16>
    %slice3A_2113 = vector.extract_strided_slice %convert_element_type3A_2096 {offsets = [128, 0], sizes = [64, 2048], strides = [1, 1]} : vector<256x2048xbf16> to vector<64x2048xbf16>
    %tanh3A_2114 = math.tanh %slice3A_2113 : vector<64x2048xbf16>
    %slice3A_2115 = vector.extract_strided_slice %convert_element_type3A_2096 {offsets = [192, 0], sizes = [64, 2048], strides = [1, 1]} : vector<256x2048xbf16> to vector<64x2048xbf16>
    %tanh3A_2116 = math.tanh %slice3A_2115 : vector<64x2048xbf16>
    %mul3A_2117 = arith.constant 5.000000e-01 : bf16
    %mul3A_2118 = vector.broadcast %mul3A_2117 : bf16 to vector<64x2048xbf16>
    %mul3A_2119 = arith.mulf %mul3A_2118, %tanh3A_2116 : vector<64x2048xbf16>
    %add3A_2120 = arith.constant 5.000000e-01 : bf16
    %add3A_2121 = vector.broadcast %add3A_2120 : bf16 to vector<64x2048xbf16>
    %add3A_2122 = arith.addf %add3A_2121, %mul3A_2119 : vector<64x2048xbf16>
    %mul3A_2123 = arith.mulf %add3A_2112, %add3A_2074 : vector<64x2048xbf16>
    %mul3A_2124 = arith.mulf %add3A_2104, %tanh3A_2114 : vector<64x2048xbf16>
    %add3A_2125 = arith.addf %mul3A_2123, %mul3A_2124 : vector<64x2048xbf16>
    %tanh3A_2126 = math.tanh %add3A_2125 : vector<64x2048xbf16>
    %mul3A_2127 = arith.mulf %add3A_2122, %tanh3A_2126 : vector<64x2048xbf16>
    %slice3A_2128 = vector.extract_strided_slice %get3A_34 {offsets = [41, 0], sizes = [1, 1024], strides = [1, 1]} : vector<50x1024xi32> to vector<1x1024xi32>
    %slice3A_2129 = vector.extract_strided_slice %get3A_37 {offsets = [41, 0], sizes = [1, 1024], strides = [1, 1]} : vector<50x1024xi32> to vector<1x1024xi32>
    %concatenate3A_2130 = tpu.concatenate %slice3A_2128, %slice3A_2129 in 1 : vector<1x1024xi32>, vector<1x1024xi32> -> vector<1x2048xi32>
    %broadcast_in_dim3A_2131 = vector.shape_cast %concatenate3A_2130 : vector<1x2048xi32> to vector<1x2048xi32>
    %broadcast_in_dim3A_2132 = vector.broadcast %broadcast_in_dim3A_2131 : vector<1x2048xi32> to vector<8x2048xi32>
    %lt3A_2133 = arith.constant 0 : i32
    %lt3A_2134 = vector.broadcast %lt3A_2133 : i32 to vector<8x2048xi32>
    %lt3A_2135 = arith.cmpi slt, %broadcast_in_dim3A_2132, %lt3A_2134 : vector<8x2048xi32>
    %add3A_2136 = arith.constant 128 : i32
    %add3A_2137 = vector.broadcast %add3A_2136 : i32 to vector<8x2048xi32>
    %add3A_2138 = arith.addi %broadcast_in_dim3A_2132, %add3A_2137 : vector<8x2048xi32>
    %select_n3A_2139 = arith.select %lt3A_2135, %add3A_2138, %broadcast_in_dim3A_2132 : vector<8x2048xi1>, vector<8x2048xi32>
    %reshape3A_2140 = vector.shape_cast %select_n3A_2139 : vector<8x2048xi32> to vector<8x2048x1xi32>
    %gather3A_2141 = vector.shape_cast %reshape3A_2140 : vector<8x2048x1xi32> to vector<8x2048xi32>
    %gather3A_2142 = tpu.dynamic_gather %get3A_31[%gather3A_2141] in [1] : vector<8x128xf32>, vector<8x2048xi32> -> vector<8x2048xf32>
    %convert_element_type3A_2143 = arith.truncf %gather3A_2142 : vector<8x2048xf32> to vector<8x2048xbf16>
    %concatenate3A_2144 = tpu.concatenate %convert_element_type3A_2143, %mul3A_2127 in 0 : vector<8x2048xbf16>, vector<64x2048xbf16> -> vector<72x2048xbf16>
    %dot_general3A_2145 = arith.constant dense<0.000000e+00> : vector<256x2048xf32>
    %dot_general3A_2146 = tpu.matmul %convert_element_type3A, %concatenate3A_2144, %dot_general3A_2145 {dimension_numbers = #tpu.dot_dimension_numbers<[1], [0], [0], [1], [0, 0, 1, 1], [], []>, transpose_lhs_hint = false} : vector<256x72xbf16>, vector<72x2048xbf16>, vector<256x2048xf32> -> vector<256x2048xf32>
    %convert_element_type3A_2147 = arith.truncf %dot_general3A_2146 : vector<256x2048xf32> to vector<256x2048xbf16>
    %slice3A_2148 = vector.extract_strided_slice %convert_element_type3A_2147 {offsets = [0, 0], sizes = [64, 2048], strides = [1, 1]} : vector<256x2048xbf16> to vector<64x2048xbf16>
    %tanh3A_2149 = math.tanh %slice3A_2148 : vector<64x2048xbf16>
    %mul3A_2150 = arith.constant 5.000000e-01 : bf16
    %mul3A_2151 = vector.broadcast %mul3A_2150 : bf16 to vector<64x2048xbf16>
    %mul3A_2152 = arith.mulf %mul3A_2151, %tanh3A_2149 : vector<64x2048xbf16>
    %add3A_2153 = arith.constant 5.000000e-01 : bf16
    %add3A_2154 = vector.broadcast %add3A_2153 : bf16 to vector<64x2048xbf16>
    %add3A_2155 = arith.addf %add3A_2154, %mul3A_2152 : vector<64x2048xbf16>
    %slice3A_2156 = vector.extract_strided_slice %convert_element_type3A_2147 {offsets = [64, 0], sizes = [64, 2048], strides = [1, 1]} : vector<256x2048xbf16> to vector<64x2048xbf16>
    %tanh3A_2157 = math.tanh %slice3A_2156 : vector<64x2048xbf16>
    %mul3A_2158 = arith.constant 5.000000e-01 : bf16
    %mul3A_2159 = vector.broadcast %mul3A_2158 : bf16 to vector<64x2048xbf16>
    %mul3A_2160 = arith.mulf %mul3A_2159, %tanh3A_2157 : vector<64x2048xbf16>
    %add3A_2161 = arith.constant 5.000000e-01 : bf16
    %add3A_2162 = vector.broadcast %add3A_2161 : bf16 to vector<64x2048xbf16>
    %add3A_2163 = arith.addf %add3A_2162, %mul3A_2160 : vector<64x2048xbf16>
    %slice3A_2164 = vector.extract_strided_slice %convert_element_type3A_2147 {offsets = [128, 0], sizes = [64, 2048], strides = [1, 1]} : vector<256x2048xbf16> to vector<64x2048xbf16>
    %tanh3A_2165 = math.tanh %slice3A_2164 : vector<64x2048xbf16>
    %slice3A_2166 = vector.extract_strided_slice %convert_element_type3A_2147 {offsets = [192, 0], sizes = [64, 2048], strides = [1, 1]} : vector<256x2048xbf16> to vector<64x2048xbf16>
    %tanh3A_2167 = math.tanh %slice3A_2166 : vector<64x2048xbf16>
    %mul3A_2168 = arith.constant 5.000000e-01 : bf16
    %mul3A_2169 = vector.broadcast %mul3A_2168 : bf16 to vector<64x2048xbf16>
    %mul3A_2170 = arith.mulf %mul3A_2169, %tanh3A_2167 : vector<64x2048xbf16>
    %add3A_2171 = arith.constant 5.000000e-01 : bf16
    %add3A_2172 = vector.broadcast %add3A_2171 : bf16 to vector<64x2048xbf16>
    %add3A_2173 = arith.addf %add3A_2172, %mul3A_2170 : vector<64x2048xbf16>
    %mul3A_2174 = arith.mulf %add3A_2163, %add3A_2125 : vector<64x2048xbf16>
    %mul3A_2175 = arith.mulf %add3A_2155, %tanh3A_2165 : vector<64x2048xbf16>
    %add3A_2176 = arith.addf %mul3A_2174, %mul3A_2175 : vector<64x2048xbf16>
    %tanh3A_2177 = math.tanh %add3A_2176 : vector<64x2048xbf16>
    %mul3A_2178 = arith.mulf %add3A_2173, %tanh3A_2177 : vector<64x2048xbf16>
    %slice3A_2179 = vector.extract_strided_slice %get3A_34 {offsets = [42, 0], sizes = [1, 1024], strides = [1, 1]} : vector<50x1024xi32> to vector<1x1024xi32>
    %slice3A_2180 = vector.extract_strided_slice %get3A_37 {offsets = [42, 0], sizes = [1, 1024], strides = [1, 1]} : vector<50x1024xi32> to vector<1x1024xi32>
    %concatenate3A_2181 = tpu.concatenate %slice3A_2179, %slice3A_2180 in 1 : vector<1x1024xi32>, vector<1x1024xi32> -> vector<1x2048xi32>
    %broadcast_in_dim3A_2182 = vector.shape_cast %concatenate3A_2181 : vector<1x2048xi32> to vector<1x2048xi32>
    %broadcast_in_dim3A_2183 = vector.broadcast %broadcast_in_dim3A_2182 : vector<1x2048xi32> to vector<8x2048xi32>
    %lt3A_2184 = arith.constant 0 : i32
    %lt3A_2185 = vector.broadcast %lt3A_2184 : i32 to vector<8x2048xi32>
    %lt3A_2186 = arith.cmpi slt, %broadcast_in_dim3A_2183, %lt3A_2185 : vector<8x2048xi32>
    %add3A_2187 = arith.constant 128 : i32
    %add3A_2188 = vector.broadcast %add3A_2187 : i32 to vector<8x2048xi32>
    %add3A_2189 = arith.addi %broadcast_in_dim3A_2183, %add3A_2188 : vector<8x2048xi32>
    %select_n3A_2190 = arith.select %lt3A_2186, %add3A_2189, %broadcast_in_dim3A_2183 : vector<8x2048xi1>, vector<8x2048xi32>
    %reshape3A_2191 = vector.shape_cast %select_n3A_2190 : vector<8x2048xi32> to vector<8x2048x1xi32>
    %gather3A_2192 = vector.shape_cast %reshape3A_2191 : vector<8x2048x1xi32> to vector<8x2048xi32>
    %gather3A_2193 = tpu.dynamic_gather %get3A_31[%gather3A_2192] in [1] : vector<8x128xf32>, vector<8x2048xi32> -> vector<8x2048xf32>
    %convert_element_type3A_2194 = arith.truncf %gather3A_2193 : vector<8x2048xf32> to vector<8x2048xbf16>
    %concatenate3A_2195 = tpu.concatenate %convert_element_type3A_2194, %mul3A_2178 in 0 : vector<8x2048xbf16>, vector<64x2048xbf16> -> vector<72x2048xbf16>
    %dot_general3A_2196 = arith.constant dense<0.000000e+00> : vector<256x2048xf32>
    %dot_general3A_2197 = tpu.matmul %convert_element_type3A, %concatenate3A_2195, %dot_general3A_2196 {dimension_numbers = #tpu.dot_dimension_numbers<[1], [0], [0], [1], [0, 0, 1, 1], [], []>, transpose_lhs_hint = false} : vector<256x72xbf16>, vector<72x2048xbf16>, vector<256x2048xf32> -> vector<256x2048xf32>
    %convert_element_type3A_2198 = arith.truncf %dot_general3A_2197 : vector<256x2048xf32> to vector<256x2048xbf16>
    %slice3A_2199 = vector.extract_strided_slice %convert_element_type3A_2198 {offsets = [0, 0], sizes = [64, 2048], strides = [1, 1]} : vector<256x2048xbf16> to vector<64x2048xbf16>
    %tanh3A_2200 = math.tanh %slice3A_2199 : vector<64x2048xbf16>
    %mul3A_2201 = arith.constant 5.000000e-01 : bf16
    %mul3A_2202 = vector.broadcast %mul3A_2201 : bf16 to vector<64x2048xbf16>
    %mul3A_2203 = arith.mulf %mul3A_2202, %tanh3A_2200 : vector<64x2048xbf16>
    %add3A_2204 = arith.constant 5.000000e-01 : bf16
    %add3A_2205 = vector.broadcast %add3A_2204 : bf16 to vector<64x2048xbf16>
    %add3A_2206 = arith.addf %add3A_2205, %mul3A_2203 : vector<64x2048xbf16>
    %slice3A_2207 = vector.extract_strided_slice %convert_element_type3A_2198 {offsets = [64, 0], sizes = [64, 2048], strides = [1, 1]} : vector<256x2048xbf16> to vector<64x2048xbf16>
    %tanh3A_2208 = math.tanh %slice3A_2207 : vector<64x2048xbf16>
    %mul3A_2209 = arith.constant 5.000000e-01 : bf16
    %mul3A_2210 = vector.broadcast %mul3A_2209 : bf16 to vector<64x2048xbf16>
    %mul3A_2211 = arith.mulf %mul3A_2210, %tanh3A_2208 : vector<64x2048xbf16>
    %add3A_2212 = arith.constant 5.000000e-01 : bf16
    %add3A_2213 = vector.broadcast %add3A_2212 : bf16 to vector<64x2048xbf16>
    %add3A_2214 = arith.addf %add3A_2213, %mul3A_2211 : vector<64x2048xbf16>
    %slice3A_2215 = vector.extract_strided_slice %convert_element_type3A_2198 {offsets = [128, 0], sizes = [64, 2048], strides = [1, 1]} : vector<256x2048xbf16> to vector<64x2048xbf16>
    %tanh3A_2216 = math.tanh %slice3A_2215 : vector<64x2048xbf16>
    %slice3A_2217 = vector.extract_strided_slice %convert_element_type3A_2198 {offsets = [192, 0], sizes = [64, 2048], strides = [1, 1]} : vector<256x2048xbf16> to vector<64x2048xbf16>
    %tanh3A_2218 = math.tanh %slice3A_2217 : vector<64x2048xbf16>
    %mul3A_2219 = arith.constant 5.000000e-01 : bf16
    %mul3A_2220 = vector.broadcast %mul3A_2219 : bf16 to vector<64x2048xbf16>
    %mul3A_2221 = arith.mulf %mul3A_2220, %tanh3A_2218 : vector<64x2048xbf16>
    %add3A_2222 = arith.constant 5.000000e-01 : bf16
    %add3A_2223 = vector.broadcast %add3A_2222 : bf16 to vector<64x2048xbf16>
    %add3A_2224 = arith.addf %add3A_2223, %mul3A_2221 : vector<64x2048xbf16>
    %mul3A_2225 = arith.mulf %add3A_2214, %add3A_2176 : vector<64x2048xbf16>
    %mul3A_2226 = arith.mulf %add3A_2206, %tanh3A_2216 : vector<64x2048xbf16>
    %add3A_2227 = arith.addf %mul3A_2225, %mul3A_2226 : vector<64x2048xbf16>
    %tanh3A_2228 = math.tanh %add3A_2227 : vector<64x2048xbf16>
    %mul3A_2229 = arith.mulf %add3A_2224, %tanh3A_2228 : vector<64x2048xbf16>
    %slice3A_2230 = vector.extract_strided_slice %get3A_34 {offsets = [43, 0], sizes = [1, 1024], strides = [1, 1]} : vector<50x1024xi32> to vector<1x1024xi32>
    %slice3A_2231 = vector.extract_strided_slice %get3A_37 {offsets = [43, 0], sizes = [1, 1024], strides = [1, 1]} : vector<50x1024xi32> to vector<1x1024xi32>
    %concatenate3A_2232 = tpu.concatenate %slice3A_2230, %slice3A_2231 in 1 : vector<1x1024xi32>, vector<1x1024xi32> -> vector<1x2048xi32>
    %broadcast_in_dim3A_2233 = vector.shape_cast %concatenate3A_2232 : vector<1x2048xi32> to vector<1x2048xi32>
    %broadcast_in_dim3A_2234 = vector.broadcast %broadcast_in_dim3A_2233 : vector<1x2048xi32> to vector<8x2048xi32>
    %lt3A_2235 = arith.constant 0 : i32
    %lt3A_2236 = vector.broadcast %lt3A_2235 : i32 to vector<8x2048xi32>
    %lt3A_2237 = arith.cmpi slt, %broadcast_in_dim3A_2234, %lt3A_2236 : vector<8x2048xi32>
    %add3A_2238 = arith.constant 128 : i32
    %add3A_2239 = vector.broadcast %add3A_2238 : i32 to vector<8x2048xi32>
    %add3A_2240 = arith.addi %broadcast_in_dim3A_2234, %add3A_2239 : vector<8x2048xi32>
    %select_n3A_2241 = arith.select %lt3A_2237, %add3A_2240, %broadcast_in_dim3A_2234 : vector<8x2048xi1>, vector<8x2048xi32>
    %reshape3A_2242 = vector.shape_cast %select_n3A_2241 : vector<8x2048xi32> to vector<8x2048x1xi32>
    %gather3A_2243 = vector.shape_cast %reshape3A_2242 : vector<8x2048x1xi32> to vector<8x2048xi32>
    %gather3A_2244 = tpu.dynamic_gather %get3A_31[%gather3A_2243] in [1] : vector<8x128xf32>, vector<8x2048xi32> -> vector<8x2048xf32>
    %convert_element_type3A_2245 = arith.truncf %gather3A_2244 : vector<8x2048xf32> to vector<8x2048xbf16>
    %concatenate3A_2246 = tpu.concatenate %convert_element_type3A_2245, %mul3A_2229 in 0 : vector<8x2048xbf16>, vector<64x2048xbf16> -> vector<72x2048xbf16>
    %dot_general3A_2247 = arith.constant dense<0.000000e+00> : vector<256x2048xf32>
    %dot_general3A_2248 = tpu.matmul %convert_element_type3A, %concatenate3A_2246, %dot_general3A_2247 {dimension_numbers = #tpu.dot_dimension_numbers<[1], [0], [0], [1], [0, 0, 1, 1], [], []>, transpose_lhs_hint = false} : vector<256x72xbf16>, vector<72x2048xbf16>, vector<256x2048xf32> -> vector<256x2048xf32>
    %convert_element_type3A_2249 = arith.truncf %dot_general3A_2248 : vector<256x2048xf32> to vector<256x2048xbf16>
    %slice3A_2250 = vector.extract_strided_slice %convert_element_type3A_2249 {offsets = [0, 0], sizes = [64, 2048], strides = [1, 1]} : vector<256x2048xbf16> to vector<64x2048xbf16>
    %tanh3A_2251 = math.tanh %slice3A_2250 : vector<64x2048xbf16>
    %mul3A_2252 = arith.constant 5.000000e-01 : bf16
    %mul3A_2253 = vector.broadcast %mul3A_2252 : bf16 to vector<64x2048xbf16>
    %mul3A_2254 = arith.mulf %mul3A_2253, %tanh3A_2251 : vector<64x2048xbf16>
    %add3A_2255 = arith.constant 5.000000e-01 : bf16
    %add3A_2256 = vector.broadcast %add3A_2255 : bf16 to vector<64x2048xbf16>
    %add3A_2257 = arith.addf %add3A_2256, %mul3A_2254 : vector<64x2048xbf16>
    %slice3A_2258 = vector.extract_strided_slice %convert_element_type3A_2249 {offsets = [64, 0], sizes = [64, 2048], strides = [1, 1]} : vector<256x2048xbf16> to vector<64x2048xbf16>
    %tanh3A_2259 = math.tanh %slice3A_2258 : vector<64x2048xbf16>
    %mul3A_2260 = arith.constant 5.000000e-01 : bf16
    %mul3A_2261 = vector.broadcast %mul3A_2260 : bf16 to vector<64x2048xbf16>
    %mul3A_2262 = arith.mulf %mul3A_2261, %tanh3A_2259 : vector<64x2048xbf16>
    %add3A_2263 = arith.constant 5.000000e-01 : bf16
    %add3A_2264 = vector.broadcast %add3A_2263 : bf16 to vector<64x2048xbf16>
    %add3A_2265 = arith.addf %add3A_2264, %mul3A_2262 : vector<64x2048xbf16>
    %slice3A_2266 = vector.extract_strided_slice %convert_element_type3A_2249 {offsets = [128, 0], sizes = [64, 2048], strides = [1, 1]} : vector<256x2048xbf16> to vector<64x2048xbf16>
    %tanh3A_2267 = math.tanh %slice3A_2266 : vector<64x2048xbf16>
    %slice3A_2268 = vector.extract_strided_slice %convert_element_type3A_2249 {offsets = [192, 0], sizes = [64, 2048], strides = [1, 1]} : vector<256x2048xbf16> to vector<64x2048xbf16>
    %tanh3A_2269 = math.tanh %slice3A_2268 : vector<64x2048xbf16>
    %mul3A_2270 = arith.constant 5.000000e-01 : bf16
    %mul3A_2271 = vector.broadcast %mul3A_2270 : bf16 to vector<64x2048xbf16>
    %mul3A_2272 = arith.mulf %mul3A_2271, %tanh3A_2269 : vector<64x2048xbf16>
    %add3A_2273 = arith.constant 5.000000e-01 : bf16
    %add3A_2274 = vector.broadcast %add3A_2273 : bf16 to vector<64x2048xbf16>
    %add3A_2275 = arith.addf %add3A_2274, %mul3A_2272 : vector<64x2048xbf16>
    %mul3A_2276 = arith.mulf %add3A_2265, %add3A_2227 : vector<64x2048xbf16>
    %mul3A_2277 = arith.mulf %add3A_2257, %tanh3A_2267 : vector<64x2048xbf16>
    %add3A_2278 = arith.addf %mul3A_2276, %mul3A_2277 : vector<64x2048xbf16>
    %tanh3A_2279 = math.tanh %add3A_2278 : vector<64x2048xbf16>
    %mul3A_2280 = arith.mulf %add3A_2275, %tanh3A_2279 : vector<64x2048xbf16>
    %slice3A_2281 = vector.extract_strided_slice %get3A_34 {offsets = [44, 0], sizes = [1, 1024], strides = [1, 1]} : vector<50x1024xi32> to vector<1x1024xi32>
    %slice3A_2282 = vector.extract_strided_slice %get3A_37 {offsets = [44, 0], sizes = [1, 1024], strides = [1, 1]} : vector<50x1024xi32> to vector<1x1024xi32>
    %concatenate3A_2283 = tpu.concatenate %slice3A_2281, %slice3A_2282 in 1 : vector<1x1024xi32>, vector<1x1024xi32> -> vector<1x2048xi32>
    %broadcast_in_dim3A_2284 = vector.shape_cast %concatenate3A_2283 : vector<1x2048xi32> to vector<1x2048xi32>
    %broadcast_in_dim3A_2285 = vector.broadcast %broadcast_in_dim3A_2284 : vector<1x2048xi32> to vector<8x2048xi32>
    %lt3A_2286 = arith.constant 0 : i32
    %lt3A_2287 = vector.broadcast %lt3A_2286 : i32 to vector<8x2048xi32>
    %lt3A_2288 = arith.cmpi slt, %broadcast_in_dim3A_2285, %lt3A_2287 : vector<8x2048xi32>
    %add3A_2289 = arith.constant 128 : i32
    %add3A_2290 = vector.broadcast %add3A_2289 : i32 to vector<8x2048xi32>
    %add3A_2291 = arith.addi %broadcast_in_dim3A_2285, %add3A_2290 : vector<8x2048xi32>
    %select_n3A_2292 = arith.select %lt3A_2288, %add3A_2291, %broadcast_in_dim3A_2285 : vector<8x2048xi1>, vector<8x2048xi32>
    %reshape3A_2293 = vector.shape_cast %select_n3A_2292 : vector<8x2048xi32> to vector<8x2048x1xi32>
    %gather3A_2294 = vector.shape_cast %reshape3A_2293 : vector<8x2048x1xi32> to vector<8x2048xi32>
    %gather3A_2295 = tpu.dynamic_gather %get3A_31[%gather3A_2294] in [1] : vector<8x128xf32>, vector<8x2048xi32> -> vector<8x2048xf32>
    %convert_element_type3A_2296 = arith.truncf %gather3A_2295 : vector<8x2048xf32> to vector<8x2048xbf16>
    %concatenate3A_2297 = tpu.concatenate %convert_element_type3A_2296, %mul3A_2280 in 0 : vector<8x2048xbf16>, vector<64x2048xbf16> -> vector<72x2048xbf16>
    %dot_general3A_2298 = arith.constant dense<0.000000e+00> : vector<256x2048xf32>
    %dot_general3A_2299 = tpu.matmul %convert_element_type3A, %concatenate3A_2297, %dot_general3A_2298 {dimension_numbers = #tpu.dot_dimension_numbers<[1], [0], [0], [1], [0, 0, 1, 1], [], []>, transpose_lhs_hint = false} : vector<256x72xbf16>, vector<72x2048xbf16>, vector<256x2048xf32> -> vector<256x2048xf32>
    %convert_element_type3A_2300 = arith.truncf %dot_general3A_2299 : vector<256x2048xf32> to vector<256x2048xbf16>
    %slice3A_2301 = vector.extract_strided_slice %convert_element_type3A_2300 {offsets = [0, 0], sizes = [64, 2048], strides = [1, 1]} : vector<256x2048xbf16> to vector<64x2048xbf16>
    %tanh3A_2302 = math.tanh %slice3A_2301 : vector<64x2048xbf16>
    %mul3A_2303 = arith.constant 5.000000e-01 : bf16
    %mul3A_2304 = vector.broadcast %mul3A_2303 : bf16 to vector<64x2048xbf16>
    %mul3A_2305 = arith.mulf %mul3A_2304, %tanh3A_2302 : vector<64x2048xbf16>
    %add3A_2306 = arith.constant 5.000000e-01 : bf16
    %add3A_2307 = vector.broadcast %add3A_2306 : bf16 to vector<64x2048xbf16>
    %add3A_2308 = arith.addf %add3A_2307, %mul3A_2305 : vector<64x2048xbf16>
    %slice3A_2309 = vector.extract_strided_slice %convert_element_type3A_2300 {offsets = [64, 0], sizes = [64, 2048], strides = [1, 1]} : vector<256x2048xbf16> to vector<64x2048xbf16>
    %tanh3A_2310 = math.tanh %slice3A_2309 : vector<64x2048xbf16>
    %mul3A_2311 = arith.constant 5.000000e-01 : bf16
    %mul3A_2312 = vector.broadcast %mul3A_2311 : bf16 to vector<64x2048xbf16>
    %mul3A_2313 = arith.mulf %mul3A_2312, %tanh3A_2310 : vector<64x2048xbf16>
    %add3A_2314 = arith.constant 5.000000e-01 : bf16
    %add3A_2315 = vector.broadcast %add3A_2314 : bf16 to vector<64x2048xbf16>
    %add3A_2316 = arith.addf %add3A_2315, %mul3A_2313 : vector<64x2048xbf16>
    %slice3A_2317 = vector.extract_strided_slice %convert_element_type3A_2300 {offsets = [128, 0], sizes = [64, 2048], strides = [1, 1]} : vector<256x2048xbf16> to vector<64x2048xbf16>
    %tanh3A_2318 = math.tanh %slice3A_2317 : vector<64x2048xbf16>
    %slice3A_2319 = vector.extract_strided_slice %convert_element_type3A_2300 {offsets = [192, 0], sizes = [64, 2048], strides = [1, 1]} : vector<256x2048xbf16> to vector<64x2048xbf16>
    %tanh3A_2320 = math.tanh %slice3A_2319 : vector<64x2048xbf16>
    %mul3A_2321 = arith.constant 5.000000e-01 : bf16
    %mul3A_2322 = vector.broadcast %mul3A_2321 : bf16 to vector<64x2048xbf16>
    %mul3A_2323 = arith.mulf %mul3A_2322, %tanh3A_2320 : vector<64x2048xbf16>
    %add3A_2324 = arith.constant 5.000000e-01 : bf16
    %add3A_2325 = vector.broadcast %add3A_2324 : bf16 to vector<64x2048xbf16>
    %add3A_2326 = arith.addf %add3A_2325, %mul3A_2323 : vector<64x2048xbf16>
    %mul3A_2327 = arith.mulf %add3A_2316, %add3A_2278 : vector<64x2048xbf16>
    %mul3A_2328 = arith.mulf %add3A_2308, %tanh3A_2318 : vector<64x2048xbf16>
    %add3A_2329 = arith.addf %mul3A_2327, %mul3A_2328 : vector<64x2048xbf16>
    %tanh3A_2330 = math.tanh %add3A_2329 : vector<64x2048xbf16>
    %mul3A_2331 = arith.mulf %add3A_2326, %tanh3A_2330 : vector<64x2048xbf16>
    %slice3A_2332 = vector.extract_strided_slice %get3A_34 {offsets = [45, 0], sizes = [1, 1024], strides = [1, 1]} : vector<50x1024xi32> to vector<1x1024xi32>
    %slice3A_2333 = vector.extract_strided_slice %get3A_37 {offsets = [45, 0], sizes = [1, 1024], strides = [1, 1]} : vector<50x1024xi32> to vector<1x1024xi32>
    %concatenate3A_2334 = tpu.concatenate %slice3A_2332, %slice3A_2333 in 1 : vector<1x1024xi32>, vector<1x1024xi32> -> vector<1x2048xi32>
    %broadcast_in_dim3A_2335 = vector.shape_cast %concatenate3A_2334 : vector<1x2048xi32> to vector<1x2048xi32>
    %broadcast_in_dim3A_2336 = vector.broadcast %broadcast_in_dim3A_2335 : vector<1x2048xi32> to vector<8x2048xi32>
    %lt3A_2337 = arith.constant 0 : i32
    %lt3A_2338 = vector.broadcast %lt3A_2337 : i32 to vector<8x2048xi32>
    %lt3A_2339 = arith.cmpi slt, %broadcast_in_dim3A_2336, %lt3A_2338 : vector<8x2048xi32>
    %add3A_2340 = arith.constant 128 : i32
    %add3A_2341 = vector.broadcast %add3A_2340 : i32 to vector<8x2048xi32>
    %add3A_2342 = arith.addi %broadcast_in_dim3A_2336, %add3A_2341 : vector<8x2048xi32>
    %select_n3A_2343 = arith.select %lt3A_2339, %add3A_2342, %broadcast_in_dim3A_2336 : vector<8x2048xi1>, vector<8x2048xi32>
    %reshape3A_2344 = vector.shape_cast %select_n3A_2343 : vector<8x2048xi32> to vector<8x2048x1xi32>
    %gather3A_2345 = vector.shape_cast %reshape3A_2344 : vector<8x2048x1xi32> to vector<8x2048xi32>
    %gather3A_2346 = tpu.dynamic_gather %get3A_31[%gather3A_2345] in [1] : vector<8x128xf32>, vector<8x2048xi32> -> vector<8x2048xf32>
    %convert_element_type3A_2347 = arith.truncf %gather3A_2346 : vector<8x2048xf32> to vector<8x2048xbf16>
    %concatenate3A_2348 = tpu.concatenate %convert_element_type3A_2347, %mul3A_2331 in 0 : vector<8x2048xbf16>, vector<64x2048xbf16> -> vector<72x2048xbf16>
    %dot_general3A_2349 = arith.constant dense<0.000000e+00> : vector<256x2048xf32>
    %dot_general3A_2350 = tpu.matmul %convert_element_type3A, %concatenate3A_2348, %dot_general3A_2349 {dimension_numbers = #tpu.dot_dimension_numbers<[1], [0], [0], [1], [0, 0, 1, 1], [], []>, transpose_lhs_hint = false} : vector<256x72xbf16>, vector<72x2048xbf16>, vector<256x2048xf32> -> vector<256x2048xf32>
    %convert_element_type3A_2351 = arith.truncf %dot_general3A_2350 : vector<256x2048xf32> to vector<256x2048xbf16>
    %slice3A_2352 = vector.extract_strided_slice %convert_element_type3A_2351 {offsets = [0, 0], sizes = [64, 2048], strides = [1, 1]} : vector<256x2048xbf16> to vector<64x2048xbf16>
    %tanh3A_2353 = math.tanh %slice3A_2352 : vector<64x2048xbf16>
    %mul3A_2354 = arith.constant 5.000000e-01 : bf16
    %mul3A_2355 = vector.broadcast %mul3A_2354 : bf16 to vector<64x2048xbf16>
    %mul3A_2356 = arith.mulf %mul3A_2355, %tanh3A_2353 : vector<64x2048xbf16>
    %add3A_2357 = arith.constant 5.000000e-01 : bf16
    %add3A_2358 = vector.broadcast %add3A_2357 : bf16 to vector<64x2048xbf16>
    %add3A_2359 = arith.addf %add3A_2358, %mul3A_2356 : vector<64x2048xbf16>
    %slice3A_2360 = vector.extract_strided_slice %convert_element_type3A_2351 {offsets = [64, 0], sizes = [64, 2048], strides = [1, 1]} : vector<256x2048xbf16> to vector<64x2048xbf16>
    %tanh3A_2361 = math.tanh %slice3A_2360 : vector<64x2048xbf16>
    %mul3A_2362 = arith.constant 5.000000e-01 : bf16
    %mul3A_2363 = vector.broadcast %mul3A_2362 : bf16 to vector<64x2048xbf16>
    %mul3A_2364 = arith.mulf %mul3A_2363, %tanh3A_2361 : vector<64x2048xbf16>
    %add3A_2365 = arith.constant 5.000000e-01 : bf16
    %add3A_2366 = vector.broadcast %add3A_2365 : bf16 to vector<64x2048xbf16>
    %add3A_2367 = arith.addf %add3A_2366, %mul3A_2364 : vector<64x2048xbf16>
    %slice3A_2368 = vector.extract_strided_slice %convert_element_type3A_2351 {offsets = [128, 0], sizes = [64, 2048], strides = [1, 1]} : vector<256x2048xbf16> to vector<64x2048xbf16>
    %tanh3A_2369 = math.tanh %slice3A_2368 : vector<64x2048xbf16>
    %slice3A_2370 = vector.extract_strided_slice %convert_element_type3A_2351 {offsets = [192, 0], sizes = [64, 2048], strides = [1, 1]} : vector<256x2048xbf16> to vector<64x2048xbf16>
    %tanh3A_2371 = math.tanh %slice3A_2370 : vector<64x2048xbf16>
    %mul3A_2372 = arith.constant 5.000000e-01 : bf16
    %mul3A_2373 = vector.broadcast %mul3A_2372 : bf16 to vector<64x2048xbf16>
    %mul3A_2374 = arith.mulf %mul3A_2373, %tanh3A_2371 : vector<64x2048xbf16>
    %add3A_2375 = arith.constant 5.000000e-01 : bf16
    %add3A_2376 = vector.broadcast %add3A_2375 : bf16 to vector<64x2048xbf16>
    %add3A_2377 = arith.addf %add3A_2376, %mul3A_2374 : vector<64x2048xbf16>
    %mul3A_2378 = arith.mulf %add3A_2367, %add3A_2329 : vector<64x2048xbf16>
    %mul3A_2379 = arith.mulf %add3A_2359, %tanh3A_2369 : vector<64x2048xbf16>
    %add3A_2380 = arith.addf %mul3A_2378, %mul3A_2379 : vector<64x2048xbf16>
    %tanh3A_2381 = math.tanh %add3A_2380 : vector<64x2048xbf16>
    %mul3A_2382 = arith.mulf %add3A_2377, %tanh3A_2381 : vector<64x2048xbf16>
    %slice3A_2383 = vector.extract_strided_slice %get3A_34 {offsets = [46, 0], sizes = [1, 1024], strides = [1, 1]} : vector<50x1024xi32> to vector<1x1024xi32>
    %slice3A_2384 = vector.extract_strided_slice %get3A_37 {offsets = [46, 0], sizes = [1, 1024], strides = [1, 1]} : vector<50x1024xi32> to vector<1x1024xi32>
    %concatenate3A_2385 = tpu.concatenate %slice3A_2383, %slice3A_2384 in 1 : vector<1x1024xi32>, vector<1x1024xi32> -> vector<1x2048xi32>
    %broadcast_in_dim3A_2386 = vector.shape_cast %concatenate3A_2385 : vector<1x2048xi32> to vector<1x2048xi32>
    %broadcast_in_dim3A_2387 = vector.broadcast %broadcast_in_dim3A_2386 : vector<1x2048xi32> to vector<8x2048xi32>
    %lt3A_2388 = arith.constant 0 : i32
    %lt3A_2389 = vector.broadcast %lt3A_2388 : i32 to vector<8x2048xi32>
    %lt3A_2390 = arith.cmpi slt, %broadcast_in_dim3A_2387, %lt3A_2389 : vector<8x2048xi32>
    %add3A_2391 = arith.constant 128 : i32
    %add3A_2392 = vector.broadcast %add3A_2391 : i32 to vector<8x2048xi32>
    %add3A_2393 = arith.addi %broadcast_in_dim3A_2387, %add3A_2392 : vector<8x2048xi32>
    %select_n3A_2394 = arith.select %lt3A_2390, %add3A_2393, %broadcast_in_dim3A_2387 : vector<8x2048xi1>, vector<8x2048xi32>
    %reshape3A_2395 = vector.shape_cast %select_n3A_2394 : vector<8x2048xi32> to vector<8x2048x1xi32>
    %gather3A_2396 = vector.shape_cast %reshape3A_2395 : vector<8x2048x1xi32> to vector<8x2048xi32>
    %gather3A_2397 = tpu.dynamic_gather %get3A_31[%gather3A_2396] in [1] : vector<8x128xf32>, vector<8x2048xi32> -> vector<8x2048xf32>
    %convert_element_type3A_2398 = arith.truncf %gather3A_2397 : vector<8x2048xf32> to vector<8x2048xbf16>
    %concatenate3A_2399 = tpu.concatenate %convert_element_type3A_2398, %mul3A_2382 in 0 : vector<8x2048xbf16>, vector<64x2048xbf16> -> vector<72x2048xbf16>
    %dot_general3A_2400 = arith.constant dense<0.000000e+00> : vector<256x2048xf32>
    %dot_general3A_2401 = tpu.matmul %convert_element_type3A, %concatenate3A_2399, %dot_general3A_2400 {dimension_numbers = #tpu.dot_dimension_numbers<[1], [0], [0], [1], [0, 0, 1, 1], [], []>, transpose_lhs_hint = false} : vector<256x72xbf16>, vector<72x2048xbf16>, vector<256x2048xf32> -> vector<256x2048xf32>
    %convert_element_type3A_2402 = arith.truncf %dot_general3A_2401 : vector<256x2048xf32> to vector<256x2048xbf16>
    %slice3A_2403 = vector.extract_strided_slice %convert_element_type3A_2402 {offsets = [0, 0], sizes = [64, 2048], strides = [1, 1]} : vector<256x2048xbf16> to vector<64x2048xbf16>
    %tanh3A_2404 = math.tanh %slice3A_2403 : vector<64x2048xbf16>
    %mul3A_2405 = arith.constant 5.000000e-01 : bf16
    %mul3A_2406 = vector.broadcast %mul3A_2405 : bf16 to vector<64x2048xbf16>
    %mul3A_2407 = arith.mulf %mul3A_2406, %tanh3A_2404 : vector<64x2048xbf16>
    %add3A_2408 = arith.constant 5.000000e-01 : bf16
    %add3A_2409 = vector.broadcast %add3A_2408 : bf16 to vector<64x2048xbf16>
    %add3A_2410 = arith.addf %add3A_2409, %mul3A_2407 : vector<64x2048xbf16>
    %slice3A_2411 = vector.extract_strided_slice %convert_element_type3A_2402 {offsets = [64, 0], sizes = [64, 2048], strides = [1, 1]} : vector<256x2048xbf16> to vector<64x2048xbf16>
    %tanh3A_2412 = math.tanh %slice3A_2411 : vector<64x2048xbf16>
    %mul3A_2413 = arith.constant 5.000000e-01 : bf16
    %mul3A_2414 = vector.broadcast %mul3A_2413 : bf16 to vector<64x2048xbf16>
    %mul3A_2415 = arith.mulf %mul3A_2414, %tanh3A_2412 : vector<64x2048xbf16>
    %add3A_2416 = arith.constant 5.000000e-01 : bf16
    %add3A_2417 = vector.broadcast %add3A_2416 : bf16 to vector<64x2048xbf16>
    %add3A_2418 = arith.addf %add3A_2417, %mul3A_2415 : vector<64x2048xbf16>
    %slice3A_2419 = vector.extract_strided_slice %convert_element_type3A_2402 {offsets = [128, 0], sizes = [64, 2048], strides = [1, 1]} : vector<256x2048xbf16> to vector<64x2048xbf16>
    %tanh3A_2420 = math.tanh %slice3A_2419 : vector<64x2048xbf16>
    %slice3A_2421 = vector.extract_strided_slice %convert_element_type3A_2402 {offsets = [192, 0], sizes = [64, 2048], strides = [1, 1]} : vector<256x2048xbf16> to vector<64x2048xbf16>
    %tanh3A_2422 = math.tanh %slice3A_2421 : vector<64x2048xbf16>
    %mul3A_2423 = arith.constant 5.000000e-01 : bf16
    %mul3A_2424 = vector.broadcast %mul3A_2423 : bf16 to vector<64x2048xbf16>
    %mul3A_2425 = arith.mulf %mul3A_2424, %tanh3A_2422 : vector<64x2048xbf16>
    %add3A_2426 = arith.constant 5.000000e-01 : bf16
    %add3A_2427 = vector.broadcast %add3A_2426 : bf16 to vector<64x2048xbf16>
    %add3A_2428 = arith.addf %add3A_2427, %mul3A_2425 : vector<64x2048xbf16>
    %mul3A_2429 = arith.mulf %add3A_2418, %add3A_2380 : vector<64x2048xbf16>
    %mul3A_2430 = arith.mulf %add3A_2410, %tanh3A_2420 : vector<64x2048xbf16>
    %add3A_2431 = arith.addf %mul3A_2429, %mul3A_2430 : vector<64x2048xbf16>
    %tanh3A_2432 = math.tanh %add3A_2431 : vector<64x2048xbf16>
    %mul3A_2433 = arith.mulf %add3A_2428, %tanh3A_2432 : vector<64x2048xbf16>
    %slice3A_2434 = vector.extract_strided_slice %get3A_34 {offsets = [47, 0], sizes = [1, 1024], strides = [1, 1]} : vector<50x1024xi32> to vector<1x1024xi32>
    %slice3A_2435 = vector.extract_strided_slice %get3A_37 {offsets = [47, 0], sizes = [1, 1024], strides = [1, 1]} : vector<50x1024xi32> to vector<1x1024xi32>
    %concatenate3A_2436 = tpu.concatenate %slice3A_2434, %slice3A_2435 in 1 : vector<1x1024xi32>, vector<1x1024xi32> -> vector<1x2048xi32>
    %broadcast_in_dim3A_2437 = vector.shape_cast %concatenate3A_2436 : vector<1x2048xi32> to vector<1x2048xi32>
    %broadcast_in_dim3A_2438 = vector.broadcast %broadcast_in_dim3A_2437 : vector<1x2048xi32> to vector<8x2048xi32>
    %lt3A_2439 = arith.constant 0 : i32
    %lt3A_2440 = vector.broadcast %lt3A_2439 : i32 to vector<8x2048xi32>
    %lt3A_2441 = arith.cmpi slt, %broadcast_in_dim3A_2438, %lt3A_2440 : vector<8x2048xi32>
    %add3A_2442 = arith.constant 128 : i32
    %add3A_2443 = vector.broadcast %add3A_2442 : i32 to vector<8x2048xi32>
    %add3A_2444 = arith.addi %broadcast_in_dim3A_2438, %add3A_2443 : vector<8x2048xi32>
    %select_n3A_2445 = arith.select %lt3A_2441, %add3A_2444, %broadcast_in_dim3A_2438 : vector<8x2048xi1>, vector<8x2048xi32>
    %reshape3A_2446 = vector.shape_cast %select_n3A_2445 : vector<8x2048xi32> to vector<8x2048x1xi32>
    %gather3A_2447 = vector.shape_cast %reshape3A_2446 : vector<8x2048x1xi32> to vector<8x2048xi32>
    %gather3A_2448 = tpu.dynamic_gather %get3A_31[%gather3A_2447] in [1] : vector<8x128xf32>, vector<8x2048xi32> -> vector<8x2048xf32>
    %convert_element_type3A_2449 = arith.truncf %gather3A_2448 : vector<8x2048xf32> to vector<8x2048xbf16>
    %concatenate3A_2450 = tpu.concatenate %convert_element_type3A_2449, %mul3A_2433 in 0 : vector<8x2048xbf16>, vector<64x2048xbf16> -> vector<72x2048xbf16>
    %dot_general3A_2451 = arith.constant dense<0.000000e+00> : vector<256x2048xf32>
    %dot_general3A_2452 = tpu.matmul %convert_element_type3A, %concatenate3A_2450, %dot_general3A_2451 {dimension_numbers = #tpu.dot_dimension_numbers<[1], [0], [0], [1], [0, 0, 1, 1], [], []>, transpose_lhs_hint = false} : vector<256x72xbf16>, vector<72x2048xbf16>, vector<256x2048xf32> -> vector<256x2048xf32>
    %convert_element_type3A_2453 = arith.truncf %dot_general3A_2452 : vector<256x2048xf32> to vector<256x2048xbf16>
    %slice3A_2454 = vector.extract_strided_slice %convert_element_type3A_2453 {offsets = [0, 0], sizes = [64, 2048], strides = [1, 1]} : vector<256x2048xbf16> to vector<64x2048xbf16>
    %tanh3A_2455 = math.tanh %slice3A_2454 : vector<64x2048xbf16>
    %mul3A_2456 = arith.constant 5.000000e-01 : bf16
    %mul3A_2457 = vector.broadcast %mul3A_2456 : bf16 to vector<64x2048xbf16>
    %mul3A_2458 = arith.mulf %mul3A_2457, %tanh3A_2455 : vector<64x2048xbf16>
    %add3A_2459 = arith.constant 5.000000e-01 : bf16
    %add3A_2460 = vector.broadcast %add3A_2459 : bf16 to vector<64x2048xbf16>
    %add3A_2461 = arith.addf %add3A_2460, %mul3A_2458 : vector<64x2048xbf16>
    %slice3A_2462 = vector.extract_strided_slice %convert_element_type3A_2453 {offsets = [64, 0], sizes = [64, 2048], strides = [1, 1]} : vector<256x2048xbf16> to vector<64x2048xbf16>
    %tanh3A_2463 = math.tanh %slice3A_2462 : vector<64x2048xbf16>
    %mul3A_2464 = arith.constant 5.000000e-01 : bf16
    %mul3A_2465 = vector.broadcast %mul3A_2464 : bf16 to vector<64x2048xbf16>
    %mul3A_2466 = arith.mulf %mul3A_2465, %tanh3A_2463 : vector<64x2048xbf16>
    %add3A_2467 = arith.constant 5.000000e-01 : bf16
    %add3A_2468 = vector.broadcast %add3A_2467 : bf16 to vector<64x2048xbf16>
    %add3A_2469 = arith.addf %add3A_2468, %mul3A_2466 : vector<64x2048xbf16>
    %slice3A_2470 = vector.extract_strided_slice %convert_element_type3A_2453 {offsets = [128, 0], sizes = [64, 2048], strides = [1, 1]} : vector<256x2048xbf16> to vector<64x2048xbf16>
    %tanh3A_2471 = math.tanh %slice3A_2470 : vector<64x2048xbf16>
    %slice3A_2472 = vector.extract_strided_slice %convert_element_type3A_2453 {offsets = [192, 0], sizes = [64, 2048], strides = [1, 1]} : vector<256x2048xbf16> to vector<64x2048xbf16>
    %tanh3A_2473 = math.tanh %slice3A_2472 : vector<64x2048xbf16>
    %mul3A_2474 = arith.constant 5.000000e-01 : bf16
    %mul3A_2475 = vector.broadcast %mul3A_2474 : bf16 to vector<64x2048xbf16>
    %mul3A_2476 = arith.mulf %mul3A_2475, %tanh3A_2473 : vector<64x2048xbf16>
    %add3A_2477 = arith.constant 5.000000e-01 : bf16
    %add3A_2478 = vector.broadcast %add3A_2477 : bf16 to vector<64x2048xbf16>
    %add3A_2479 = arith.addf %add3A_2478, %mul3A_2476 : vector<64x2048xbf16>
    %mul3A_2480 = arith.mulf %add3A_2469, %add3A_2431 : vector<64x2048xbf16>
    %mul3A_2481 = arith.mulf %add3A_2461, %tanh3A_2471 : vector<64x2048xbf16>
    %add3A_2482 = arith.addf %mul3A_2480, %mul3A_2481 : vector<64x2048xbf16>
    %tanh3A_2483 = math.tanh %add3A_2482 : vector<64x2048xbf16>
    %mul3A_2484 = arith.mulf %add3A_2479, %tanh3A_2483 : vector<64x2048xbf16>
    %slice3A_2485 = vector.extract_strided_slice %get3A_34 {offsets = [48, 0], sizes = [1, 1024], strides = [1, 1]} : vector<50x1024xi32> to vector<1x1024xi32>
    %slice3A_2486 = vector.extract_strided_slice %get3A_37 {offsets = [48, 0], sizes = [1, 1024], strides = [1, 1]} : vector<50x1024xi32> to vector<1x1024xi32>
    %concatenate3A_2487 = tpu.concatenate %slice3A_2485, %slice3A_2486 in 1 : vector<1x1024xi32>, vector<1x1024xi32> -> vector<1x2048xi32>
    %broadcast_in_dim3A_2488 = vector.shape_cast %concatenate3A_2487 : vector<1x2048xi32> to vector<1x2048xi32>
    %broadcast_in_dim3A_2489 = vector.broadcast %broadcast_in_dim3A_2488 : vector<1x2048xi32> to vector<8x2048xi32>
    %lt3A_2490 = arith.constant 0 : i32
    %lt3A_2491 = vector.broadcast %lt3A_2490 : i32 to vector<8x2048xi32>
    %lt3A_2492 = arith.cmpi slt, %broadcast_in_dim3A_2489, %lt3A_2491 : vector<8x2048xi32>
    %add3A_2493 = arith.constant 128 : i32
    %add3A_2494 = vector.broadcast %add3A_2493 : i32 to vector<8x2048xi32>
    %add3A_2495 = arith.addi %broadcast_in_dim3A_2489, %add3A_2494 : vector<8x2048xi32>
    %select_n3A_2496 = arith.select %lt3A_2492, %add3A_2495, %broadcast_in_dim3A_2489 : vector<8x2048xi1>, vector<8x2048xi32>
    %reshape3A_2497 = vector.shape_cast %select_n3A_2496 : vector<8x2048xi32> to vector<8x2048x1xi32>
    %gather3A_2498 = vector.shape_cast %reshape3A_2497 : vector<8x2048x1xi32> to vector<8x2048xi32>
    %gather3A_2499 = tpu.dynamic_gather %get3A_31[%gather3A_2498] in [1] : vector<8x128xf32>, vector<8x2048xi32> -> vector<8x2048xf32>
    %convert_element_type3A_2500 = arith.truncf %gather3A_2499 : vector<8x2048xf32> to vector<8x2048xbf16>
    %concatenate3A_2501 = tpu.concatenate %convert_element_type3A_2500, %mul3A_2484 in 0 : vector<8x2048xbf16>, vector<64x2048xbf16> -> vector<72x2048xbf16>
    %dot_general3A_2502 = arith.constant dense<0.000000e+00> : vector<256x2048xf32>
    %dot_general3A_2503 = tpu.matmul %convert_element_type3A, %concatenate3A_2501, %dot_general3A_2502 {dimension_numbers = #tpu.dot_dimension_numbers<[1], [0], [0], [1], [0, 0, 1, 1], [], []>, transpose_lhs_hint = false} : vector<256x72xbf16>, vector<72x2048xbf16>, vector<256x2048xf32> -> vector<256x2048xf32>
    %convert_element_type3A_2504 = arith.truncf %dot_general3A_2503 : vector<256x2048xf32> to vector<256x2048xbf16>
    %slice3A_2505 = vector.extract_strided_slice %convert_element_type3A_2504 {offsets = [0, 0], sizes = [64, 2048], strides = [1, 1]} : vector<256x2048xbf16> to vector<64x2048xbf16>
    %tanh3A_2506 = math.tanh %slice3A_2505 : vector<64x2048xbf16>
    %mul3A_2507 = arith.constant 5.000000e-01 : bf16
    %mul3A_2508 = vector.broadcast %mul3A_2507 : bf16 to vector<64x2048xbf16>
    %mul3A_2509 = arith.mulf %mul3A_2508, %tanh3A_2506 : vector<64x2048xbf16>
    %add3A_2510 = arith.constant 5.000000e-01 : bf16
    %add3A_2511 = vector.broadcast %add3A_2510 : bf16 to vector<64x2048xbf16>
    %add3A_2512 = arith.addf %add3A_2511, %mul3A_2509 : vector<64x2048xbf16>
    %slice3A_2513 = vector.extract_strided_slice %convert_element_type3A_2504 {offsets = [64, 0], sizes = [64, 2048], strides = [1, 1]} : vector<256x2048xbf16> to vector<64x2048xbf16>
    %tanh3A_2514 = math.tanh %slice3A_2513 : vector<64x2048xbf16>
    %mul3A_2515 = arith.constant 5.000000e-01 : bf16
    %mul3A_2516 = vector.broadcast %mul3A_2515 : bf16 to vector<64x2048xbf16>
    %mul3A_2517 = arith.mulf %mul3A_2516, %tanh3A_2514 : vector<64x2048xbf16>
    %add3A_2518 = arith.constant 5.000000e-01 : bf16
    %add3A_2519 = vector.broadcast %add3A_2518 : bf16 to vector<64x2048xbf16>
    %add3A_2520 = arith.addf %add3A_2519, %mul3A_2517 : vector<64x2048xbf16>
    %slice3A_2521 = vector.extract_strided_slice %convert_element_type3A_2504 {offsets = [128, 0], sizes = [64, 2048], strides = [1, 1]} : vector<256x2048xbf16> to vector<64x2048xbf16>
    %tanh3A_2522 = math.tanh %slice3A_2521 : vector<64x2048xbf16>
    %slice3A_2523 = vector.extract_strided_slice %convert_element_type3A_2504 {offsets = [192, 0], sizes = [64, 2048], strides = [1, 1]} : vector<256x2048xbf16> to vector<64x2048xbf16>
    %tanh3A_2524 = math.tanh %slice3A_2523 : vector<64x2048xbf16>
    %mul3A_2525 = arith.constant 5.000000e-01 : bf16
    %mul3A_2526 = vector.broadcast %mul3A_2525 : bf16 to vector<64x2048xbf16>
    %mul3A_2527 = arith.mulf %mul3A_2526, %tanh3A_2524 : vector<64x2048xbf16>
    %add3A_2528 = arith.constant 5.000000e-01 : bf16
    %add3A_2529 = vector.broadcast %add3A_2528 : bf16 to vector<64x2048xbf16>
    %add3A_2530 = arith.addf %add3A_2529, %mul3A_2527 : vector<64x2048xbf16>
    %mul3A_2531 = arith.mulf %add3A_2520, %add3A_2482 : vector<64x2048xbf16>
    %mul3A_2532 = arith.mulf %add3A_2512, %tanh3A_2522 : vector<64x2048xbf16>
    %add3A_2533 = arith.addf %mul3A_2531, %mul3A_2532 : vector<64x2048xbf16>
    %tanh3A_2534 = math.tanh %add3A_2533 : vector<64x2048xbf16>
    %mul3A_2535 = arith.mulf %add3A_2530, %tanh3A_2534 : vector<64x2048xbf16>
    %slice3A_2536 = vector.extract_strided_slice %get3A_34 {offsets = [49, 0], sizes = [1, 1024], strides = [1, 1]} : vector<50x1024xi32> to vector<1x1024xi32>
    %slice3A_2537 = vector.extract_strided_slice %get3A_37 {offsets = [49, 0], sizes = [1, 1024], strides = [1, 1]} : vector<50x1024xi32> to vector<1x1024xi32>
    %concatenate3A_2538 = tpu.concatenate %slice3A_2536, %slice3A_2537 in 1 : vector<1x1024xi32>, vector<1x1024xi32> -> vector<1x2048xi32>
    %broadcast_in_dim3A_2539 = vector.shape_cast %concatenate3A_2538 : vector<1x2048xi32> to vector<1x2048xi32>
    %broadcast_in_dim3A_2540 = vector.broadcast %broadcast_in_dim3A_2539 : vector<1x2048xi32> to vector<8x2048xi32>
    %lt3A_2541 = arith.constant 0 : i32
    %lt3A_2542 = vector.broadcast %lt3A_2541 : i32 to vector<8x2048xi32>
    %lt3A_2543 = arith.cmpi slt, %broadcast_in_dim3A_2540, %lt3A_2542 : vector<8x2048xi32>
    %add3A_2544 = arith.constant 128 : i32
    %add3A_2545 = vector.broadcast %add3A_2544 : i32 to vector<8x2048xi32>
    %add3A_2546 = arith.addi %broadcast_in_dim3A_2540, %add3A_2545 : vector<8x2048xi32>
    %select_n3A_2547 = arith.select %lt3A_2543, %add3A_2546, %broadcast_in_dim3A_2540 : vector<8x2048xi1>, vector<8x2048xi32>
    %reshape3A_2548 = vector.shape_cast %select_n3A_2547 : vector<8x2048xi32> to vector<8x2048x1xi32>
    %gather3A_2549 = vector.shape_cast %reshape3A_2548 : vector<8x2048x1xi32> to vector<8x2048xi32>
    %gather3A_2550 = tpu.dynamic_gather %get3A_31[%gather3A_2549] in [1] : vector<8x128xf32>, vector<8x2048xi32> -> vector<8x2048xf32>
    %convert_element_type3A_2551 = arith.truncf %gather3A_2550 : vector<8x2048xf32> to vector<8x2048xbf16>
    %concatenate3A_2552 = tpu.concatenate %convert_element_type3A_2551, %mul3A_2535 in 0 : vector<8x2048xbf16>, vector<64x2048xbf16> -> vector<72x2048xbf16>
    %dot_general3A_2553 = arith.constant dense<0.000000e+00> : vector<256x2048xf32>
    %dot_general3A_2554 = tpu.matmul %convert_element_type3A, %concatenate3A_2552, %dot_general3A_2553 {dimension_numbers = #tpu.dot_dimension_numbers<[1], [0], [0], [1], [0, 0, 1, 1], [], []>, transpose_lhs_hint = false} : vector<256x72xbf16>, vector<72x2048xbf16>, vector<256x2048xf32> -> vector<256x2048xf32>
    %convert_element_type3A_2555 = arith.truncf %dot_general3A_2554 : vector<256x2048xf32> to vector<256x2048xbf16>
    %slice3A_2556 = vector.extract_strided_slice %convert_element_type3A_2555 {offsets = [0, 0], sizes = [64, 2048], strides = [1, 1]} : vector<256x2048xbf16> to vector<64x2048xbf16>
    %tanh3A_2557 = math.tanh %slice3A_2556 : vector<64x2048xbf16>
    %mul3A_2558 = arith.constant 5.000000e-01 : bf16
    %mul3A_2559 = vector.broadcast %mul3A_2558 : bf16 to vector<64x2048xbf16>
    %mul3A_2560 = arith.mulf %mul3A_2559, %tanh3A_2557 : vector<64x2048xbf16>
    %add3A_2561 = arith.constant 5.000000e-01 : bf16
    %add3A_2562 = vector.broadcast %add3A_2561 : bf16 to vector<64x2048xbf16>
    %add3A_2563 = arith.addf %add3A_2562, %mul3A_2560 : vector<64x2048xbf16>
    %slice3A_2564 = vector.extract_strided_slice %convert_element_type3A_2555 {offsets = [64, 0], sizes = [64, 2048], strides = [1, 1]} : vector<256x2048xbf16> to vector<64x2048xbf16>
    %tanh3A_2565 = math.tanh %slice3A_2564 : vector<64x2048xbf16>
    %mul3A_2566 = arith.constant 5.000000e-01 : bf16
    %mul3A_2567 = vector.broadcast %mul3A_2566 : bf16 to vector<64x2048xbf16>
    %mul3A_2568 = arith.mulf %mul3A_2567, %tanh3A_2565 : vector<64x2048xbf16>
    %add3A_2569 = arith.constant 5.000000e-01 : bf16
    %add3A_2570 = vector.broadcast %add3A_2569 : bf16 to vector<64x2048xbf16>
    %add3A_2571 = arith.addf %add3A_2570, %mul3A_2568 : vector<64x2048xbf16>
    %slice3A_2572 = vector.extract_strided_slice %convert_element_type3A_2555 {offsets = [128, 0], sizes = [64, 2048], strides = [1, 1]} : vector<256x2048xbf16> to vector<64x2048xbf16>
    %tanh3A_2573 = math.tanh %slice3A_2572 : vector<64x2048xbf16>
    %slice3A_2574 = vector.extract_strided_slice %convert_element_type3A_2555 {offsets = [192, 0], sizes = [64, 2048], strides = [1, 1]} : vector<256x2048xbf16> to vector<64x2048xbf16>
    %tanh3A_2575 = math.tanh %slice3A_2574 : vector<64x2048xbf16>
    %mul3A_2576 = arith.constant 5.000000e-01 : bf16
    %mul3A_2577 = vector.broadcast %mul3A_2576 : bf16 to vector<64x2048xbf16>
    %mul3A_2578 = arith.mulf %mul3A_2577, %tanh3A_2575 : vector<64x2048xbf16>
    %add3A_2579 = arith.constant 5.000000e-01 : bf16
    %add3A_2580 = vector.broadcast %add3A_2579 : bf16 to vector<64x2048xbf16>
    %add3A_2581 = arith.addf %add3A_2580, %mul3A_2578 : vector<64x2048xbf16>
    %mul3A_2582 = arith.mulf %add3A_2571, %add3A_2533 : vector<64x2048xbf16>
    %mul3A_2583 = arith.mulf %add3A_2563, %tanh3A_2573 : vector<64x2048xbf16>
    %add3A_2584 = arith.addf %mul3A_2582, %mul3A_2583 : vector<64x2048xbf16>
    %tanh3A_2585 = math.tanh %add3A_2584 : vector<64x2048xbf16>
    %mul3A_2586 = arith.mulf %add3A_2581, %tanh3A_2585 : vector<64x2048xbf16>
    %slice3A_2587 = vector.extract_strided_slice %mul3A_2586 {offsets = [0, 0], sizes = [64, 1024], strides = [1, 1]} : vector<64x2048xbf16> to vector<64x1024xbf16>
    %convert_element_type3A_2588 = arith.extf %slice3A_2587 : vector<64x1024xbf16> to vector<64x1024xf32>
    %slice3A_2589 = vector.extract_strided_slice %mul3A_2586 {offsets = [0, 1024], sizes = [64, 1024], strides = [1, 1]} : vector<64x2048xbf16> to vector<64x1024xbf16>
    %convert_element_type3A_2590 = arith.extf %slice3A_2589 : vector<64x1024xbf16> to vector<64x1024xf32>
    %get3A_2591 = arith.constant 0 : index
    %get3A_2592 = arith.constant 0 : index
    %get3A_2593 = vector.load %arg12[%get3A_2591, %get3A_2592] : memref<64x160xf32, #tpu.memory_space<vmem>>, vector<64x160xf32>
    %slice3A_2594 = vector.extract_strided_slice %get3A_2593 {offsets = [0, 8], sizes = [64, 64], strides = [1, 1]} : vector<64x160xf32> to vector<64x64xf32>
    %dot_general3A_2595 = arith.constant dense<0.000000e+00> : vector<64x1024xf32>
    %dot_general3A_2596 = tpu.matmul %slice3A_2594, %convert_element_type3A_2588, %dot_general3A_2595 {dimension_numbers = #tpu.dot_dimension_numbers<[1], [0], [0], [1], [0, 0, 1, 1], [], []>, transpose_lhs_hint = false} : vector<64x64xf32>, vector<64x1024xf32>, vector<64x1024xf32> -> vector<64x1024xf32>
    %slice3A_2597 = vector.extract_strided_slice %get3A_2593 {offsets = [0, 72], sizes = [64, 64], strides = [1, 1]} : vector<64x160xf32> to vector<64x64xf32>
    %dot_general3A_2598 = arith.constant dense<0.000000e+00> : vector<64x1024xf32>
    %dot_general3A_2599 = tpu.matmul %slice3A_2597, %convert_element_type3A_2590, %dot_general3A_2598 {dimension_numbers = #tpu.dot_dimension_numbers<[1], [0], [0], [1], [0, 0, 1, 1], [], []>, transpose_lhs_hint = false} : vector<64x64xf32>, vector<64x1024xf32>, vector<64x1024xf32> -> vector<64x1024xf32>
    %add3A_2600 = arith.addf %dot_general3A_2596, %dot_general3A_2599 : vector<64x1024xf32>
    %slice3A_2601 = vector.extract_strided_slice %get3A_2593 {offsets = [0, 0], sizes = [64, 8], strides = [1, 1]} : vector<64x160xf32> to vector<64x8xf32>
    %get3A_2602 = arith.constant 0 : index
    %get3A_2603 = arith.constant 0 : index
    %get3A_2604 = vector.load %arg11[%get3A_2602, %get3A_2603] : memref<8x16xf32, #tpu.memory_space<vmem>>, vector<8x16xf32>
    %dot_general3A_2605 = arith.constant dense<0.000000e+00> : vector<64x16xf32>
    %dot_general3A_2606 = tpu.matmul %slice3A_2601, %get3A_2604, %dot_general3A_2605 {dimension_numbers = #tpu.dot_dimension_numbers<[1], [0], [0], [1], [0, 0, 1, 1], [], []>, transpose_lhs_hint = false} : vector<64x8xf32>, vector<8x16xf32>, vector<64x16xf32> -> vector<64x16xf32>
    %get3A_2607 = arith.constant 0 : index
    %get3A_2608 = arith.constant 0 : index
    %get3A_2609 = vector.load %arg3[%get3A_2607, %get3A_2608] : memref<8x1024xi32, #tpu.memory_space<vmem>>, vector<1x1024xi32>
    %iota3A_2610 = tpu.iota {dimensions = array<i32: 0>} : vector<16x1024xi32>
    %eq3A_2611 = vector.broadcast %get3A_2609 : vector<1x1024xi32> to vector<16x1024xi32>
    %eq3A_2612 = arith.cmpi eq, %eq3A_2611, %iota3A_2610 : vector<16x1024xi32>
    %convert_element_type3A_2613 = arith.extui %eq3A_2612 : vector<16x1024xi1> to vector<16x1024xi32>
    %convert_element_type3A_2614 = arith.sitofp %convert_element_type3A_2613 : vector<16x1024xi32> to vector<16x1024xf32>
    %dot_general3A_2615 = arith.constant dense<0.000000e+00> : vector<64x1024xf32>
    %dot_general3A_2616 = tpu.matmul %dot_general3A_2606, %convert_element_type3A_2614, %dot_general3A_2615 {dimension_numbers = #tpu.dot_dimension_numbers<[1], [0], [0], [1], [0, 0, 1, 1], [], []>, transpose_lhs_hint = false} : vector<64x16xf32>, vector<16x1024xf32>, vector<64x1024xf32> -> vector<64x1024xf32>
    %add3A_2617 = arith.addf %add3A_2600, %dot_general3A_2616 : vector<64x1024xf32>
    %get3A_2618 = arith.constant 1 : index
    %get3A_2619 = arith.constant 0 : index
    %get3A_2620 = vector.load %arg3[%get3A_2618, %get3A_2619] : memref<8x1024xi32, #tpu.memory_space<vmem>>, vector<3x1024xi32>
    %convert_element_type3A_2621 = arith.sitofp %get3A_2620 : vector<3x1024xi32> to vector<3x1024xf32>
    %broadcast_in_dim3A_2622 = arith.constant 0.000000e+00 : f32
    %broadcast_in_dim3A_2623 = vector.broadcast %broadcast_in_dim3A_2622 : f32 to vector<2x1024xf32>
    %slice3A_2624 = vector.extract_strided_slice %convert_element_type3A_2621 {offsets = [0, 0], sizes = [1, 1024], strides = [1, 1]} : vector<3x1024xf32> to vector<1x1024xf32>
    %slice3A_2625 = vector.extract_strided_slice %convert_element_type3A_2621 {offsets = [0, 0], sizes = [1, 1024], strides = [1, 1]} : vector<3x1024xf32> to vector<1x1024xf32>
    %sub3A = arith.constant 1.000000e+00 : f32
    %sub3A_2626 = vector.broadcast %sub3A : f32 to vector<1x1024xf32>
    %sub3A_2627 = arith.subf %sub3A_2626, %slice3A_2625 : vector<1x1024xf32>
    %slice3A_2628 = vector.extract_strided_slice %convert_element_type3A_2621 {offsets = [1, 0], sizes = [1, 1024], strides = [1, 1]} : vector<3x1024xf32> to vector<1x1024xf32>
    %slice3A_2629 = vector.extract_strided_slice %convert_element_type3A_2621 {offsets = [1, 0], sizes = [1, 1024], strides = [1, 1]} : vector<3x1024xf32> to vector<1x1024xf32>
    %sub3A_2630 = arith.constant 1.000000e+00 : f32
    %sub3A_2631 = vector.broadcast %sub3A_2630 : f32 to vector<1x1024xf32>
    %sub3A_2632 = arith.subf %sub3A_2631, %slice3A_2629 : vector<1x1024xf32>
    %slice3A_2633 = vector.extract_strided_slice %convert_element_type3A_2621 {offsets = [2, 0], sizes = [1, 1024], strides = [1, 1]} : vector<3x1024xf32> to vector<1x1024xf32>
    %slice3A_2634 = vector.extract_strided_slice %convert_element_type3A_2621 {offsets = [2, 0], sizes = [1, 1024], strides = [1, 1]} : vector<3x1024xf32> to vector<1x1024xf32>
    %sub3A_2635 = arith.constant 1.000000e+00 : f32
    %sub3A_2636 = vector.broadcast %sub3A_2635 : f32 to vector<1x1024xf32>
    %sub3A_2637 = arith.subf %sub3A_2636, %slice3A_2634 : vector<1x1024xf32>
    %concatenate3A_2638 = tpu.concatenate %broadcast_in_dim3A_2623, %slice3A_2624, %sub3A_2627, %slice3A_2628, %sub3A_2632, %slice3A_2633, %sub3A_2637 in 0 : vector<2x1024xf32>, vector<1x1024xf32>, vector<1x1024xf32>, vector<1x1024xf32>, vector<1x1024xf32>, vector<1x1024xf32>, vector<1x1024xf32> -> vector<8x1024xf32>
    %slice3A_2639 = vector.extract_strided_slice %get3A_2593 {offsets = [0, 0], sizes = [64, 8], strides = [1, 1]} : vector<64x160xf32> to vector<64x8xf32>
    %dot_general3A_2640 = arith.constant dense<0.000000e+00> : vector<64x1024xf32>
    %dot_general3A_2641 = tpu.matmul %slice3A_2639, %concatenate3A_2638, %dot_general3A_2640 {dimension_numbers = #tpu.dot_dimension_numbers<[1], [0], [0], [1], [0, 0, 1, 1], [], []>, transpose_lhs_hint = false} : vector<64x8xf32>, vector<8x1024xf32>, vector<64x1024xf32> -> vector<64x1024xf32>
    %add3A_2642 = arith.addf %add3A_2617, %dot_general3A_2641 : vector<64x1024xf32>
    %slice3A_2643 = vector.extract_strided_slice %get3A_2593 {offsets = [0, 136], sizes = [64, 16], strides = [1, 1]} : vector<64x160xf32> to vector<64x16xf32>
    %get3A_2644 = arith.constant 0 : index
    %get3A_2645 = arith.constant 0 : index
    %get3A_2646 = vector.load %arg4[%get3A_2644, %get3A_2645] : memref<1024x16xf32, #tpu.memory_space<vmem>>, vector<1024x16xf32>
    %dot_general3A_2647 = arith.constant dense<0.000000e+00> : vector<64x1024xf32>
    %dot_general3A_2648 = tpu.matmul %slice3A_2643, %get3A_2646, %dot_general3A_2647 {dimension_numbers = #tpu.dot_dimension_numbers<[1], [1], [0], [0], [0, 0, 1, 0], [], []>, transpose_lhs_hint = false} : vector<64x16xf32>, vector<1024x16xf32>, vector<64x1024xf32> -> vector<64x1024xf32>
    %add3A_2649 = arith.addf %add3A_2642, %dot_general3A_2648 : vector<64x1024xf32>
    %slice3A_2650 = vector.extract_strided_slice %get3A_2593 {offsets = [0, 141], sizes = [64, 16], strides = [1, 1]} : vector<64x160xf32> to vector<64x16xf32>
    %get3A_2651 = arith.constant 0 : index
    %get3A_2652 = arith.constant 0 : index
    %get3A_2653 = vector.load %arg5[%get3A_2651, %get3A_2652] : memref<1024x16xf32, #tpu.memory_space<vmem>>, vector<1024x16xf32>
    %dot_general3A_2654 = arith.constant dense<0.000000e+00> : vector<64x1024xf32>
    %dot_general3A_2655 = tpu.matmul %slice3A_2650, %get3A_2653, %dot_general3A_2654 {dimension_numbers = #tpu.dot_dimension_numbers<[1], [1], [0], [0], [0, 0, 1, 0], [], []>, transpose_lhs_hint = false} : vector<64x16xf32>, vector<1024x16xf32>, vector<64x1024xf32> -> vector<64x1024xf32>
    %add3A_2656 = arith.addf %add3A_2649, %dot_general3A_2655 : vector<64x1024xf32>
    %get3A_2657 = arith.constant 0 : index
    %get3A_2658 = arith.constant 0 : index
    %get3A_2659 = vector.load %arg13[%get3A_2657, %get3A_2658] : memref<64x1xf32, #tpu.memory_space<vmem>>, vector<64x1xf32>
    %add3A_2660 = vector.broadcast %get3A_2659 : vector<64x1xf32> to vector<64x1024xf32>
    %add3A_2661 = arith.addf %add3A_2656, %add3A_2660 : vector<64x1024xf32>
    %max3A = arith.constant 0.000000e+00 : f32
    %max3A_2662 = vector.broadcast %max3A : f32 to vector<64x1024xf32>
    %max3A_2663 = arith.maximumf %add3A_2661, %max3A_2662 : vector<64x1024xf32>
    %swap3A = arith.constant 0 : index
    %swap3A_2664 = arith.constant 0 : index
    %swap3A_2665 = vector.load %arg14[%swap3A, %swap3A_2664] : memref<64x1024xf32, #tpu.memory_space<vmem>>, vector<64x1024xf32>
    tpu.vector_store %arg14[%swap3A, %swap3A_2664], %max3A_2663 {strides = array<i32>} : memref<64x1024xf32, #tpu.memory_space<vmem>>, vector<64x1024xf32>,
    return
  }
  func.func @transform_0(%arg0: i32) -> (i32, i32) {
    %c0_i32 = arith.constant 0 : i32
    %c0_i32_0 = arith.constant 0 : i32
    return %c0_i32, %arg0 : i32, i32
  }
  func.func @transform_1(%arg0: i32) -> (i32, i32) {
    %c0_i32 = arith.constant 0 : i32
    %c0_i32_0 = arith.constant 0 : i32
    return %c0_i32, %arg0 : i32, i32
  }
  func.func @transform_2(%arg0: i32) -> (i32, i32) {
    %c0_i32 = arith.constant 0 : i32
    %c0_i32_0 = arith.constant 0 : i32
    return %c0_i32, %arg0 : i32, i32
  }
  func.func @transform_3(%arg0: i32) -> (i32, i32) {
    %c0_i32 = arith.constant 0 : i32
    %c0_i32_0 = arith.constant 0 : i32
    return %arg0, %c0_i32 : i32, i32
  }
  func.func @transform_4(%arg0: i32) -> (i32, i32) {
    %c0_i32 = arith.constant 0 : i32
    %c0_i32_0 = arith.constant 0 : i32
    return %arg0, %c0_i32 : i32, i32
  }
  func.func @transform_5(%arg0: i32) -> (i32, i32) {
    %c0_i32 = arith.constant 0 : i32
    %c0_i32_0 = arith.constant 0 : i32
    %c0_i32_1 = arith.constant 0 : i32
    return %c0_i32, %c0_i32_0 : i32, i32
  }
  func.func @transform_6(%arg0: i32) -> (i32, i32) {
    %c0_i32 = arith.constant 0 : i32
    %c0_i32_0 = arith.constant 0 : i32
    %c0_i32_1 = arith.constant 0 : i32
    return %c0_i32, %c0_i32_0 : i32, i32
  }
  func.func @transform_7(%arg0: i32) -> (i32, i32) {
    %c0_i32 = arith.constant 0 : i32
    %c0_i32_0 = arith.constant 0 : i32
    %c0_i32_1 = arith.constant 0 : i32
    return %c0_i32, %c0_i32_0 : i32, i32
  }
  func.func @transform_8(%arg0: i32) -> (i32, i32) {
    %c0_i32 = arith.constant 0 : i32
    %c0_i32_0 = arith.constant 0 : i32
    %c0_i32_1 = arith.constant 0 : i32
    return %c0_i32, %c0_i32_0 : i32, i32
  }
  func.func @transform_9(%arg0: i32) -> (i32, i32) {
    %c0_i32 = arith.constant 0 : i32
    %c0_i32_0 = arith.constant 0 : i32
    %c0_i32_1 = arith.constant 0 : i32
    return %c0_i32, %c0_i32_0 : i32, i32
  }
  func.func @transform_10(%arg0: i32) -> (i32, i32) {
    %c0_i32 = arith.constant 0 : i32
    %c0_i32_0 = arith.constant 0 : i32
    %c0_i32_1 = arith.constant 0 : i32
    return %c0_i32, %c0_i32_0 : i32, i32
  }
  func.func @transform_11(%arg0: i32) -> (i32, i32) {
    %c0_i32 = arith.constant 0 : i32
    %c0_i32_0 = arith.constant 0 : i32
    %c0_i32_1 = arith.constant 0 : i32
    return %c0_i32, %c0_i32_0 : i32, i32
  }
  func.func @transform_12(%arg0: i32) -> (i32, i32) {
    %c0_i32 = arith.constant 0 : i32
    %c0_i32_0 = arith.constant 0 : i32
    %c0_i32_1 = arith.constant 0 : i32
    return %c0_i32, %c0_i32_0 : i32, i32
  }
  func.func @transform_13(%arg0: i32) -> (i32, i32) {
    %c0_i32 = arith.constant 0 : i32
    %c0_i32_0 = arith.constant 0 : i32
    return %c0_i32, %arg0 : i32, i32
  }
}

</mosaic_0001>

<sc_bundles>
// kernel: kernel.4.cloned.1.call-start
scs
__scs_entry_jumppad:
0x0: {  	(pc) =	sbr.rel $0x88, $3  }
0x1: {  	(tag) =	ssettag $0x0;
	lr =	simm.s32 $0x1  }
0x2: {  	[smem:$0x3F90] =	sst lr;
	_ =	strace $0xD0000000  }
0x3: {  	_ = 	snop  }
0x4: {  	_ = 	snop  }
0x5: {  	_ = 	snop  }
0x6: {  	_ = 	snop  }
0x7: {  	_ = 	snop  }
__scs_overlays_trampoline_lowered:
0x8: {  	[smem:$0x3F9F] =	sst s0  }
0x9: {  	[smem:$0x3FA0] =	sst s1  }
0xa: {  	[smem:$0x3FA1] =	sst s2  }
0xb: {  	[smem:$0x3FA2] =	sst s3  }
0xc: {  	[smem:$0x3FA3] =	sst s4  }
0xd: {  	[smem:$0x3FA4] =	sst s5  }
0xe: {  	[smem:$0x3FA5] =	sst s6  }
0xf: {  	[smem:$0x3FA6] =	sst s7  }
0x10: {  	[smem:$0x3FA7] =	sst s8  }
0x11: {  	[smem:$0x3FA8] =	sst s9;
	s0 =	simm.s32 @!p0 $0x0  }
0x12: {  	s1 =	sld [smem:$0x3F8E];
	s0 =	simm.s32 @p0 $0x1  }
0x13: {  	[smem:$0x3FA9] =	sst s0;
	s0 =	simm.s32 @!p1 $0x0  }
0x14: {  	s2 =	sld [smem:$0x3F8D];
	s0 =	simm.s32 @p1 $0x1  }
0x15: {  	[smem:$0x3FAA] =	sst s0;
	s0 =	simm.s32 @!p2 $0x0  }
0x16: {  	s3 =	sld [smem:$0x3FDB];
	s0 =	simm.s32 @p2 $0x1  }
0x17: {  	s4 =	simm.s32 $0x1BF5;
	[smem:$0x3FAC] =	sst s0  }
0x18: {  	s0 =	sld [smem:$0x3F8F];
	_ =	swait.ge [sflag:s4], $0x0  }
0x19: {  	s7 =	sld [smem:$0x3F90]  }
0x1a: {  	s8 =	sadd.s32 $0xFFFFE003, lr  }
0x1b: {  	s9 =	sadd.s32 $0xFFFFFEF7, lr;
	s5 =	simm.s32 $0xFFFFFFFF;
	p2 =	slt.u32 s8, $0xFFFFF086  }
0x1c: {  	p1 =	slt.u32 s9, $0xF7A;
	s5 =	simm.s32 @!p2 $0x0  }
0x1d: {  	s5 =	simm.s32 @p1 $0x1;
	p0 =	seq.s32 s7, s2  }
0x1e: {  	s7 =	smul.u32 @!p0 $0xF7A, s2;
	p2 =	seq.s32 @!p0 s5, $0x0  }
0x1f: {  	s9 =	smul.u32 $0xF7A, s1;
	s8 =	simm.s32 @!p0 $0x1BF5;
	p2 =	por !p2, p0  }
0x20: {  	[sflag:s8] =	ssyncset.s32 @!p0 $0xFFFFF086;
	s6 =	sadd.s32 @!p0 s3, s7;
	s7 =	simm.s32 @!p0 $0x108  }
0x21: {  	s3 =	sadd.s32 s3, s9;
	s6 =	sadd.s32 @!p0 $0x88, s6;
	s7 =	simm.s32 @p2 $0x1082  }
0x22: {  	[simem:s7], [sflag:s8] =	dma.local @!p0 [hbm:s6], $0xF7A  }
0x23: {  	s9 =	sor.u32 $0xD0000000, s2;
	s6 =	simm.s32 $0x108;
	_ =	swait.ge @!p0 [sflag:s8], $0x0  }
0x24: {  	s3 =	sadd.s32 $0x88, s3;
	s6 =	simm.s32 @!p1 $0x1082;
	[sflag:s4] =	ssyncset.s32 $0xFFFFF086  }
0x25: {  	[simem:s6], [sflag:s4] =	dma.local [hbm:s3], $0xF7A  }
0x26: {  	[smem:$0x3F90] =	sst s1;
	(tag) =	ssettag s2;
	_ =	strace s9  }
0x27: {  	s1 =	sld [smem:$0x3FA0]  }
0x28: {  	s2 =	sld [smem:$0x3FA1]  }
0x29: {  	s4 =	sld [smem:$0x3FA3]  }
0x2a: {  	p0 =	seq.s32 s5, $0x0;
	s5 =	sld [smem:$0x3FA4]  }
0x2b: {  	s6 =	sld [smem:$0x3FA5]  }
0x2c: {  	s7 =	sld [smem:$0x3FA6]  }
0x2d: {  	s3 =	simm.s32 $0x108;
	s8 =	sld [smem:$0x3FA7]  }
0x2e: {  	s3 =	simm.s32 @!p0 $0x1082;
	s9 =	sld [smem:$0x3FA8]  }
0x2f: {  	lr =	sadd.s32 s0, s3;
	s0 =	sld [smem:$0x3F9F]  }
0x30: {  	s3 =	sld [smem:$0x3FA2]  }
0x31: {  	[smem:$0x3FAB] =	sst s10  }
0x32: {  	s10 =	sld [smem:$0x3FA9];
	_ =	sdelay $0x3  }
0x33: {  	p0 =	seq.s32 s10, $0x1;
	s10 =	sld [smem:$0x3FAB];
	_ =	sdelay $0x3  }
0x34: {  	[smem:$0x3FAB] =	sst s10  }
0x35: {  	s10 =	sld [smem:$0x3FAA];
	_ =	sdelay $0x3  }
0x36: {  	p1 =	seq.s32 s10, $0x1;
	s10 =	sld [smem:$0x3FAB];
	_ =	sdelay $0x3  }
0x37: {  	[smem:$0x3FAB] =	sst s10  }
0x38: {  	s10 =	sld [smem:$0x3FAC]  }
0x39: {  	_ = 	snop;
	(pc) =	sbr.ind lr, $3  }
0x3a: {  	_ = 	snop  }
0x3b: {  	_ = 	snop  }
0x3c: {  	p2 =	seq.s32 s10, $0x1;
	s10 =	sld [smem:$0x3FAB]  }
0x3d: {  	_ =	shalt  }
0x3e: {  	_ =	shalt  }
0x3f: {  	_ =	shalt  }
0x40: {  	_ =	shalt  }
0x41: {  	_ =	shalt  }
0x42: {  	_ =	shalt  }
0x43: {  	_ =	shalt  }
0x44: {  	_ =	shalt  }
0x45: {  	_ =	shalt  }
0x46: {  	_ =	shalt  }
0x47: {  	_ =	shalt  }
0x48: {  	_ =	shalt  }
0x49: {  	_ =	shalt  }
0x4a: {  	_ =	shalt  }
0x4b: {  	_ =	shalt  }
0x4c: {  	_ =	shalt  }
0x4d: {  	_ =	shalt  }
0x4e: {  	_ =	shalt  }
0x4f: {  	_ =	shalt  }
0x50: {  	_ =	shalt  }
0x51: {  	_ =	shalt  }
0x52: {  	_ =	shalt  }
0x53: {  	_ =	shalt  }
0x54: {  	_ =	shalt  }
0x55: {  	_ =	shalt  }
0x56: {  	_ =	shalt  }
0x57: {  	_ =	shalt  }
0x58: {  	_ =	shalt  }
0x59: {  	_ =	shalt  }
0x5a: {  	_ =	shalt  }
0x5b: {  	_ =	shalt  }
0x5c: {  	_ =	shalt  }
0x5d: {  	_ =	shalt  }
0x5e: {  	_ =	shalt  }
0x5f: {  	_ =	shalt  }
0x60: {  	_ =	shalt  }
0x61: {  	_ =	shalt  }
0x62: {  	_ =	shalt  }
0x63: {  	_ =	shalt  }
0x64: {  	_ =	shalt  }
0x65: {  	_ =	shalt  }
0x66: {  	_ =	shalt  }
0x67: {  	_ =	shalt  }
0x68: {  	_ =	shalt  }
0x69: {  	_ =	shalt  }
0x6a: {  	_ =	shalt  }
0x6b: {  	_ =	shalt  }
0x6c: {  	_ =	shalt  }
0x6d: {  	_ =	shalt  }
0x6e: {  	_ =	shalt  }
0x6f: {  	_ =	shalt  }
0x70: {  	_ =	shalt  }
0x71: {  	_ =	shalt  }
0x72: {  	_ =	shalt  }
0x73: {  	_ =	shalt  }
0x74: {  	_ =	shalt  }
0x75: {  	_ =	shalt  }
0x76: {  	_ =	shalt  }
0x77: {  	_ =	shalt  }
0x78: {  	_ =	shalt  }
0x79: {  	_ =	shalt  }
0x7a: {  	_ =	shalt  }
0x7b: {  	_ =	shalt  }
0x7c: {  	_ =	shalt  }
0x7d: {  	_ =	shalt  }
0x7e: {  	_ =	shalt  }
0x7f: {  	_ =	shalt  }
0x80: {  	_ =	shalt  }
0x81: {  	_ =	shalt  }
0x82: {  	_ =	shalt  }
0x83: {  	_ =	shalt  }
0x84: {  	_ =	shalt  }
0x85: {  	_ =	shalt  }
0x86: {  	_ =	shalt  }
0x87: {  	_ =	shalt  }
.Lfunc_end0:
.L_simem_size_0:
called_computation_lowered:
.L_overlay_start_0:
0x88: {  	s2 =	sld [smem:$0x3FD9]  }
0x89: {  	s3 =	sld [smem:$0x3FFE];
	_ =	sdelay $0x1  }
0x8a: {  	s1 =	srdreg.scid  }
0x8b: {  	s0 =	sand.u32 $0x1, s1  }
0x8c: {  	s17 =	sshll.u32 s0, $0xA;
	s2 =	sadd.s32 s3, s2  }
0x8d: {  	s2 =	sadd.s32 s2, s17  }
0x8e: {  	[smem:$0x3FB7] =	sst s2  }
0x8f: {  	_ = 	snop  }
0x90: {  	s2 =	sld [smem:$0x3FC3]  }
0x91: {  	s18 =	sld [smem:$0x3FC2]  }
0x92: {  	s4 =	sld [smem:$0x3FD0];
	(tm) =	ssettm $0x1  }
0x93: {  	s5 =	sld [smem:$0x3FFB];
	_ =	sdelay $0x3  }
0x94: {  	_ =	strace s5  }
0x95: {  	s5 =	sld [smem:$0x3FFC];
	_ =	sdelay $0x3  }
0x96: {  	_ =	strace s5  }
0x97: {  	s5 =	sld [smem:$0x3FFD];
	_ =	sdelay $0x3  }
0x98: {  	_ =	strace s5  }
0x99: {  	_ =	strace $0x8FFFFFFF  }
0x9a: {  	s19 =	sld [smem:$0x3FDB];
	_ =	sdelay $0x1  }
0x9b: {  	s6 =	simm.s32 $_scs_section_size  }
0x9c: {  	s7 =	simm.s32 $_size__tile_overlayer_lowered;
	s8 =	simm.s32 $_tile_overlayer_lowered  }
0x9d: {  	s22 =	simm.s32 $0x1BFF;
	s21 =	sshll.u32 s8, $0x1;
	s5 =	sadd.s32 s6, s19  }
0x9e: {  	s9 =	simm.s32 $0x0;
	s20 =	sshll.u32 s7, $0x1;
	s7 =	sadd.s32 s21, s5  }
0x9f: {  	[timem:s9], [sflag:s22] =	dma.local [hbm:s7], s20  }
0xa0: {  	_ =	swait.ge [sflag:s22], s20  }
0xa1: {  	s6 =	ssub.s32 $0x0, s20;
	[sflag:s22] =	ssyncset.done $0x0  }
0xa2: {  	[sflag:s22] =	ssyncadd.s32 s6;
	_ =	sdelay $0x1  }
0xa3: {  	s23 =	simm.s32 $0x1B8B  }
0xa4: {  	_ =	swait.ge [sflag:s23], $0x1  }
0xa5: {  	[sflag:s23] =	ssyncset.done $0x0  }
0xa6: {  	s25 =	simm.s32 $0x1B8E;
	s24 =	sld [smem:$0x3FFE];
	[sflag:s23] =	ssyncadd.s32 $0xFFFFFFFF  }
0xa7: {  	s26 =	simm.s32 $execute0_lowered;
	[smem:$0x3FD2] =	sst s25  }
0xa8: {  	s7 =	sshll.u32 s26, $0x1;
	_ =	strace $0x80000046;
	[dreg:$0x1] =	wrdreg $0xFFFFFFFF  }
0xa9: {  	s28 =	simm.s32 $_size_execute0_lowered;
	s5 =	sadd.s32 s5, s7;
	[dreg:$0x0] =	wrdreg $0x0  }
0xaa: {  	s7 =	sshll.u32 s28, $0x1;
	[dreg:$0x2] =	wrdreg s5  }
0xab: {  	[dreg:$0x3] =	wrdreg s7  }
0xac: {  	[dreg:$0x4] =	wrdreg $0xC0  }
0xad: {  	_ =	task [dreg:s9], $0x5FFFF  }
0xae: {  	[dreg:$0x1] =	wrdreg $0xFFFFFFFF  }
0xaf: {  	[dreg:$0x0] =	wrdreg $0x60  }
0xb0: {  	[dreg:$0x2] =	wrdreg s24  }
0xb1: {  	[dreg:$0x3] =	wrdreg s2  }
0xb2: {  	[dreg:$0x4] =	wrdreg s18  }
0xb3: {  	[dreg:$0x5] =	wrdreg s4  }
0xb4: {  	[dreg:$0x6] =	wrdreg $0x9  }
0xb5: {  	_ =	task.clear_ibuf [dreg:s9], $0x7FFFF;
	_ =	strace $0x90000046  }
0xb6: {  	s29 =	simm.s32 $0x9;
	_ =	strace $0x80000048  }
0xb7: {  	_ =	swait.ge [sflag:s29], $0x1  }
0xb8: {  	[sflag:s29] =	ssyncadd.s32 $0xFFFFFFFF  }
0xb9: {  	_ =	strace $0x90000048  }
0xba: {  	_ =	sfence  }
0xbb: {  	s30 =	sld [smem:$0x0];
	_ =	sdelay $0x2  }
0xbc: {  	s31 =	sshll.u32 s1, $0xD;
	s1 =	sshrl.u32 s1, $0x2  }
0xbd: {  	s3 =	sand.u32 $0x4000, s31;
	s1 =	sadd.s32 s1, s30  }
0xbe: {  	s0 =	sor.u32 s3, s0;
	s1 =	sshll.u32 s1, $0x11  }
0xbf: {  	s0 =	sor.u32 s1, s0  }
0xc0: {  	s0 =	sadd.s32 $0x8F2B, s0  }
0xc1: {  	[sflag:s0] =	ssyncadd.remote.s32 $0x1  }
0xc2: {  	_ =	sfence.sel $0xFFFF  }
0xc3: {  	[dreg:$0x0] =	wrdreg $0xFFFFFFFF;
	(pc) =	sbr.abs _section_cstart, $3  }
0xc4: {  	[dreg:$0x1] =	wrdreg $0xFFFFFFFF  }
0xc5: {  	_ =	task.clear_ibuf [dreg:s9], $0x2FFFF;
	_ =	strace $0x9FFFFFFF  }
0xc6: {  	(tm) =	ssettm $0x7FFFFFFF  }
0xc7: {  	_ =	shalt  }
tec
execute0_lowered:
.L_overlay_start_1:
0x0: {  	(tag) =	ssettag $0x1  }
0x1: {  	s25 =	rddreg [dreg:$0x0]  }
0x2: {  	s3 =	rddreg [dreg:$0x1]  }
0x3: {  	s5 =	rddreg [dreg:$0x2]  }
0x4: {  	s1 =	srdreg.scid;
	s0 =	stileid.u32  }
0x5: {  	s24 =	rddreg [dreg:$0x3];
	s26 =	sand.u32 $0x1, s1;
	s4 =	sshll.u32 s0, $0x1  }
0x6: {  	s2 =	simm.s32 $0x0;
	s1 =	rddreg [dreg:$0x4];
	s28 =	sor.u32 s26, s4  }
0x7: {  	[smem:$0x7FF] =	sst s2;
	s6 =	sshll.u32 s28, $0x6  }
0x8: {  	_ =	strace $0x80000047;
	s4 =	sadd.s32 s3, s6;
	s3 =	simm.s32 $0x3  }
0x9: {  	[tilespmem:s2], [sflag:$0x3] =	stream.linear.gather [hbm4b:s4+s2], $0x200, $0x38;
	[tilespmem:$0x4400] =	vst v63  }
0xa: {  	_ =	swait.ge [sflag:s3], $0x200  }
0xb: {  	[sflag:s3] =	ssyncset.done $0x0  }
0xc: {  	s5 =	sadd.s32 s5, s6;
	s6 =	simm.s32 $0x2200;
	[sflag:s3] =	ssyncadd.s32 $0xFFFFFE00  }
0xd: {  	[tilespmem:s6], [sflag:$0x3] =	stream.linear.gather [hbm4b:s5+s2], $0x200, $0x38;
	[tilespmem:$0x4400] =	vst v63  }
0xe: {  	_ =	swait.ge [sflag:s3], $0x200  }
0xf: {  	s8 =	simm.s32 $0x80;
	[sflag:s3] =	ssyncset.done $0x0  }
0x10: {  	s9 =	simm.s32 $0x200;
	s7 =	sadd.s32 $0x2600, s25;
	[sflag:s3] =	ssyncadd.s32 $0xFFFFFE00  }
0x11: {  	[tilespmem:s9], [sflag:$0x1] =	stream.indirect.gather [hbm4b:s7+s8], $0x10, s2, s8, $0xb8;
	[tilespmem:$0x4400] =	vst v63  }
0x12: {  	s10 =	simm.s32 $0x2400  }
0x13: {  	[tilespmem:s10], [sflag:$0x2] =	stream.indirect.gather [hbm4b:s7+s8], $0x10, s6, s8, $0xb8;
	[tilespmem:$0x4400] =	vst v63  }
0x14: {  	s11 =	simm.s32 $0xA00  }
0x15: {  	[tilespmem:s11], [sflag:$0x1] =	stream.indirect.gather [hbm4b:s7+s8], $0x10, s8, s8, $0xb8;
	[tilespmem:$0x4400] =	vst v63  }
0x16: {  	s12 =	simm.s32 $0x2280;
	s13 =	simm.s32 $0x2C00  }
0x17: {  	[tilespmem:s13], [sflag:$0x2] =	stream.indirect.gather [hbm4b:s7+s8], $0x10, s12, s8, $0xb8;
	[tilespmem:$0x4400] =	vst v63  }
0x18: {  	s14 =	simm.s32 $0x100;
	s15 =	simm.s32 $0x1200  }
0x19: {  	[tilespmem:s15], [sflag:$0x1] =	stream.indirect.gather [hbm4b:s7+s8], $0x10, s14, s8, $0xb8;
	[tilespmem:$0x4400] =	vst v63  }
0x1a: {  	s16 =	simm.s32 $0x2300;
	s17 =	simm.s32 $0x3400  }
0x1b: {  	[tilespmem:s17], [sflag:$0x2] =	stream.indirect.gather [hbm4b:s7+s8], $0x10, s16, s8, $0xb8;
	[tilespmem:$0x4400] =	vst v63  }
0x1c: {  	s18 =	simm.s32 $0x180;
	s19 =	simm.s32 $0x1A00  }
0x1d: {  	[tilespmem:s19], [sflag:$0x1] =	stream.indirect.gather [hbm4b:s7+s8], $0x10, s18, s8, $0xb8;
	[tilespmem:$0x4400] =	vst v63  }
0x1e: {  	s20 =	simm.s32 $0x2380;
	s21 =	simm.s32 $0x3C00;
	s22 =	simm.s32 $0x1  }
0x1f: {  	[tilespmem:s21], [sflag:$0x2] =	stream.indirect.gather [hbm4b:s7+s8], $0x10, s20, s8, $0xb8;
	[tilespmem:$0x4400] =	vst v63  }
0x20: {  	_ =	swait.ge [sflag:s22], $0x800  }
0x21: {  	[sflag:s22] =	ssyncset.done $0x0  }
0x22: {  	s23 =	simm.s32 $0x2;
	[sflag:s22] =	ssyncadd.s32 $0xFFFFF800  }
0x23: {  	_ =	swait.ge [sflag:s23], $0x800  }
0x24: {  	[sflag:s23] =	ssyncset.done $0x0  }
0x25: {  	[sflag:s23] =	ssyncadd.s32 $0xFFFFF800  }
0x26: {  	_ =	swait.ge [sflag:s22], $0x800  }
0x27: {  	[sflag:s22] =	ssyncset.done $0x0  }
0x28: {  	[sflag:s22] =	ssyncadd.s32 $0xFFFFF800  }
0x29: {  	_ =	swait.ge [sflag:s23], $0x800  }
0x2a: {  	[sflag:s23] =	ssyncset.done $0x0  }
0x2b: {  	[sflag:s23] =	ssyncadd.s32 $0xFFFFF800  }
0x2c: {  	_ =	swait.ge [sflag:s22], $0x800  }
0x2d: {  	[sflag:s22] =	ssyncset.done $0x0  }
0x2e: {  	[sflag:s22] =	ssyncadd.s32 $0xFFFFF800  }
0x2f: {  	_ =	swait.ge [sflag:s23], $0x800  }
0x30: {  	[sflag:s23] =	ssyncset.done $0x0  }
0x31: {  	[sflag:s23] =	ssyncadd.s32 $0xFFFFF800  }
0x32: {  	_ =	swait.ge [sflag:s22], $0x800  }
0x33: {  	[sflag:s22] =	ssyncset.done $0x0  }
0x34: {  	s26 =	ssub.s32 $0x2, s26;
	[sflag:s22] =	ssyncadd.s32 $0xFFFFF800  }
0x35: {  	s29 =	sshrl.u32 s26, $0x1;
	_ =	swait.ge [sflag:s23], $0x800  }
0x36: {  	s28 =	sshll.u32 s28, $0xA;
	s26 =	ssub.s32 s26, s29;
	[sflag:s23] =	ssyncset.done $0x0  }
0x37: {  	s24 =	sadd.s32 s24, s28;
	s26 =	smax.u32 s26, $0x1;
	[sflag:s23] =	ssyncadd.s32 $0xFFFFF800  }
0x38: {  	[hbm4b:s24+s2] =	stream.linear.scatter [tilespmem:s9], [sflag:$0x3], $0x2000, $0x38;
	[tilespmem:$0x4400] =	vst v63  }
0x39: {  	p0 =	sne.s32 s26, $0x1;
	_ =	swait.ge [sflag:s3], $0x2000  }
.Ltmp0:
0x3a: {  	s25 =	sadd.s32 s28, s25;
	[sflag:s3] =	ssyncset.done $0x0;
	(pc) =	sbr.rel @!p0 .LBB2_2-.Ltmp0, $4  }
0x3b: {  	s25 =	sadd.s32 $0x33400, s25;
	[sflag:s3] =	ssyncadd.s32 $0xFFFFE000  }
0x3c: {  	[hbm4b:s25+s2] =	stream.linear.scatter [tilespmem:s10], [sflag:$0x3], $0x2000, $0x38;
	[tilespmem:$0x4400] =	vst v63  }
0x3d: {  	_ =	swait.ge [sflag:s3], $0x2000  }
0x3e: {  	s26 =	sadd.s32 $0xFFFFFFFF, s26;
	[sflag:s3] =	ssyncset.done $0x0  }
.LBB2_1:
0x3f: {  	p0 =	sne.s32 s26, $0x1;
	s26 =	sadd.s32 $0xFFFFFFFF, s26;
	[sflag:s3] =	ssyncadd.s32 $0xFFFFE000  }
0x40: {  	[tilespmem:s2], [sflag:$0x3] =	stream.linear.gather [hbm4b:s4+s2], $0x200, $0x38;
	[tilespmem:$0x4400] =	vst v63  }
0x41: {  	_ =	swait.ge [sflag:s3], $0x200  }
0x42: {  	[sflag:s3] =	ssyncset.done $0x0  }
0x43: {  	[sflag:s3] =	ssyncadd.s32 $0xFFFFFE00  }
0x44: {  	[tilespmem:s6], [sflag:$0x3] =	stream.linear.gather [hbm4b:s5+s2], $0x200, $0x38;
	[tilespmem:$0x4400] =	vst v63  }
0x45: {  	_ =	swait.ge [sflag:s3], $0x200  }
0x46: {  	[sflag:s3] =	ssyncset.done $0x0  }
0x47: {  	[sflag:s3] =	ssyncadd.s32 $0xFFFFFE00  }
0x48: {  	[tilespmem:s9], [sflag:$0x1] =	stream.indirect.gather [hbm4b:s7+s8], $0x10, s2, s8, $0xb8;
	[tilespmem:$0x4400] =	vst v63  }
0x49: {  	_ = 	snop  }
0x4a: {  	[tilespmem:s10], [sflag:$0x2] =	stream.indirect.gather [hbm4b:s7+s8], $0x10, s6, s8, $0xb8;
	[tilespmem:$0x4400] =	vst v63  }
0x4b: {  	_ = 	snop  }
0x4c: {  	[tilespmem:s11], [sflag:$0x1] =	stream.indirect.gather [hbm4b:s7+s8], $0x10, s8, s8, $0xb8;
	[tilespmem:$0x4400] =	vst v63  }
0x4d: {  	_ = 	snop  }
0x4e: {  	[tilespmem:s13], [sflag:$0x2] =	stream.indirect.gather [hbm4b:s7+s8], $0x10, s12, s8, $0xb8;
	[tilespmem:$0x4400] =	vst v63  }
0x4f: {  	_ = 	snop  }
0x50: {  	[tilespmem:s15], [sflag:$0x1] =	stream.indirect.gather [hbm4b:s7+s8], $0x10, s14, s8, $0xb8;
	[tilespmem:$0x4400] =	vst v63  }
0x51: {  	_ = 	snop  }
0x52: {  	[tilespmem:s17], [sflag:$0x2] =	stream.indirect.gather [hbm4b:s7+s8], $0x10, s16, s8, $0xb8;
	[tilespmem:$0x4400] =	vst v63  }
0x53: {  	_ = 	snop  }
0x54: {  	[tilespmem:s19], [sflag:$0x1] =	stream.indirect.gather [hbm4b:s7+s8], $0x10, s18, s8, $0xb8;
	[tilespmem:$0x4400] =	vst v63  }
0x55: {  	_ = 	snop  }
0x56: {  	[tilespmem:s21], [sflag:$0x2] =	stream.indirect.gather [hbm4b:s7+s8], $0x10, s20, s8, $0xb8;
	[tilespmem:$0x4400] =	vst v63  }
0x57: {  	_ =	swait.ge [sflag:s22], $0x800  }
0x58: {  	[sflag:s22] =	ssyncset.done $0x0  }
0x59: {  	[sflag:s22] =	ssyncadd.s32 $0xFFFFF800  }
0x5a: {  	_ =	swait.ge [sflag:s23], $0x800  }
0x5b: {  	[sflag:s23] =	ssyncset.done $0x0  }
0x5c: {  	[sflag:s23] =	ssyncadd.s32 $0xFFFFF800  }
0x5d: {  	_ =	swait.ge [sflag:s22], $0x800  }
0x5e: {  	[sflag:s22] =	ssyncset.done $0x0  }
0x5f: {  	[sflag:s22] =	ssyncadd.s32 $0xFFFFF800  }
0x60: {  	_ =	swait.ge [sflag:s23], $0x800  }
0x61: {  	[sflag:s23] =	ssyncset.done $0x0  }
0x62: {  	[sflag:s23] =	ssyncadd.s32 $0xFFFFF800  }
0x63: {  	_ =	swait.ge [sflag:s22], $0x800  }
0x64: {  	[sflag:s22] =	ssyncset.done $0x0  }
0x65: {  	[sflag:s22] =	ssyncadd.s32 $0xFFFFF800  }
0x66: {  	_ =	swait.ge [sflag:s23], $0x800  }
0x67: {  	[sflag:s23] =	ssyncset.done $0x0  }
0x68: {  	[sflag:s23] =	ssyncadd.s32 $0xFFFFF800  }
0x69: {  	_ =	swait.ge [sflag:s22], $0x800  }
0x6a: {  	[sflag:s22] =	ssyncset.done $0x0  }
0x6b: {  	[sflag:s22] =	ssyncadd.s32 $0xFFFFF800  }
0x6c: {  	_ =	swait.ge [sflag:s23], $0x800  }
0x6d: {  	[sflag:s23] =	ssyncset.done $0x0  }
0x6e: {  	[sflag:s23] =	ssyncadd.s32 $0xFFFFF800  }
0x6f: {  	[hbm4b:s24+s2] =	stream.linear.scatter [tilespmem:s9], [sflag:$0x3], $0x2000, $0x38;
	[tilespmem:$0x4400] =	vst v63  }
0x70: {  	_ =	swait.ge [sflag:s3], $0x2000  }
.Ltmp1:
0x71: {  	[sflag:s3] =	ssyncset.done $0x0;
	(pc) =	sbr.rel @p0 .LBB2_1-.Ltmp1, $4  }
0x72: {  	[sflag:s3] =	ssyncadd.s32 $0xFFFFE000  }
0x73: {  	[hbm4b:s25+s2] =	stream.linear.scatter [tilespmem:s10], [sflag:$0x3], $0x2000, $0x38;
	[tilespmem:$0x4400] =	vst v63  }
0x74: {  	_ =	swait.ge [sflag:s3], $0x2000  }
0x75: {  	[sflag:s3] =	ssyncset.done $0x0  }
.LBB2_2:
0x76: {  	[sflag:s3] =	ssyncadd.s32 $0xFFFFE000  }
0x77: {  	_ =	sfence.sel $0x180000  }
0x78: {  	[bflag:$0x0] =	sbarrier.arrive $0xFFFF  }
0x79: {  	p0 =	sne.s32 s0, $0x0;
	_ =	strace $0x90000047  }
0x7a: {  	s0 =	sadd.s32 @!p0 $0x100000, s1;
	[bflag:$0x2] =	sbarrier.arrive $0xFFFF  }
0x7b: {  	[sflag:s0] =	ssyncadd.tile.s32 @!p0 $0x1;
	_ =	shalt  }
.Lfunc_end2:
_tile_overlayer_lowered:
.L_overlay_start_2:
0x7c: {  	(tag) =	ssettag $0x2  }
0x7d: {  	s0 =	rddreg [dreg:$0x0];
	s2 =	stileid.u32  }
0x7e: {  	s1 =	rddreg [dreg:$0x1];
	p0 =	sne.s32 s2, $0x0  }
0x7f: {  	s3 =	rddreg [dreg:$0x2];
	[bflag:$0x3] =	sbarrier.arrive $0xFFFF;
	s2 =	simm.s32 @!p0 $0x1C03  }
0x80: {  	[timem:s3], [sflag:s2] =	dma.local @!p0 [hbm:s0], s1  }
0x81: {  	s0 =	simm.s32 @!p0 $0x3  }
0x82: {  	_ =	swait.ge @!p0 [sflag:s0], s1  }
0x83: {  	s1 =	ssub.s32 @!p0 $0x0, s1;
	[sflag:s0] =	ssyncset.done @!p0 $0x0  }
0x84: {  	[sflag:s0] =	ssyncadd.s32 @!p0 s1  }
0x85: {  	[bflag:$0x3] =	sbarrier.arrive $0xFFFF  }
0x86: {  	_ =	shalt  }

</sc_bundles>
